<compile_context>
chip_gen: v7x
topology: tpu7x:2x2x1
jax: 0.10.2.dev20260603
libtpu: 0.0.44.dev20260713+nightly
codegen_flags: <defaults>
</compile_context>

<pallas_src>
import functools

import jax
import jax.numpy as jnp
from jax import lax
from jax.experimental import pallas as pl
from jax.experimental.pallas import tpu as pltpu
from jax.experimental.pallas import tpu_sc as plsc

N = 10000
E = 320000
D = 128

NC = 2
NS = 16
B = 128

NB = 80
NBT = NC * NS * NB
CH = 8
NB0 = 120
NB1 = 2 * NB - NB0
EWK = NB * B
EP = NC * NS * EWK
NP = 10112
RPS = NP // NS

def _make_mesh():
    return plsc.VectorSubcoreMesh(
        core_axis_name="c", subcore_axis_name="s", num_cores=NC, num_subcores=NS
    )


def _k1_body(row3_hbm, deg_out, deg_sp, idx_all, ones_v, zero_v, sem):
    cid = lax.axis_index("c")
    sid = lax.axis_index("s")
    w = cid * NS + sid

    for i in range(B // 16):
        ones_v[pl.ds(i * 16, 16)] = jnp.full((16,), 1.0, jnp.float32)
    for i in range(RPS // 16):
        zero_v[pl.ds(i * 16, 16)] = jnp.zeros((16,), jnp.float32)
    pltpu.sync_copy(zero_v, deg_sp.at[pl.ds(sid * RPS, RPS)])
    pltpu.sync_copy(row3_hbm.at[pl.ds(w * NB, NB)], idx_all)
    plsc.subcore_barrier()

    def body(j, carry):
        pltpu.sync_copy(ones_v, deg_sp.at[idx_all.at[j]], add=True)
        return carry

    lax.fori_loop(0, NB, body, 0)
    plsc.subcore_barrier()
    pltpu.sync_copy(deg_sp.at[pl.ds(sid * RPS, RPS)], zero_v)
    pltpu.sync_copy(zero_v, deg_out.at[pl.ds(cid * NP + sid * RPS, RPS)])


@functools.cache
def _k1_deg():
    return pl.kernel(
        _k1_body,
        mesh=_make_mesh(),
        out_type=jax.ShapeDtypeStruct((NC * NP,), jnp.float32),
        scratch_types=[
            pltpu.VMEM_SHARED((NP,), jnp.float32),
            pltpu.VMEM((NB, B), jnp.int32),
            pltpu.VMEM((B,), jnp.float32),
            pltpu.VMEM((RPS,), jnp.float32),
            pltpu.SemaphoreType.DMA,
        ],
    )


def _k3_body(col3_hbm, row3_hbm, xs_hbm, h_out, h_sp, idx_c, idx_r, msg0, msg1, sg0, sg1):
    cid = lax.axis_index("c")
    sid = lax.axis_index("s")
    w = cid * NS + sid

    def zrow(r, carry):
        for i in range(D // 16):
            msg0[r, pl.ds(i * 16, 16)] = jnp.zeros((16,), jnp.float32)
        return carry

    lax.fori_loop(0, B, zrow, 0)
    r0 = sid * RPS
    rem = RPS % B
    for k in range(RPS // B):
        pltpu.sync_copy(msg0, h_sp.at[pl.ds(r0 + k * B, B), :])
    pltpu.sync_copy(
        msg0.at[pl.ds(0, rem), :], h_sp.at[pl.ds(r0 + (RPS // B) * B, rem), :]
    )
    plsc.subcore_barrier()

    bt0 = lax.select(cid == 0, sid * NB0, NS * NB0 + sid * NB1)
    nch = lax.select(cid == 0, NB0 // CH, NB1 // CH)

    def chunk(c, carry):
        pltpu.sync_copy(col3_hbm.at[pl.ds(bt0 + c * CH, CH)], idx_c)
        pltpu.sync_copy(row3_hbm.at[pl.ds(bt0 + c * CH, CH)], idx_r)
        bufs = (msg0, msg1)
        sems = (sg0, sg1)
        descs = [None] * CH
        descs[0] = pltpu.async_copy(xs_hbm.at[idx_c.at[0]], msg0, sg0)
        for j in range(CH):
            if j + 1 < CH:
                descs[j + 1] = pltpu.async_copy(
                    xs_hbm.at[idx_c.at[j + 1]], bufs[(j + 1) % 2], sems[(j + 1) % 2]
                )
            descs[j].wait()
            pltpu.sync_copy(bufs[j % 2], h_sp.at[idx_r.at[j]], add=True)
        return carry

    lax.fori_loop(0, nch, chunk, 0)
    plsc.subcore_barrier()
    for k in range(RPS // B):
        pltpu.sync_copy(h_sp.at[pl.ds(r0 + k * B, B), :], msg0)
        pltpu.sync_copy(msg0, h_out.at[cid, pl.ds(r0 + k * B, B), :])
    pltpu.sync_copy(
        h_sp.at[pl.ds(r0 + (RPS // B) * B, rem), :], msg0.at[pl.ds(0, rem), :]
    )
    pltpu.sync_copy(
        msg0.at[pl.ds(0, rem), :], h_out.at[cid, pl.ds(r0 + (RPS // B) * B, rem), :]
    )


@functools.cache
def _k3_spmm():
    return pl.kernel(
        _k3_body,
        mesh=_make_mesh(),
        out_type=jax.ShapeDtypeStruct((NC, NP, D), jnp.float32),
        scratch_types=[
            pltpu.VMEM_SHARED((NP, D), jnp.float32),
            pltpu.VMEM((CH, B), jnp.int32),
            pltpu.VMEM((CH, B), jnp.int32),
            pltpu.VMEM((B, D), jnp.float32),
            pltpu.VMEM((B, D), jnp.float32),
            pltpu.SemaphoreType.DMA,
            pltpu.SemaphoreType.DMA,
        ],
    )


R = 1000
GRID = N // R


def _k2_body(dp_ref, x_ref, xs_ref):
    d = dp_ref[0] + dp_ref[1] + 1.0
    dis = lax.rsqrt(d + 1e-12)
    xs_ref[...] = x_ref[...] * dis


def _k2_prescale(degp2, x):
    return pl.pallas_call(
        _k2_body,
        grid=(GRID,),
        in_specs=[
            pl.BlockSpec((NC, R, 1), lambda i: (0, i, 0)),
            pl.BlockSpec((R, D), lambda i: (i, 0)),
        ],
        out_specs=pl.BlockSpec((R, D), lambda i: (i, 0)),
        out_shape=jax.ShapeDtypeStruct((N, D), jnp.float32),
    )(degp2, x)


def _k4_body(ta_ref, tb_ref, xs_ref, dp_ref, x_ref, wt_ref, b_ref, g_ref, bt_ref, o_ref):
    d = dp_ref[0] + dp_ref[1] + 1.0
    dis = lax.rsqrt(d + 1e-12)
    h = (ta_ref[0] + tb_ref[0] + xs_ref[...]) * dis
    y = jnp.dot(h, wt_ref[...], preferred_element_type=jnp.float32) + b_ref[...]
    y = 0.5 * y * (1.0 + lax.erf(y * 0.7071067811865475))
    mu = jnp.mean(y, axis=-1, keepdims=True)
    yc = y - mu
    var = jnp.mean(yc * yc, axis=-1, keepdims=True)
    y = yc * lax.rsqrt(var + 1e-5) * g_ref[...] + bt_ref[...]
    o_ref[...] = y + x_ref[...]


def _k4_dense(hp, xs, degp2, x, wt, b, gamma, beta):
    return pl.pallas_call(
        _k4_body,
        grid=(GRID,),
        in_specs=[
            pl.BlockSpec((1, R, D), lambda i: (0, i, 0)),
            pl.BlockSpec((1, R, D), lambda i: (1, i, 0)),
            pl.BlockSpec((R, D), lambda i: (i, 0)),
            pl.BlockSpec((NC, R, 1), lambda i: (0, i, 0)),
            pl.BlockSpec((R, D), lambda i: (i, 0)),
            pl.BlockSpec((D, D), lambda i: (0, 0)),
            pl.BlockSpec((1, D), lambda i: (0, 0)),
            pl.BlockSpec((1, D), lambda i: (0, 0)),
            pl.BlockSpec((1, D), lambda i: (0, 0)),
        ],
        out_specs=pl.BlockSpec((R, D), lambda i: (i, 0)),
        out_shape=jax.ShapeDtypeStruct((N, D), jnp.float32),
    )(hp, hp, xs, degp2, x, wt, b, gamma, beta)


def kernel(x, edge_index, W, b, gamma, beta):
    row = edge_index[0]
    col = edge_index[1]
    pad = EP - E
    trash = N + (jnp.arange(pad, dtype=jnp.int32) % (NP - N))
    row3 = jnp.concatenate([row, trash]).reshape(NBT, B)
    col3 = jnp.concatenate([col, jnp.zeros((pad,), jnp.int32)]).reshape(NBT, B)

    degp = _k1_deg()(row3)
    degp2 = degp.reshape(NC, NP, 1)
    xs = _k2_prescale(degp2, x)
    hp = _k3_spmm()(col3, row3, xs)
    return _k4_dense(
        hp, xs, degp2, x, W.T, b.reshape(1, D), gamma.reshape(1, D), beta.reshape(1, D)
    )

# --- scband reference (transcript-rebuilt; emitter-appended) ---
"""Pipeline reference for scband-gcnlayer-59279138619813 (READ-ONLY COPY).

The authoritative reference and input builder live on the scoring server;
editing this copy changes nothing except your own understanding.
"""

import jax, jax.numpy as jnp
import numpy as np

N = 10000
E = 320000
D = 128


def setup_inputs(seed: int = 0) -> dict:
    key = jax.random.key(seed)
    k1, k2, k3 = jax.random.split(key, 3)
    x = jax.random.normal(k1, (N, D), dtype=jnp.float32)
    edge_index = jax.random.randint(k2, (2, E), 0, N, dtype=jnp.int32)
    # xavier_uniform for Linear weight (out_dim, in_dim)
    limit = float(np.sqrt(6.0 / (D + D)))
    W = jax.random.uniform(k3, (D, D), dtype=jnp.float32, minval=-limit, maxval=limit)
    b = jnp.zeros((D,), dtype=jnp.float32)
    gamma = jnp.ones((D,), dtype=jnp.float32)
    beta = jnp.zeros((D,), dtype=jnp.float32)
    return {"x": x, "edge_index": edge_index, "W": W, "b": b, "gamma": gamma, "beta": beta}


def reference(x, edge_index, W, b, gamma, beta):
    n = x.shape[0]
    row = edge_index[0]
    col = edge_index[1]
    # add self loops with weight 1.0
    diag = jnp.arange(n, dtype=edge_index.dtype)
    row = jnp.concatenate([row, diag], axis=0)
    col = jnp.concatenate([col, diag], axis=0)
    ew = jnp.ones((row.shape[0],), dtype=jnp.float32)
    # symmetric renormalization D^{-1/2}(A+I)D^{-1/2}
    deg = jax.ops.segment_sum(ew, row, num_segments=n)
    deg_inv_sqrt = jnp.power(deg + 1e-12, -0.5)
    norm_w = ew * deg_inv_sqrt[row] * deg_inv_sqrt[col]
    # spmm: gather source features, scale, scatter-add to dst
    msg = jnp.take(x, col, axis=0) * norm_w[:, None]
    h = jax.ops.segment_sum(msg, row, num_segments=n)
    # linear
    y = h @ W.T + b
    # exact GELU (torch nn.GELU default)
    y = jax.nn.gelu(y, approximate=False)
    # dropout is identity (p=0 / eval)
    # layernorm
    mu = jnp.mean(y, axis=-1, keepdims=True)
    var = jnp.var(y, axis=-1, keepdims=True)
    y = (y - mu) / jnp.sqrt(var + 1e-5) * gamma + beta
    # residual (in_dim == out_dim)
    return y + x

if __name__ == "__main__":
    import jax
    _d = setup_inputs()
    print(jax.jit(kernel)(*tuple(_d.values())))

</pallas_src>

<mosaic_0001>
#map = affine_map<(d0, d1) -> (0, 0)>
#map1 = affine_map<(d0, d1) -> (0)>
module attributes {stable_mosaic.version = 14 : i64} {
  func.func @_k1_body(%arg0: i32, %arg1: i32, %arg2: memref<2560x128xi32, #tpu.memory_space<hbm>>, %arg3: memref<20224xf32, #tpu.memory_space<hbm>>, %arg4: memref<10112xf32, #tpu.memory_space<vmem_shared>>, %arg5: memref<80x128xi32, #tpu.memory_space<vmem>>, %arg6: memref<128xf32, #tpu.memory_space<vmem>>, %arg7: memref<632xf32, #tpu.memory_space<vmem>>, %arg8: memref<!tpu.dma_semaphore, #tpu.memory_space<semaphore_mem>>) attributes {dimension_semantics = [#tpu.dimension_semantics<core_parallel>, #tpu.dimension_semantics<subcore_parallel>], iteration_bounds = array<i64: 2, 16>, scalar_prefetch = 0 : i64, scratch_operands = 5 : i64, tpu.core_type = #tpu.core_type<sc_vector_subcore>, window_params = [{transform_indices = #map}, {transform_indices = #map1}]} {
    %mul3A = arith.constant 16 : i32
    %mul3A_0 = arith.muli %arg0, %mul3A : i32
    %add3A = arith.addi %mul3A_0, %arg1 : i32
    %broadcast_in_dim3A = arith.constant 1.000000e+00 : f32
    %broadcast_in_dim3A_1 = vector.broadcast %broadcast_in_dim3A : f32 to vector<16xf32>
    %swap3A = arith.constant 0 : index
    %swap3A_2 = tpu.vector_load %arg6[%swap3A] {strides = array<i32>} : memref<128xf32, #tpu.memory_space<vmem>>, vector<16xf32>,
    %swap3A_3 = vector.shape_cast %swap3A_2 : vector<16xf32> to vector<16xf32>
    %swap3A_4 = vector.shape_cast %broadcast_in_dim3A_1 : vector<16xf32> to vector<16xf32>
    tpu.vector_store %arg6[%swap3A], %swap3A_4 {strides = array<i32>} : memref<128xf32, #tpu.memory_space<vmem>>, vector<16xf32>,
    %broadcast_in_dim3A_5 = arith.constant 1.000000e+00 : f32
    %broadcast_in_dim3A_6 = vector.broadcast %broadcast_in_dim3A_5 : f32 to vector<16xf32>
    %swap3A_7 = arith.constant 16 : index
    %swap3A_8 = tpu.vector_load %arg6[%swap3A_7] {strides = array<i32>} : memref<128xf32, #tpu.memory_space<vmem>>, vector<16xf32>,
    %swap3A_9 = vector.shape_cast %swap3A_8 : vector<16xf32> to vector<16xf32>
    %swap3A_10 = vector.shape_cast %broadcast_in_dim3A_6 : vector<16xf32> to vector<16xf32>
    tpu.vector_store %arg6[%swap3A_7], %swap3A_10 {strides = array<i32>} : memref<128xf32, #tpu.memory_space<vmem>>, vector<16xf32>,
    %broadcast_in_dim3A_11 = arith.constant 1.000000e+00 : f32
    %broadcast_in_dim3A_12 = vector.broadcast %broadcast_in_dim3A_11 : f32 to vector<16xf32>
    %swap3A_13 = arith.constant 32 : index
    %swap3A_14 = tpu.vector_load %arg6[%swap3A_13] {strides = array<i32>} : memref<128xf32, #tpu.memory_space<vmem>>, vector<16xf32>,
    %swap3A_15 = vector.shape_cast %swap3A_14 : vector<16xf32> to vector<16xf32>
    %swap3A_16 = vector.shape_cast %broadcast_in_dim3A_12 : vector<16xf32> to vector<16xf32>
    tpu.vector_store %arg6[%swap3A_13], %swap3A_16 {strides = array<i32>} : memref<128xf32, #tpu.memory_space<vmem>>, vector<16xf32>,
    %broadcast_in_dim3A_17 = arith.constant 1.000000e+00 : f32
    %broadcast_in_dim3A_18 = vector.broadcast %broadcast_in_dim3A_17 : f32 to vector<16xf32>
    %swap3A_19 = arith.constant 48 : index
    %swap3A_20 = tpu.vector_load %arg6[%swap3A_19] {strides = array<i32>} : memref<128xf32, #tpu.memory_space<vmem>>, vector<16xf32>,
    %swap3A_21 = vector.shape_cast %swap3A_20 : vector<16xf32> to vector<16xf32>
    %swap3A_22 = vector.shape_cast %broadcast_in_dim3A_18 : vector<16xf32> to vector<16xf32>
    tpu.vector_store %arg6[%swap3A_19], %swap3A_22 {strides = array<i32>} : memref<128xf32, #tpu.memory_space<vmem>>, vector<16xf32>,
    %broadcast_in_dim3A_23 = arith.constant 1.000000e+00 : f32
    %broadcast_in_dim3A_24 = vector.broadcast %broadcast_in_dim3A_23 : f32 to vector<16xf32>
    %swap3A_25 = arith.constant 64 : index
    %swap3A_26 = tpu.vector_load %arg6[%swap3A_25] {strides = array<i32>} : memref<128xf32, #tpu.memory_space<vmem>>, vector<16xf32>,
    %swap3A_27 = vector.shape_cast %swap3A_26 : vector<16xf32> to vector<16xf32>
    %swap3A_28 = vector.shape_cast %broadcast_in_dim3A_24 : vector<16xf32> to vector<16xf32>
    tpu.vector_store %arg6[%swap3A_25], %swap3A_28 {strides = array<i32>} : memref<128xf32, #tpu.memory_space<vmem>>, vector<16xf32>,
    %broadcast_in_dim3A_29 = arith.constant 1.000000e+00 : f32
    %broadcast_in_dim3A_30 = vector.broadcast %broadcast_in_dim3A_29 : f32 to vector<16xf32>
    %swap3A_31 = arith.constant 80 : index
    %swap3A_32 = tpu.vector_load %arg6[%swap3A_31] {strides = array<i32>} : memref<128xf32, #tpu.memory_space<vmem>>, vector<16xf32>,
    %swap3A_33 = vector.shape_cast %swap3A_32 : vector<16xf32> to vector<16xf32>
    %swap3A_34 = vector.shape_cast %broadcast_in_dim3A_30 : vector<16xf32> to vector<16xf32>
    tpu.vector_store %arg6[%swap3A_31], %swap3A_34 {strides = array<i32>} : memref<128xf32, #tpu.memory_space<vmem>>, vector<16xf32>,
    %broadcast_in_dim3A_35 = arith.constant 1.000000e+00 : f32
    %broadcast_in_dim3A_36 = vector.broadcast %broadcast_in_dim3A_35 : f32 to vector<16xf32>
    %swap3A_37 = arith.constant 96 : index
    %swap3A_38 = tpu.vector_load %arg6[%swap3A_37] {strides = array<i32>} : memref<128xf32, #tpu.memory_space<vmem>>, vector<16xf32>,
    %swap3A_39 = vector.shape_cast %swap3A_38 : vector<16xf32> to vector<16xf32>
    %swap3A_40 = vector.shape_cast %broadcast_in_dim3A_36 : vector<16xf32> to vector<16xf32>
    tpu.vector_store %arg6[%swap3A_37], %swap3A_40 {strides = array<i32>} : memref<128xf32, #tpu.memory_space<vmem>>, vector<16xf32>,
    %broadcast_in_dim3A_41 = arith.constant 1.000000e+00 : f32
    %broadcast_in_dim3A_42 = vector.broadcast %broadcast_in_dim3A_41 : f32 to vector<16xf32>
    %swap3A_43 = arith.constant 112 : index
    %swap3A_44 = tpu.vector_load %arg6[%swap3A_43] {strides = array<i32>} : memref<128xf32, #tpu.memory_space<vmem>>, vector<16xf32>,
    %swap3A_45 = vector.shape_cast %swap3A_44 : vector<16xf32> to vector<16xf32>
    %swap3A_46 = vector.shape_cast %broadcast_in_dim3A_42 : vector<16xf32> to vector<16xf32>
    tpu.vector_store %arg6[%swap3A_43], %swap3A_46 {strides = array<i32>} : memref<128xf32, #tpu.memory_space<vmem>>, vector<16xf32>,
    %broadcast_in_dim3A_47 = arith.constant 0.000000e+00 : f32
    %broadcast_in_dim3A_48 = vector.broadcast %broadcast_in_dim3A_47 : f32 to vector<16xf32>
    %swap3A_49 = arith.constant 0 : index
    %swap3A_50 = tpu.vector_load %arg7[%swap3A_49] {strides = array<i32>} : memref<632xf32, #tpu.memory_space<vmem>>, vector<16xf32>,
    %swap3A_51 = vector.shape_cast %swap3A_50 : vector<16xf32> to vector<16xf32>
    %swap3A_52 = vector.shape_cast %broadcast_in_dim3A_48 : vector<16xf32> to vector<16xf32>
    tpu.vector_store %arg7[%swap3A_49], %swap3A_52 {strides = array<i32>} : memref<632xf32, #tpu.memory_space<vmem>>, vector<16xf32>,
    %broadcast_in_dim3A_53 = arith.constant 0.000000e+00 : f32
    %broadcast_in_dim3A_54 = vector.broadcast %broadcast_in_dim3A_53 : f32 to vector<16xf32>
    %swap3A_55 = arith.constant 16 : index
    %swap3A_56 = tpu.vector_load %arg7[%swap3A_55] {strides = array<i32>} : memref<632xf32, #tpu.memory_space<vmem>>, vector<16xf32>,
    %swap3A_57 = vector.shape_cast %swap3A_56 : vector<16xf32> to vector<16xf32>
    %swap3A_58 = vector.shape_cast %broadcast_in_dim3A_54 : vector<16xf32> to vector<16xf32>
    tpu.vector_store %arg7[%swap3A_55], %swap3A_58 {strides = array<i32>} : memref<632xf32, #tpu.memory_space<vmem>>, vector<16xf32>,
    %broadcast_in_dim3A_59 = arith.constant 0.000000e+00 : f32
    %broadcast_in_dim3A_60 = vector.broadcast %broadcast_in_dim3A_59 : f32 to vector<16xf32>
    %swap3A_61 = arith.constant 32 : index
    %swap3A_62 = tpu.vector_load %arg7[%swap3A_61] {strides = array<i32>} : memref<632xf32, #tpu.memory_space<vmem>>, vector<16xf32>,
    %swap3A_63 = vector.shape_cast %swap3A_62 : vector<16xf32> to vector<16xf32>
    %swap3A_64 = vector.shape_cast %broadcast_in_dim3A_60 : vector<16xf32> to vector<16xf32>
    tpu.vector_store %arg7[%swap3A_61], %swap3A_64 {strides = array<i32>} : memref<632xf32, #tpu.memory_space<vmem>>, vector<16xf32>,
    %broadcast_in_dim3A_65 = arith.constant 0.000000e+00 : f32
    %broadcast_in_dim3A_66 = vector.broadcast %broadcast_in_dim3A_65 : f32 to vector<16xf32>
    %swap3A_67 = arith.constant 48 : index
    %swap3A_68 = tpu.vector_load %arg7[%swap3A_67] {strides = array<i32>} : memref<632xf32, #tpu.memory_space<vmem>>, vector<16xf32>,
    %swap3A_69 = vector.shape_cast %swap3A_68 : vector<16xf32> to vector<16xf32>
    %swap3A_70 = vector.shape_cast %broadcast_in_dim3A_66 : vector<16xf32> to vector<16xf32>
    tpu.vector_store %arg7[%swap3A_67], %swap3A_70 {strides = array<i32>} : memref<632xf32, #tpu.memory_space<vmem>>, vector<16xf32>,
    %broadcast_in_dim3A_71 = arith.constant 0.000000e+00 : f32
    %broadcast_in_dim3A_72 = vector.broadcast %broadcast_in_dim3A_71 : f32 to vector<16xf32>
    %swap3A_73 = arith.constant 64 : index
    %swap3A_74 = tpu.vector_load %arg7[%swap3A_73] {strides = array<i32>} : memref<632xf32, #tpu.memory_space<vmem>>, vector<16xf32>,
    %swap3A_75 = vector.shape_cast %swap3A_74 : vector<16xf32> to vector<16xf32>
    %swap3A_76 = vector.shape_cast %broadcast_in_dim3A_72 : vector<16xf32> to vector<16xf32>
    tpu.vector_store %arg7[%swap3A_73], %swap3A_76 {strides = array<i32>} : memref<632xf32, #tpu.memory_space<vmem>>, vector<16xf32>,
    %broadcast_in_dim3A_77 = arith.constant 0.000000e+00 : f32
    %broadcast_in_dim3A_78 = vector.broadcast %broadcast_in_dim3A_77 : f32 to vector<16xf32>
    %swap3A_79 = arith.constant 80 : index
    %swap3A_80 = tpu.vector_load %arg7[%swap3A_79] {strides = array<i32>} : memref<632xf32, #tpu.memory_space<vmem>>, vector<16xf32>,
    %swap3A_81 = vector.shape_cast %swap3A_80 : vector<16xf32> to vector<16xf32>
    %swap3A_82 = vector.shape_cast %broadcast_in_dim3A_78 : vector<16xf32> to vector<16xf32>
    tpu.vector_store %arg7[%swap3A_79], %swap3A_82 {strides = array<i32>} : memref<632xf32, #tpu.memory_space<vmem>>, vector<16xf32>,
    %broadcast_in_dim3A_83 = arith.constant 0.000000e+00 : f32
    %broadcast_in_dim3A_84 = vector.broadcast %broadcast_in_dim3A_83 : f32 to vector<16xf32>
    %swap3A_85 = arith.constant 96 : index
    %swap3A_86 = tpu.vector_load %arg7[%swap3A_85] {strides = array<i32>} : memref<632xf32, #tpu.memory_space<vmem>>, vector<16xf32>,
    %swap3A_87 = vector.shape_cast %swap3A_86 : vector<16xf32> to vector<16xf32>
    %swap3A_88 = vector.shape_cast %broadcast_in_dim3A_84 : vector<16xf32> to vector<16xf32>
    tpu.vector_store %arg7[%swap3A_85], %swap3A_88 {strides = array<i32>} : memref<632xf32, #tpu.memory_space<vmem>>, vector<16xf32>,
    %broadcast_in_dim3A_89 = arith.constant 0.000000e+00 : f32
    %broadcast_in_dim3A_90 = vector.broadcast %broadcast_in_dim3A_89 : f32 to vector<16xf32>
    %swap3A_91 = arith.constant 112 : index
    %swap3A_92 = tpu.vector_load %arg7[%swap3A_91] {strides = array<i32>} : memref<632xf32, #tpu.memory_space<vmem>>, vector<16xf32>,
    %swap3A_93 = vector.shape_cast %swap3A_92 : vector<16xf32> to vector<16xf32>
    %swap3A_94 = vector.shape_cast %broadcast_in_dim3A_90 : vector<16xf32> to vector<16xf32>
    tpu.vector_store %arg7[%swap3A_91], %swap3A_94 {strides = array<i32>} : memref<632xf32, #tpu.memory_space<vmem>>, vector<16xf32>,
    %broadcast_in_dim3A_95 = arith.constant 0.000000e+00 : f32
    %broadcast_in_dim3A_96 = vector.broadcast %broadcast_in_dim3A_95 : f32 to vector<16xf32>
    %swap3A_97 = arith.constant 128 : index
    %swap3A_98 = tpu.vector_load %arg7[%swap3A_97] {strides = array<i32>} : memref<632xf32, #tpu.memory_space<vmem>>, vector<16xf32>,
    %swap3A_99 = vector.shape_cast %swap3A_98 : vector<16xf32> to vector<16xf32>
    %swap3A_100 = vector.shape_cast %broadcast_in_dim3A_96 : vector<16xf32> to vector<16xf32>
    tpu.vector_store %arg7[%swap3A_97], %swap3A_100 {strides = array<i32>} : memref<632xf32, #tpu.memory_space<vmem>>, vector<16xf32>,
    %broadcast_in_dim3A_101 = arith.constant 0.000000e+00 : f32
    %broadcast_in_dim3A_102 = vector.broadcast %broadcast_in_dim3A_101 : f32 to vector<16xf32>
    %swap3A_103 = arith.constant 144 : index
    %swap3A_104 = tpu.vector_load %arg7[%swap3A_103] {strides = array<i32>} : memref<632xf32, #tpu.memory_space<vmem>>, vector<16xf32>,
    %swap3A_105 = vector.shape_cast %swap3A_104 : vector<16xf32> to vector<16xf32>
    %swap3A_106 = vector.shape_cast %broadcast_in_dim3A_102 : vector<16xf32> to vector<16xf32>
    tpu.vector_store %arg7[%swap3A_103], %swap3A_106 {strides = array<i32>} : memref<632xf32, #tpu.memory_space<vmem>>, vector<16xf32>,
    %broadcast_in_dim3A_107 = arith.constant 0.000000e+00 : f32
    %broadcast_in_dim3A_108 = vector.broadcast %broadcast_in_dim3A_107 : f32 to vector<16xf32>
    %swap3A_109 = arith.constant 160 : index
    %swap3A_110 = tpu.vector_load %arg7[%swap3A_109] {strides = array<i32>} : memref<632xf32, #tpu.memory_space<vmem>>, vector<16xf32>,
    %swap3A_111 = vector.shape_cast %swap3A_110 : vector<16xf32> to vector<16xf32>
    %swap3A_112 = vector.shape_cast %broadcast_in_dim3A_108 : vector<16xf32> to vector<16xf32>
    tpu.vector_store %arg7[%swap3A_109], %swap3A_112 {strides = array<i32>} : memref<632xf32, #tpu.memory_space<vmem>>, vector<16xf32>,
    %broadcast_in_dim3A_113 = arith.constant 0.000000e+00 : f32
    %broadcast_in_dim3A_114 = vector.broadcast %broadcast_in_dim3A_113 : f32 to vector<16xf32>
    %swap3A_115 = arith.constant 176 : index
    %swap3A_116 = tpu.vector_load %arg7[%swap3A_115] {strides = array<i32>} : memref<632xf32, #tpu.memory_space<vmem>>, vector<16xf32>,
    %swap3A_117 = vector.shape_cast %swap3A_116 : vector<16xf32> to vector<16xf32>
    %swap3A_118 = vector.shape_cast %broadcast_in_dim3A_114 : vector<16xf32> to vector<16xf32>
    tpu.vector_store %arg7[%swap3A_115], %swap3A_118 {strides = array<i32>} : memref<632xf32, #tpu.memory_space<vmem>>, vector<16xf32>,
    %broadcast_in_dim3A_119 = arith.constant 0.000000e+00 : f32
    %broadcast_in_dim3A_120 = vector.broadcast %broadcast_in_dim3A_119 : f32 to vector<16xf32>
    %swap3A_121 = arith.constant 192 : index
    %swap3A_122 = tpu.vector_load %arg7[%swap3A_121] {strides = array<i32>} : memref<632xf32, #tpu.memory_space<vmem>>, vector<16xf32>,
    %swap3A_123 = vector.shape_cast %swap3A_122 : vector<16xf32> to vector<16xf32>
    %swap3A_124 = vector.shape_cast %broadcast_in_dim3A_120 : vector<16xf32> to vector<16xf32>
    tpu.vector_store %arg7[%swap3A_121], %swap3A_124 {strides = array<i32>} : memref<632xf32, #tpu.memory_space<vmem>>, vector<16xf32>,
    %broadcast_in_dim3A_125 = arith.constant 0.000000e+00 : f32
    %broadcast_in_dim3A_126 = vector.broadcast %broadcast_in_dim3A_125 : f32 to vector<16xf32>
    %swap3A_127 = arith.constant 208 : index
    %swap3A_128 = tpu.vector_load %arg7[%swap3A_127] {strides = array<i32>} : memref<632xf32, #tpu.memory_space<vmem>>, vector<16xf32>,
    %swap3A_129 = vector.shape_cast %swap3A_128 : vector<16xf32> to vector<16xf32>
    %swap3A_130 = vector.shape_cast %broadcast_in_dim3A_126 : vector<16xf32> to vector<16xf32>
    tpu.vector_store %arg7[%swap3A_127], %swap3A_130 {strides = array<i32>} : memref<632xf32, #tpu.memory_space<vmem>>, vector<16xf32>,
    %broadcast_in_dim3A_131 = arith.constant 0.000000e+00 : f32
    %broadcast_in_dim3A_132 = vector.broadcast %broadcast_in_dim3A_131 : f32 to vector<16xf32>
    %swap3A_133 = arith.constant 224 : index
    %swap3A_134 = tpu.vector_load %arg7[%swap3A_133] {strides = array<i32>} : memref<632xf32, #tpu.memory_space<vmem>>, vector<16xf32>,
    %swap3A_135 = vector.shape_cast %swap3A_134 : vector<16xf32> to vector<16xf32>
    %swap3A_136 = vector.shape_cast %broadcast_in_dim3A_132 : vector<16xf32> to vector<16xf32>
    tpu.vector_store %arg7[%swap3A_133], %swap3A_136 {strides = array<i32>} : memref<632xf32, #tpu.memory_space<vmem>>, vector<16xf32>,
    %broadcast_in_dim3A_137 = arith.constant 0.000000e+00 : f32
    %broadcast_in_dim3A_138 = vector.broadcast %broadcast_in_dim3A_137 : f32 to vector<16xf32>
    %swap3A_139 = arith.constant 240 : index
    %swap3A_140 = tpu.vector_load %arg7[%swap3A_139] {strides = array<i32>} : memref<632xf32, #tpu.memory_space<vmem>>, vector<16xf32>,
    %swap3A_141 = vector.shape_cast %swap3A_140 : vector<16xf32> to vector<16xf32>
    %swap3A_142 = vector.shape_cast %broadcast_in_dim3A_138 : vector<16xf32> to vector<16xf32>
    tpu.vector_store %arg7[%swap3A_139], %swap3A_142 {strides = array<i32>} : memref<632xf32, #tpu.memory_space<vmem>>, vector<16xf32>,
    %broadcast_in_dim3A_143 = arith.constant 0.000000e+00 : f32
    %broadcast_in_dim3A_144 = vector.broadcast %broadcast_in_dim3A_143 : f32 to vector<16xf32>
    %swap3A_145 = arith.constant 256 : index
    %swap3A_146 = tpu.vector_load %arg7[%swap3A_145] {strides = array<i32>} : memref<632xf32, #tpu.memory_space<vmem>>, vector<16xf32>,
    %swap3A_147 = vector.shape_cast %swap3A_146 : vector<16xf32> to vector<16xf32>
    %swap3A_148 = vector.shape_cast %broadcast_in_dim3A_144 : vector<16xf32> to vector<16xf32>
    tpu.vector_store %arg7[%swap3A_145], %swap3A_148 {strides = array<i32>} : memref<632xf32, #tpu.memory_space<vmem>>, vector<16xf32>,
    %broadcast_in_dim3A_149 = arith.constant 0.000000e+00 : f32
    %broadcast_in_dim3A_150 = vector.broadcast %broadcast_in_dim3A_149 : f32 to vector<16xf32>
    %swap3A_151 = arith.constant 272 : index
    %swap3A_152 = tpu.vector_load %arg7[%swap3A_151] {strides = array<i32>} : memref<632xf32, #tpu.memory_space<vmem>>, vector<16xf32>,
    %swap3A_153 = vector.shape_cast %swap3A_152 : vector<16xf32> to vector<16xf32>
    %swap3A_154 = vector.shape_cast %broadcast_in_dim3A_150 : vector<16xf32> to vector<16xf32>
    tpu.vector_store %arg7[%swap3A_151], %swap3A_154 {strides = array<i32>} : memref<632xf32, #tpu.memory_space<vmem>>, vector<16xf32>,
    %broadcast_in_dim3A_155 = arith.constant 0.000000e+00 : f32
    %broadcast_in_dim3A_156 = vector.broadcast %broadcast_in_dim3A_155 : f32 to vector<16xf32>
    %swap3A_157 = arith.constant 288 : index
    %swap3A_158 = tpu.vector_load %arg7[%swap3A_157] {strides = array<i32>} : memref<632xf32, #tpu.memory_space<vmem>>, vector<16xf32>,
    %swap3A_159 = vector.shape_cast %swap3A_158 : vector<16xf32> to vector<16xf32>
    %swap3A_160 = vector.shape_cast %broadcast_in_dim3A_156 : vector<16xf32> to vector<16xf32>
    tpu.vector_store %arg7[%swap3A_157], %swap3A_160 {strides = array<i32>} : memref<632xf32, #tpu.memory_space<vmem>>, vector<16xf32>,
    %broadcast_in_dim3A_161 = arith.constant 0.000000e+00 : f32
    %broadcast_in_dim3A_162 = vector.broadcast %broadcast_in_dim3A_161 : f32 to vector<16xf32>
    %swap3A_163 = arith.constant 304 : index
    %swap3A_164 = tpu.vector_load %arg7[%swap3A_163] {strides = array<i32>} : memref<632xf32, #tpu.memory_space<vmem>>, vector<16xf32>,
    %swap3A_165 = vector.shape_cast %swap3A_164 : vector<16xf32> to vector<16xf32>
    %swap3A_166 = vector.shape_cast %broadcast_in_dim3A_162 : vector<16xf32> to vector<16xf32>
    tpu.vector_store %arg7[%swap3A_163], %swap3A_166 {strides = array<i32>} : memref<632xf32, #tpu.memory_space<vmem>>, vector<16xf32>,
    %broadcast_in_dim3A_167 = arith.constant 0.000000e+00 : f32
    %broadcast_in_dim3A_168 = vector.broadcast %broadcast_in_dim3A_167 : f32 to vector<16xf32>
    %swap3A_169 = arith.constant 320 : index
    %swap3A_170 = tpu.vector_load %arg7[%swap3A_169] {strides = array<i32>} : memref<632xf32, #tpu.memory_space<vmem>>, vector<16xf32>,
    %swap3A_171 = vector.shape_cast %swap3A_170 : vector<16xf32> to vector<16xf32>
    %swap3A_172 = vector.shape_cast %broadcast_in_dim3A_168 : vector<16xf32> to vector<16xf32>
    tpu.vector_store %arg7[%swap3A_169], %swap3A_172 {strides = array<i32>} : memref<632xf32, #tpu.memory_space<vmem>>, vector<16xf32>,
    %broadcast_in_dim3A_173 = arith.constant 0.000000e+00 : f32
    %broadcast_in_dim3A_174 = vector.broadcast %broadcast_in_dim3A_173 : f32 to vector<16xf32>
    %swap3A_175 = arith.constant 336 : index
    %swap3A_176 = tpu.vector_load %arg7[%swap3A_175] {strides = array<i32>} : memref<632xf32, #tpu.memory_space<vmem>>, vector<16xf32>,
    %swap3A_177 = vector.shape_cast %swap3A_176 : vector<16xf32> to vector<16xf32>
    %swap3A_178 = vector.shape_cast %broadcast_in_dim3A_174 : vector<16xf32> to vector<16xf32>
    tpu.vector_store %arg7[%swap3A_175], %swap3A_178 {strides = array<i32>} : memref<632xf32, #tpu.memory_space<vmem>>, vector<16xf32>,
    %broadcast_in_dim3A_179 = arith.constant 0.000000e+00 : f32
    %broadcast_in_dim3A_180 = vector.broadcast %broadcast_in_dim3A_179 : f32 to vector<16xf32>
    %swap3A_181 = arith.constant 352 : index
    %swap3A_182 = tpu.vector_load %arg7[%swap3A_181] {strides = array<i32>} : memref<632xf32, #tpu.memory_space<vmem>>, vector<16xf32>,
    %swap3A_183 = vector.shape_cast %swap3A_182 : vector<16xf32> to vector<16xf32>
    %swap3A_184 = vector.shape_cast %broadcast_in_dim3A_180 : vector<16xf32> to vector<16xf32>
    tpu.vector_store %arg7[%swap3A_181], %swap3A_184 {strides = array<i32>} : memref<632xf32, #tpu.memory_space<vmem>>, vector<16xf32>,
    %broadcast_in_dim3A_185 = arith.constant 0.000000e+00 : f32
    %broadcast_in_dim3A_186 = vector.broadcast %broadcast_in_dim3A_185 : f32 to vector<16xf32>
    %swap3A_187 = arith.constant 368 : index
    %swap3A_188 = tpu.vector_load %arg7[%swap3A_187] {strides = array<i32>} : memref<632xf32, #tpu.memory_space<vmem>>, vector<16xf32>,
    %swap3A_189 = vector.shape_cast %swap3A_188 : vector<16xf32> to vector<16xf32>
    %swap3A_190 = vector.shape_cast %broadcast_in_dim3A_186 : vector<16xf32> to vector<16xf32>
    tpu.vector_store %arg7[%swap3A_187], %swap3A_190 {strides = array<i32>} : memref<632xf32, #tpu.memory_space<vmem>>, vector<16xf32>,
    %broadcast_in_dim3A_191 = arith.constant 0.000000e+00 : f32
    %broadcast_in_dim3A_192 = vector.broadcast %broadcast_in_dim3A_191 : f32 to vector<16xf32>
    %swap3A_193 = arith.constant 384 : index
    %swap3A_194 = tpu.vector_load %arg7[%swap3A_193] {strides = array<i32>} : memref<632xf32, #tpu.memory_space<vmem>>, vector<16xf32>,
    %swap3A_195 = vector.shape_cast %swap3A_194 : vector<16xf32> to vector<16xf32>
    %swap3A_196 = vector.shape_cast %broadcast_in_dim3A_192 : vector<16xf32> to vector<16xf32>
    tpu.vector_store %arg7[%swap3A_193], %swap3A_196 {strides = array<i32>} : memref<632xf32, #tpu.memory_space<vmem>>, vector<16xf32>,
    %broadcast_in_dim3A_197 = arith.constant 0.000000e+00 : f32
    %broadcast_in_dim3A_198 = vector.broadcast %broadcast_in_dim3A_197 : f32 to vector<16xf32>
    %swap3A_199 = arith.constant 400 : index
    %swap3A_200 = tpu.vector_load %arg7[%swap3A_199] {strides = array<i32>} : memref<632xf32, #tpu.memory_space<vmem>>, vector<16xf32>,
    %swap3A_201 = vector.shape_cast %swap3A_200 : vector<16xf32> to vector<16xf32>
    %swap3A_202 = vector.shape_cast %broadcast_in_dim3A_198 : vector<16xf32> to vector<16xf32>
    tpu.vector_store %arg7[%swap3A_199], %swap3A_202 {strides = array<i32>} : memref<632xf32, #tpu.memory_space<vmem>>, vector<16xf32>,
    %broadcast_in_dim3A_203 = arith.constant 0.000000e+00 : f32
    %broadcast_in_dim3A_204 = vector.broadcast %broadcast_in_dim3A_203 : f32 to vector<16xf32>
    %swap3A_205 = arith.constant 416 : index
    %swap3A_206 = tpu.vector_load %arg7[%swap3A_205] {strides = array<i32>} : memref<632xf32, #tpu.memory_space<vmem>>, vector<16xf32>,
    %swap3A_207 = vector.shape_cast %swap3A_206 : vector<16xf32> to vector<16xf32>
    %swap3A_208 = vector.shape_cast %broadcast_in_dim3A_204 : vector<16xf32> to vector<16xf32>
    tpu.vector_store %arg7[%swap3A_205], %swap3A_208 {strides = array<i32>} : memref<632xf32, #tpu.memory_space<vmem>>, vector<16xf32>,
    %broadcast_in_dim3A_209 = arith.constant 0.000000e+00 : f32
    %broadcast_in_dim3A_210 = vector.broadcast %broadcast_in_dim3A_209 : f32 to vector<16xf32>
    %swap3A_211 = arith.constant 432 : index
    %swap3A_212 = tpu.vector_load %arg7[%swap3A_211] {strides = array<i32>} : memref<632xf32, #tpu.memory_space<vmem>>, vector<16xf32>,
    %swap3A_213 = vector.shape_cast %swap3A_212 : vector<16xf32> to vector<16xf32>
    %swap3A_214 = vector.shape_cast %broadcast_in_dim3A_210 : vector<16xf32> to vector<16xf32>
    tpu.vector_store %arg7[%swap3A_211], %swap3A_214 {strides = array<i32>} : memref<632xf32, #tpu.memory_space<vmem>>, vector<16xf32>,
    %broadcast_in_dim3A_215 = arith.constant 0.000000e+00 : f32
    %broadcast_in_dim3A_216 = vector.broadcast %broadcast_in_dim3A_215 : f32 to vector<16xf32>
    %swap3A_217 = arith.constant 448 : index
    %swap3A_218 = tpu.vector_load %arg7[%swap3A_217] {strides = array<i32>} : memref<632xf32, #tpu.memory_space<vmem>>, vector<16xf32>,
    %swap3A_219 = vector.shape_cast %swap3A_218 : vector<16xf32> to vector<16xf32>
    %swap3A_220 = vector.shape_cast %broadcast_in_dim3A_216 : vector<16xf32> to vector<16xf32>
    tpu.vector_store %arg7[%swap3A_217], %swap3A_220 {strides = array<i32>} : memref<632xf32, #tpu.memory_space<vmem>>, vector<16xf32>,
    %broadcast_in_dim3A_221 = arith.constant 0.000000e+00 : f32
    %broadcast_in_dim3A_222 = vector.broadcast %broadcast_in_dim3A_221 : f32 to vector<16xf32>
    %swap3A_223 = arith.constant 464 : index
    %swap3A_224 = tpu.vector_load %arg7[%swap3A_223] {strides = array<i32>} : memref<632xf32, #tpu.memory_space<vmem>>, vector<16xf32>,
    %swap3A_225 = vector.shape_cast %swap3A_224 : vector<16xf32> to vector<16xf32>
    %swap3A_226 = vector.shape_cast %broadcast_in_dim3A_222 : vector<16xf32> to vector<16xf32>
    tpu.vector_store %arg7[%swap3A_223], %swap3A_226 {strides = array<i32>} : memref<632xf32, #tpu.memory_space<vmem>>, vector<16xf32>,
    %broadcast_in_dim3A_227 = arith.constant 0.000000e+00 : f32
    %broadcast_in_dim3A_228 = vector.broadcast %broadcast_in_dim3A_227 : f32 to vector<16xf32>
    %swap3A_229 = arith.constant 480 : index
    %swap3A_230 = tpu.vector_load %arg7[%swap3A_229] {strides = array<i32>} : memref<632xf32, #tpu.memory_space<vmem>>, vector<16xf32>,
    %swap3A_231 = vector.shape_cast %swap3A_230 : vector<16xf32> to vector<16xf32>
    %swap3A_232 = vector.shape_cast %broadcast_in_dim3A_228 : vector<16xf32> to vector<16xf32>
    tpu.vector_store %arg7[%swap3A_229], %swap3A_232 {strides = array<i32>} : memref<632xf32, #tpu.memory_space<vmem>>, vector<16xf32>,
    %broadcast_in_dim3A_233 = arith.constant 0.000000e+00 : f32
    %broadcast_in_dim3A_234 = vector.broadcast %broadcast_in_dim3A_233 : f32 to vector<16xf32>
    %swap3A_235 = arith.constant 496 : index
    %swap3A_236 = tpu.vector_load %arg7[%swap3A_235] {strides = array<i32>} : memref<632xf32, #tpu.memory_space<vmem>>, vector<16xf32>,
    %swap3A_237 = vector.shape_cast %swap3A_236 : vector<16xf32> to vector<16xf32>
    %swap3A_238 = vector.shape_cast %broadcast_in_dim3A_234 : vector<16xf32> to vector<16xf32>
    tpu.vector_store %arg7[%swap3A_235], %swap3A_238 {strides = array<i32>} : memref<632xf32, #tpu.memory_space<vmem>>, vector<16xf32>,
    %broadcast_in_dim3A_239 = arith.constant 0.000000e+00 : f32
    %broadcast_in_dim3A_240 = vector.broadcast %broadcast_in_dim3A_239 : f32 to vector<16xf32>
    %swap3A_241 = arith.constant 512 : index
    %swap3A_242 = tpu.vector_load %arg7[%swap3A_241] {strides = array<i32>} : memref<632xf32, #tpu.memory_space<vmem>>, vector<16xf32>,
    %swap3A_243 = vector.shape_cast %swap3A_242 : vector<16xf32> to vector<16xf32>
    %swap3A_244 = vector.shape_cast %broadcast_in_dim3A_240 : vector<16xf32> to vector<16xf32>
    tpu.vector_store %arg7[%swap3A_241], %swap3A_244 {strides = array<i32>} : memref<632xf32, #tpu.memory_space<vmem>>, vector<16xf32>,
    %broadcast_in_dim3A_245 = arith.constant 0.000000e+00 : f32
    %broadcast_in_dim3A_246 = vector.broadcast %broadcast_in_dim3A_245 : f32 to vector<16xf32>
    %swap3A_247 = arith.constant 528 : index
    %swap3A_248 = tpu.vector_load %arg7[%swap3A_247] {strides = array<i32>} : memref<632xf32, #tpu.memory_space<vmem>>, vector<16xf32>,
    %swap3A_249 = vector.shape_cast %swap3A_248 : vector<16xf32> to vector<16xf32>
    %swap3A_250 = vector.shape_cast %broadcast_in_dim3A_246 : vector<16xf32> to vector<16xf32>
    tpu.vector_store %arg7[%swap3A_247], %swap3A_250 {strides = array<i32>} : memref<632xf32, #tpu.memory_space<vmem>>, vector<16xf32>,
    %broadcast_in_dim3A_251 = arith.constant 0.000000e+00 : f32
    %broadcast_in_dim3A_252 = vector.broadcast %broadcast_in_dim3A_251 : f32 to vector<16xf32>
    %swap3A_253 = arith.constant 544 : index
    %swap3A_254 = tpu.vector_load %arg7[%swap3A_253] {strides = array<i32>} : memref<632xf32, #tpu.memory_space<vmem>>, vector<16xf32>,
    %swap3A_255 = vector.shape_cast %swap3A_254 : vector<16xf32> to vector<16xf32>
    %swap3A_256 = vector.shape_cast %broadcast_in_dim3A_252 : vector<16xf32> to vector<16xf32>
    tpu.vector_store %arg7[%swap3A_253], %swap3A_256 {strides = array<i32>} : memref<632xf32, #tpu.memory_space<vmem>>, vector<16xf32>,
    %broadcast_in_dim3A_257 = arith.constant 0.000000e+00 : f32
    %broadcast_in_dim3A_258 = vector.broadcast %broadcast_in_dim3A_257 : f32 to vector<16xf32>
    %swap3A_259 = arith.constant 560 : index
    %swap3A_260 = tpu.vector_load %arg7[%swap3A_259] {strides = array<i32>} : memref<632xf32, #tpu.memory_space<vmem>>, vector<16xf32>,
    %swap3A_261 = vector.shape_cast %swap3A_260 : vector<16xf32> to vector<16xf32>
    %swap3A_262 = vector.shape_cast %broadcast_in_dim3A_258 : vector<16xf32> to vector<16xf32>
    tpu.vector_store %arg7[%swap3A_259], %swap3A_262 {strides = array<i32>} : memref<632xf32, #tpu.memory_space<vmem>>, vector<16xf32>,
    %broadcast_in_dim3A_263 = arith.constant 0.000000e+00 : f32
    %broadcast_in_dim3A_264 = vector.broadcast %broadcast_in_dim3A_263 : f32 to vector<16xf32>
    %swap3A_265 = arith.constant 576 : index
    %swap3A_266 = tpu.vector_load %arg7[%swap3A_265] {strides = array<i32>} : memref<632xf32, #tpu.memory_space<vmem>>, vector<16xf32>,
    %swap3A_267 = vector.shape_cast %swap3A_266 : vector<16xf32> to vector<16xf32>
    %swap3A_268 = vector.shape_cast %broadcast_in_dim3A_264 : vector<16xf32> to vector<16xf32>
    tpu.vector_store %arg7[%swap3A_265], %swap3A_268 {strides = array<i32>} : memref<632xf32, #tpu.memory_space<vmem>>, vector<16xf32>,
    %broadcast_in_dim3A_269 = arith.constant 0.000000e+00 : f32
    %broadcast_in_dim3A_270 = vector.broadcast %broadcast_in_dim3A_269 : f32 to vector<16xf32>
    %swap3A_271 = arith.constant 592 : index
    %swap3A_272 = tpu.vector_load %arg7[%swap3A_271] {strides = array<i32>} : memref<632xf32, #tpu.memory_space<vmem>>, vector<16xf32>,
    %swap3A_273 = vector.shape_cast %swap3A_272 : vector<16xf32> to vector<16xf32>
    %swap3A_274 = vector.shape_cast %broadcast_in_dim3A_270 : vector<16xf32> to vector<16xf32>
    tpu.vector_store %arg7[%swap3A_271], %swap3A_274 {strides = array<i32>} : memref<632xf32, #tpu.memory_space<vmem>>, vector<16xf32>,
    %broadcast_in_dim3A_275 = arith.constant 0.000000e+00 : f32
    %broadcast_in_dim3A_276 = vector.broadcast %broadcast_in_dim3A_275 : f32 to vector<16xf32>
    %swap3A_277 = arith.constant 608 : index
    %swap3A_278 = tpu.vector_load %arg7[%swap3A_277] {strides = array<i32>} : memref<632xf32, #tpu.memory_space<vmem>>, vector<16xf32>,
    %swap3A_279 = vector.shape_cast %swap3A_278 : vector<16xf32> to vector<16xf32>
    %swap3A_280 = vector.shape_cast %broadcast_in_dim3A_276 : vector<16xf32> to vector<16xf32>
    tpu.vector_store %arg7[%swap3A_277], %swap3A_280 {strides = array<i32>} : memref<632xf32, #tpu.memory_space<vmem>>, vector<16xf32>,
    %mul3A_281 = arith.constant 632 : i32
    %mul3A_282 = arith.muli %arg1, %mul3A_281 : i32
    "tpu.region"() ({
      %run_scoped3A = tpu.sem_alloc : memref<!tpu.dma_semaphore, #tpu.memory_space<semaphore_mem>>
      %dma_start3A = tpu.memref_slice %arg4[%mul3A_282] : memref<10112xf32, #tpu.memory_space<vmem_shared>> -> memref<632xf32, #tpu.memory_space<vmem_shared>>
      %dma_start3A_298 = tpu.memref_slice %arg4[%mul3A_282] : memref<10112xf32, #tpu.memory_space<vmem_shared>> -> memref<632xf32, #tpu.memory_space<vmem_shared>>
      tpu.enqueue_dma source(%arg7 : memref<632xf32, #tpu.memory_space<vmem>>) target(%dma_start3A_298 : memref<632xf32, #tpu.memory_space<vmem_shared>>) target_semaphore(%run_scoped3A : memref<!tpu.dma_semaphore, #tpu.memory_space<semaphore_mem>>)
      %dma_wait3A = tpu.memref_slice %arg4[%mul3A_282] : memref<10112xf32, #tpu.memory_space<vmem_shared>> -> memref<632xf32, #tpu.memory_space<vmem_shared>>
      %dma_wait3A_299 = tpu.memref_slice %arg4[%mul3A_282] : memref<10112xf32, #tpu.memory_space<vmem_shared>> -> memref<632xf32, #tpu.memory_space<vmem_shared>>
      tpu.wait_dma2 semaphore(%run_scoped3A : memref<!tpu.dma_semaphore, #tpu.memory_space<semaphore_mem>>) src(%arg7 : memref<632xf32, #tpu.memory_space<vmem>>) dst(%dma_wait3A_299 : memref<632xf32, #tpu.memory_space<vmem_shared>>)
      tpu.yield
    }) : () -> ()
    %mul3A_283 = arith.constant 80 : i32
    %mul3A_284 = arith.muli %add3A, %mul3A_283 : i32
    "tpu.region"() ({
      %run_scoped3A = tpu.sem_alloc : memref<!tpu.dma_semaphore, #tpu.memory_space<semaphore_mem>>
      %dma_start3A = arith.constant 0 : i32
      %dma_start3A_298 = tpu.memref_slice %arg2[%mul3A_284, %dma_start3A] : memref<2560x128xi32, #tpu.memory_space<hbm>> -> memref<80x128xi32, #tpu.memory_space<hbm>>
      %dma_start3A_299 = arith.constant 0 : i32
      %dma_start3A_300 = tpu.memref_slice %arg2[%mul3A_284, %dma_start3A_299] : memref<2560x128xi32, #tpu.memory_space<hbm>> -> memref<80x128xi32, #tpu.memory_space<hbm>>
      tpu.enqueue_dma source(%dma_start3A_300 : memref<80x128xi32, #tpu.memory_space<hbm>>) target(%arg5 : memref<80x128xi32, #tpu.memory_space<vmem>>) target_semaphore(%run_scoped3A : memref<!tpu.dma_semaphore, #tpu.memory_space<semaphore_mem>>)
      %dma_wait3A = arith.constant 0 : i32
      %dma_wait3A_301 = tpu.memref_slice %arg2[%mul3A_284, %dma_wait3A] : memref<2560x128xi32, #tpu.memory_space<hbm>> -> memref<80x128xi32, #tpu.memory_space<hbm>>
      %dma_wait3A_302 = arith.constant 0 : i32
      %dma_wait3A_303 = tpu.memref_slice %arg2[%mul3A_284, %dma_wait3A_302] : memref<2560x128xi32, #tpu.memory_space<hbm>> -> memref<80x128xi32, #tpu.memory_space<hbm>>
      tpu.wait_dma2 semaphore(%run_scoped3A : memref<!tpu.dma_semaphore, #tpu.memory_space<semaphore_mem>>) src(%dma_wait3A_303 : memref<80x128xi32, #tpu.memory_space<hbm>>) dst(%arg5 : memref<80x128xi32, #tpu.memory_space<vmem>>)
      tpu.yield
    }) : () -> ()
    %barrier3A = arith.constant 0 : index
    tpu.barrier barrier_id(%barrier3A)
    %scan3A = arith.constant 0 : i32
    %scan3A_285 = arith.constant 0 : i32
    %scan3A_286 = arith.constant 80 : i32
    %scan3A_287 = arith.addi %scan3A_285, %scan3A_286 : i32
    %scan3A_288 = arith.constant 1 : i32
    scf.for %scan3A_298 = %scan3A_285 to %scan3A_287 step %scan3A_288  : i32 {
      "tpu.region"() ({
        %run_scoped3A = tpu.sem_alloc : memref<!tpu.dma_semaphore, #tpu.memory_space<semaphore_mem>>
        %dma_start3A = arith.constant 0 : i32
        %dma_start3A_299 = tpu.memref_slice %arg5[%scan3A_298, %dma_start3A] : memref<80x128xi32, #tpu.memory_space<vmem>> -> memref<1x128xi32, #tpu.memory_space<vmem>>
        %dma_start3A_300 = tpu.memref_squeeze %dma_start3A_299 : memref<1x128xi32, #tpu.memory_space<vmem>> -> memref<128xi32, #tpu.memory_space<vmem>>
        %dma_start3A_301 = arith.constant 0 : i32
        %dma_start3A_302 = tpu.memref_slice %arg4[%dma_start3A_301] : memref<10112xf32, #tpu.memory_space<vmem_shared>> -> memref<10112xf32, #tpu.memory_space<vmem_shared>>
        tpu.enqueue_indirect_dma source(%arg6 : memref<128xf32, #tpu.memory_space<vmem>>) target(%dma_start3A_302 : memref<10112xf32, #tpu.memory_space<vmem_shared>>) offsets(%dma_start3A_300 : memref<128xi32, #tpu.memory_space<vmem>>) semaphore(%run_scoped3A : memref<!tpu.dma_semaphore, #tpu.memory_space<semaphore_mem>>) {add = true}
        %dma_wait3A = arith.constant 0 : i32
        %dma_wait3A_303 = tpu.memref_slice %arg5[%scan3A_298, %dma_wait3A] : memref<80x128xi32, #tpu.memory_space<vmem>> -> memref<1x128xi32, #tpu.memory_space<vmem>>
        %dma_wait3A_304 = tpu.memref_squeeze %dma_wait3A_303 : memref<1x128xi32, #tpu.memory_space<vmem>> -> memref<128xi32, #tpu.memory_space<vmem>>
        %dma_wait3A_305 = arith.constant 0 : i32
        %dma_wait3A_306 = tpu.memref_slice %arg4[%dma_wait3A_305] : memref<10112xf32, #tpu.memory_space<vmem_shared>> -> memref<10112xf32, #tpu.memory_space<vmem_shared>>
        tpu.wait_indirect_dma semaphore(%run_scoped3A : memref<!tpu.dma_semaphore, #tpu.memory_space<semaphore_mem>>) src(%arg6 : memref<128xf32, #tpu.memory_space<vmem>>) dst(%dma_wait3A_306 : memref<10112xf32, #tpu.memory_space<vmem_shared>>)
        tpu.yield
      }) : () -> ()
    }
    %scan3A_289 = arith.constant 80 : i32
    %barrier3A_290 = arith.constant 0 : index
    tpu.barrier barrier_id(%barrier3A_290)
    %mul3A_291 = arith.constant 632 : i32
    %mul3A_292 = arith.muli %arg1, %mul3A_291 : i32
    "tpu.region"() ({
      %run_scoped3A = tpu.sem_alloc : memref<!tpu.dma_semaphore, #tpu.memory_space<semaphore_mem>>
      %dma_start3A = tpu.memref_slice %arg4[%mul3A_292] : memref<10112xf32, #tpu.memory_space<vmem_shared>> -> memref<632xf32, #tpu.memory_space<vmem_shared>>
      %dma_start3A_298 = tpu.memref_slice %arg4[%mul3A_292] : memref<10112xf32, #tpu.memory_space<vmem_shared>> -> memref<632xf32, #tpu.memory_space<vmem_shared>>
      tpu.enqueue_dma source(%dma_start3A_298 : memref<632xf32, #tpu.memory_space<vmem_shared>>) target(%arg7 : memref<632xf32, #tpu.memory_space<vmem>>) target_semaphore(%run_scoped3A : memref<!tpu.dma_semaphore, #tpu.memory_space<semaphore_mem>>)
      %dma_wait3A = tpu.memref_slice %arg4[%mul3A_292] : memref<10112xf32, #tpu.memory_space<vmem_shared>> -> memref<632xf32, #tpu.memory_space<vmem_shared>>
      %dma_wait3A_299 = tpu.memref_slice %arg4[%mul3A_292] : memref<10112xf32, #tpu.memory_space<vmem_shared>> -> memref<632xf32, #tpu.memory_space<vmem_shared>>
      tpu.wait_dma2 semaphore(%run_scoped3A : memref<!tpu.dma_semaphore, #tpu.memory_space<semaphore_mem>>) src(%dma_wait3A_299 : memref<632xf32, #tpu.memory_space<vmem_shared>>) dst(%arg7 : memref<632xf32, #tpu.memory_space<vmem>>)
      tpu.yield
    }) : () -> ()
    %mul3A_293 = arith.constant 10112 : i32
    %mul3A_294 = arith.muli %arg0, %mul3A_293 : i32
    %mul3A_295 = arith.constant 632 : i32
    %mul3A_296 = arith.muli %arg1, %mul3A_295 : i32
    %add3A_297 = arith.addi %mul3A_294, %mul3A_296 : i32
    "tpu.region"() ({
      %run_scoped3A = tpu.sem_alloc : memref<!tpu.dma_semaphore, #tpu.memory_space<semaphore_mem>>
      %dma_start3A = tpu.memref_slice %arg3[%add3A_297] : memref<20224xf32, #tpu.memory_space<hbm>> -> memref<632xf32, #tpu.memory_space<hbm>>
      %dma_start3A_298 = tpu.memref_slice %arg3[%add3A_297] : memref<20224xf32, #tpu.memory_space<hbm>> -> memref<632xf32, #tpu.memory_space<hbm>>
      tpu.enqueue_dma source(%arg7 : memref<632xf32, #tpu.memory_space<vmem>>) target(%dma_start3A_298 : memref<632xf32, #tpu.memory_space<hbm>>) target_semaphore(%run_scoped3A : memref<!tpu.dma_semaphore, #tpu.memory_space<semaphore_mem>>)
      %dma_wait3A = tpu.memref_slice %arg3[%add3A_297] : memref<20224xf32, #tpu.memory_space<hbm>> -> memref<632xf32, #tpu.memory_space<hbm>>
      %dma_wait3A_299 = tpu.memref_slice %arg3[%add3A_297] : memref<20224xf32, #tpu.memory_space<hbm>> -> memref<632xf32, #tpu.memory_space<hbm>>
      tpu.wait_dma2 semaphore(%run_scoped3A : memref<!tpu.dma_semaphore, #tpu.memory_space<semaphore_mem>>) src(%arg7 : memref<632xf32, #tpu.memory_space<vmem>>) dst(%dma_wait3A_299 : memref<632xf32, #tpu.memory_space<hbm>>)
      tpu.yield
    }) : () -> ()
    return
  }
}

#map = affine_map<(d0, d1) -> (0, 0)>
#map1 = affine_map<(d0, d1) -> (0, 0, 0)>
module attributes {stable_mosaic.version = 14 : i64} {
  func.func @_k3_body(%arg0: i32, %arg1: i32, %arg2: memref<2560x128xi32, #tpu.memory_space<hbm>>, %arg3: memref<2560x128xi32, #tpu.memory_space<hbm>>, %arg4: memref<10000x128xf32, #tpu.memory_space<hbm>>, %arg5: memref<2x10112x128xf32, #tpu.memory_space<hbm>>, %arg6: memref<10112x128xf32, #tpu.memory_space<vmem_shared>>, %arg7: memref<8x128xi32, #tpu.memory_space<vmem>>, %arg8: memref<8x128xi32, #tpu.memory_space<vmem>>, %arg9: memref<128x128xf32, #tpu.memory_space<vmem>>, %arg10: memref<128x128xf32, #tpu.memory_space<vmem>>, %arg11: memref<!tpu.dma_semaphore, #tpu.memory_space<semaphore_mem>>, %arg12: memref<!tpu.dma_semaphore, #tpu.memory_space<semaphore_mem>>) attributes {dimension_semantics = [#tpu.dimension_semantics<core_parallel>, #tpu.dimension_semantics<subcore_parallel>], iteration_bounds = array<i64: 2, 16>, scalar_prefetch = 0 : i64, scratch_operands = 7 : i64, tpu.core_type = #tpu.core_type<sc_vector_subcore>, window_params = [{transform_indices = #map}, {transform_indices = #map}, {transform_indices = #map}, {transform_indices = #map1}]} {
    %mul3A = arith.constant 16 : i32
    %mul3A_0 = arith.muli %arg0, %mul3A : i32
    %add3A = arith.addi %mul3A_0, %arg1 : i32
    %scan3A = arith.constant 0 : i32
    %scan3A_1 = arith.constant 0 : i32
    %scan3A_2 = arith.constant 128 : i32
    %scan3A_3 = arith.addi %scan3A_1, %scan3A_2 : i32
    %scan3A_4 = arith.constant 1 : i32
    scf.for %scan3A_60 = %scan3A_1 to %scan3A_3 step %scan3A_4  : i32 {
      %broadcast_in_dim3A = arith.constant 0.000000e+00 : f32
      %broadcast_in_dim3A_61 = vector.broadcast %broadcast_in_dim3A : f32 to vector<16xf32>
      %swap3A = arith.index_cast %scan3A_60 : i32 to index
      %swap3A_62 = arith.constant 0 : index
      %swap3A_63 = tpu.vector_load %arg9[%swap3A, %swap3A_62] {strides = array<i32>} : memref<128x128xf32, #tpu.memory_space<vmem>>, vector<1x16xf32>,
      %swap3A_64 = vector.shape_cast %swap3A_63 : vector<1x16xf32> to vector<16xf32>
      %swap3A_65 = vector.shape_cast %broadcast_in_dim3A_61 : vector<16xf32> to vector<1x16xf32>
      tpu.vector_store %arg9[%swap3A, %swap3A_62], %swap3A_65 {strides = array<i32>} : memref<128x128xf32, #tpu.memory_space<vmem>>, vector<1x16xf32>,
      %broadcast_in_dim3A_66 = arith.constant 0.000000e+00 : f32
      %broadcast_in_dim3A_67 = vector.broadcast %broadcast_in_dim3A_66 : f32 to vector<16xf32>
      %swap3A_68 = arith.index_cast %scan3A_60 : i32 to index
      %swap3A_69 = arith.constant 16 : index
      %swap3A_70 = tpu.vector_load %arg9[%swap3A_68, %swap3A_69] {strides = array<i32>} : memref<128x128xf32, #tpu.memory_space<vmem>>, vector<1x16xf32>,
      %swap3A_71 = vector.shape_cast %swap3A_70 : vector<1x16xf32> to vector<16xf32>
      %swap3A_72 = vector.shape_cast %broadcast_in_dim3A_67 : vector<16xf32> to vector<1x16xf32>
      tpu.vector_store %arg9[%swap3A_68, %swap3A_69], %swap3A_72 {strides = array<i32>} : memref<128x128xf32, #tpu.memory_space<vmem>>, vector<1x16xf32>,
      %broadcast_in_dim3A_73 = arith.constant 0.000000e+00 : f32
      %broadcast_in_dim3A_74 = vector.broadcast %broadcast_in_dim3A_73 : f32 to vector<16xf32>
      %swap3A_75 = arith.index_cast %scan3A_60 : i32 to index
      %swap3A_76 = arith.constant 32 : index
      %swap3A_77 = tpu.vector_load %arg9[%swap3A_75, %swap3A_76] {strides = array<i32>} : memref<128x128xf32, #tpu.memory_space<vmem>>, vector<1x16xf32>,
      %swap3A_78 = vector.shape_cast %swap3A_77 : vector<1x16xf32> to vector<16xf32>
      %swap3A_79 = vector.shape_cast %broadcast_in_dim3A_74 : vector<16xf32> to vector<1x16xf32>
      tpu.vector_store %arg9[%swap3A_75, %swap3A_76], %swap3A_79 {strides = array<i32>} : memref<128x128xf32, #tpu.memory_space<vmem>>, vector<1x16xf32>,
      %broadcast_in_dim3A_80 = arith.constant 0.000000e+00 : f32
      %broadcast_in_dim3A_81 = vector.broadcast %broadcast_in_dim3A_80 : f32 to vector<16xf32>
      %swap3A_82 = arith.index_cast %scan3A_60 : i32 to index
      %swap3A_83 = arith.constant 48 : index
      %swap3A_84 = tpu.vector_load %arg9[%swap3A_82, %swap3A_83] {strides = array<i32>} : memref<128x128xf32, #tpu.memory_space<vmem>>, vector<1x16xf32>,
      %swap3A_85 = vector.shape_cast %swap3A_84 : vector<1x16xf32> to vector<16xf32>
      %swap3A_86 = vector.shape_cast %broadcast_in_dim3A_81 : vector<16xf32> to vector<1x16xf32>
      tpu.vector_store %arg9[%swap3A_82, %swap3A_83], %swap3A_86 {strides = array<i32>} : memref<128x128xf32, #tpu.memory_space<vmem>>, vector<1x16xf32>,
      %broadcast_in_dim3A_87 = arith.constant 0.000000e+00 : f32
      %broadcast_in_dim3A_88 = vector.broadcast %broadcast_in_dim3A_87 : f32 to vector<16xf32>
      %swap3A_89 = arith.index_cast %scan3A_60 : i32 to index
      %swap3A_90 = arith.constant 64 : index
      %swap3A_91 = tpu.vector_load %arg9[%swap3A_89, %swap3A_90] {strides = array<i32>} : memref<128x128xf32, #tpu.memory_space<vmem>>, vector<1x16xf32>,
      %swap3A_92 = vector.shape_cast %swap3A_91 : vector<1x16xf32> to vector<16xf32>
      %swap3A_93 = vector.shape_cast %broadcast_in_dim3A_88 : vector<16xf32> to vector<1x16xf32>
      tpu.vector_store %arg9[%swap3A_89, %swap3A_90], %swap3A_93 {strides = array<i32>} : memref<128x128xf32, #tpu.memory_space<vmem>>, vector<1x16xf32>,
      %broadcast_in_dim3A_94 = arith.constant 0.000000e+00 : f32
      %broadcast_in_dim3A_95 = vector.broadcast %broadcast_in_dim3A_94 : f32 to vector<16xf32>
      %swap3A_96 = arith.index_cast %scan3A_60 : i32 to index
      %swap3A_97 = arith.constant 80 : index
      %swap3A_98 = tpu.vector_load %arg9[%swap3A_96, %swap3A_97] {strides = array<i32>} : memref<128x128xf32, #tpu.memory_space<vmem>>, vector<1x16xf32>,
      %swap3A_99 = vector.shape_cast %swap3A_98 : vector<1x16xf32> to vector<16xf32>
      %swap3A_100 = vector.shape_cast %broadcast_in_dim3A_95 : vector<16xf32> to vector<1x16xf32>
      tpu.vector_store %arg9[%swap3A_96, %swap3A_97], %swap3A_100 {strides = array<i32>} : memref<128x128xf32, #tpu.memory_space<vmem>>, vector<1x16xf32>,
      %broadcast_in_dim3A_101 = arith.constant 0.000000e+00 : f32
      %broadcast_in_dim3A_102 = vector.broadcast %broadcast_in_dim3A_101 : f32 to vector<16xf32>
      %swap3A_103 = arith.index_cast %scan3A_60 : i32 to index
      %swap3A_104 = arith.constant 96 : index
      %swap3A_105 = tpu.vector_load %arg9[%swap3A_103, %swap3A_104] {strides = array<i32>} : memref<128x128xf32, #tpu.memory_space<vmem>>, vector<1x16xf32>,
      %swap3A_106 = vector.shape_cast %swap3A_105 : vector<1x16xf32> to vector<16xf32>
      %swap3A_107 = vector.shape_cast %broadcast_in_dim3A_102 : vector<16xf32> to vector<1x16xf32>
      tpu.vector_store %arg9[%swap3A_103, %swap3A_104], %swap3A_107 {strides = array<i32>} : memref<128x128xf32, #tpu.memory_space<vmem>>, vector<1x16xf32>,
      %broadcast_in_dim3A_108 = arith.constant 0.000000e+00 : f32
      %broadcast_in_dim3A_109 = vector.broadcast %broadcast_in_dim3A_108 : f32 to vector<16xf32>
      %swap3A_110 = arith.index_cast %scan3A_60 : i32 to index
      %swap3A_111 = arith.constant 112 : index
      %swap3A_112 = tpu.vector_load %arg9[%swap3A_110, %swap3A_111] {strides = array<i32>} : memref<128x128xf32, #tpu.memory_space<vmem>>, vector<1x16xf32>,
      %swap3A_113 = vector.shape_cast %swap3A_112 : vector<1x16xf32> to vector<16xf32>
      %swap3A_114 = vector.shape_cast %broadcast_in_dim3A_109 : vector<16xf32> to vector<1x16xf32>
      tpu.vector_store %arg9[%swap3A_110, %swap3A_111], %swap3A_114 {strides = array<i32>} : memref<128x128xf32, #tpu.memory_space<vmem>>, vector<1x16xf32>,
    }
    %scan3A_5 = arith.constant 128 : i32
    %mul3A_6 = arith.constant 632 : i32
    %mul3A_7 = arith.muli %arg1, %mul3A_6 : i32
    %add3A_8 = arith.constant 0 : i32
    %add3A_9 = arith.addi %mul3A_7, %add3A_8 : i32
    "tpu.region"() ({
      %run_scoped3A = tpu.sem_alloc : memref<!tpu.dma_semaphore, #tpu.memory_space<semaphore_mem>>
      %dma_start3A = arith.constant 0 : i32
      %dma_start3A_60 = tpu.memref_slice %arg6[%add3A_9, %dma_start3A] : memref<10112x128xf32, #tpu.memory_space<vmem_shared>> -> memref<128x128xf32, #tpu.memory_space<vmem_shared>>
      %dma_start3A_61 = arith.constant 0 : i32
      %dma_start3A_62 = tpu.memref_slice %arg6[%add3A_9, %dma_start3A_61] : memref<10112x128xf32, #tpu.memory_space<vmem_shared>> -> memref<128x128xf32, #tpu.memory_space<vmem_shared>>
      tpu.enqueue_dma source(%arg9 : memref<128x128xf32, #tpu.memory_space<vmem>>) target(%dma_start3A_62 : memref<128x128xf32, #tpu.memory_space<vmem_shared>>) target_semaphore(%run_scoped3A : memref<!tpu.dma_semaphore, #tpu.memory_space<semaphore_mem>>)
      %dma_wait3A = arith.constant 0 : i32
      %dma_wait3A_63 = tpu.memref_slice %arg6[%add3A_9, %dma_wait3A] : memref<10112x128xf32, #tpu.memory_space<vmem_shared>> -> memref<128x128xf32, #tpu.memory_space<vmem_shared>>
      %dma_wait3A_64 = arith.constant 0 : i32
      %dma_wait3A_65 = tpu.memref_slice %arg6[%add3A_9, %dma_wait3A_64] : memref<10112x128xf32, #tpu.memory_space<vmem_shared>> -> memref<128x128xf32, #tpu.memory_space<vmem_shared>>
      tpu.wait_dma2 semaphore(%run_scoped3A : memref<!tpu.dma_semaphore, #tpu.memory_space<semaphore_mem>>) src(%arg9 : memref<128x128xf32, #tpu.memory_space<vmem>>) dst(%dma_wait3A_65 : memref<128x128xf32, #tpu.memory_space<vmem_shared>>)
      tpu.yield
    }) : () -> ()
    %add3A_10 = arith.constant 128 : i32
    %add3A_11 = arith.addi %mul3A_7, %add3A_10 : i32
    "tpu.region"() ({
      %run_scoped3A = tpu.sem_alloc : memref<!tpu.dma_semaphore, #tpu.memory_space<semaphore_mem>>
      %dma_start3A = arith.constant 0 : i32
      %dma_start3A_60 = tpu.memref_slice %arg6[%add3A_11, %dma_start3A] : memref<10112x128xf32, #tpu.memory_space<vmem_shared>> -> memref<128x128xf32, #tpu.memory_space<vmem_shared>>
      %dma_start3A_61 = arith.constant 0 : i32
      %dma_start3A_62 = tpu.memref_slice %arg6[%add3A_11, %dma_start3A_61] : memref<10112x128xf32, #tpu.memory_space<vmem_shared>> -> memref<128x128xf32, #tpu.memory_space<vmem_shared>>
      tpu.enqueue_dma source(%arg9 : memref<128x128xf32, #tpu.memory_space<vmem>>) target(%dma_start3A_62 : memref<128x128xf32, #tpu.memory_space<vmem_shared>>) target_semaphore(%run_scoped3A : memref<!tpu.dma_semaphore, #tpu.memory_space<semaphore_mem>>)
      %dma_wait3A = arith.constant 0 : i32
      %dma_wait3A_63 = tpu.memref_slice %arg6[%add3A_11, %dma_wait3A] : memref<10112x128xf32, #tpu.memory_space<vmem_shared>> -> memref<128x128xf32, #tpu.memory_space<vmem_shared>>
      %dma_wait3A_64 = arith.constant 0 : i32
      %dma_wait3A_65 = tpu.memref_slice %arg6[%add3A_11, %dma_wait3A_64] : memref<10112x128xf32, #tpu.memory_space<vmem_shared>> -> memref<128x128xf32, #tpu.memory_space<vmem_shared>>
      tpu.wait_dma2 semaphore(%run_scoped3A : memref<!tpu.dma_semaphore, #tpu.memory_space<semaphore_mem>>) src(%arg9 : memref<128x128xf32, #tpu.memory_space<vmem>>) dst(%dma_wait3A_65 : memref<128x128xf32, #tpu.memory_space<vmem_shared>>)
      tpu.yield
    }) : () -> ()
    %add3A_12 = arith.constant 256 : i32
    %add3A_13 = arith.addi %mul3A_7, %add3A_12 : i32
    "tpu.region"() ({
      %run_scoped3A = tpu.sem_alloc : memref<!tpu.dma_semaphore, #tpu.memory_space<semaphore_mem>>
      %dma_start3A = arith.constant 0 : i32
      %dma_start3A_60 = tpu.memref_slice %arg6[%add3A_13, %dma_start3A] : memref<10112x128xf32, #tpu.memory_space<vmem_shared>> -> memref<128x128xf32, #tpu.memory_space<vmem_shared>>
      %dma_start3A_61 = arith.constant 0 : i32
      %dma_start3A_62 = tpu.memref_slice %arg6[%add3A_13, %dma_start3A_61] : memref<10112x128xf32, #tpu.memory_space<vmem_shared>> -> memref<128x128xf32, #tpu.memory_space<vmem_shared>>
      tpu.enqueue_dma source(%arg9 : memref<128x128xf32, #tpu.memory_space<vmem>>) target(%dma_start3A_62 : memref<128x128xf32, #tpu.memory_space<vmem_shared>>) target_semaphore(%run_scoped3A : memref<!tpu.dma_semaphore, #tpu.memory_space<semaphore_mem>>)
      %dma_wait3A = arith.constant 0 : i32
      %dma_wait3A_63 = tpu.memref_slice %arg6[%add3A_13, %dma_wait3A] : memref<10112x128xf32, #tpu.memory_space<vmem_shared>> -> memref<128x128xf32, #tpu.memory_space<vmem_shared>>
      %dma_wait3A_64 = arith.constant 0 : i32
      %dma_wait3A_65 = tpu.memref_slice %arg6[%add3A_13, %dma_wait3A_64] : memref<10112x128xf32, #tpu.memory_space<vmem_shared>> -> memref<128x128xf32, #tpu.memory_space<vmem_shared>>
      tpu.wait_dma2 semaphore(%run_scoped3A : memref<!tpu.dma_semaphore, #tpu.memory_space<semaphore_mem>>) src(%arg9 : memref<128x128xf32, #tpu.memory_space<vmem>>) dst(%dma_wait3A_65 : memref<128x128xf32, #tpu.memory_space<vmem_shared>>)
      tpu.yield
    }) : () -> ()
    %add3A_14 = arith.constant 384 : i32
    %add3A_15 = arith.addi %mul3A_7, %add3A_14 : i32
    "tpu.region"() ({
      %run_scoped3A = tpu.sem_alloc : memref<!tpu.dma_semaphore, #tpu.memory_space<semaphore_mem>>
      %dma_start3A = arith.constant 0 : i32
      %dma_start3A_60 = tpu.memref_slice %arg6[%add3A_15, %dma_start3A] : memref<10112x128xf32, #tpu.memory_space<vmem_shared>> -> memref<128x128xf32, #tpu.memory_space<vmem_shared>>
      %dma_start3A_61 = arith.constant 0 : i32
      %dma_start3A_62 = tpu.memref_slice %arg6[%add3A_15, %dma_start3A_61] : memref<10112x128xf32, #tpu.memory_space<vmem_shared>> -> memref<128x128xf32, #tpu.memory_space<vmem_shared>>
      tpu.enqueue_dma source(%arg9 : memref<128x128xf32, #tpu.memory_space<vmem>>) target(%dma_start3A_62 : memref<128x128xf32, #tpu.memory_space<vmem_shared>>) target_semaphore(%run_scoped3A : memref<!tpu.dma_semaphore, #tpu.memory_space<semaphore_mem>>)
      %dma_wait3A = arith.constant 0 : i32
      %dma_wait3A_63 = tpu.memref_slice %arg6[%add3A_15, %dma_wait3A] : memref<10112x128xf32, #tpu.memory_space<vmem_shared>> -> memref<128x128xf32, #tpu.memory_space<vmem_shared>>
      %dma_wait3A_64 = arith.constant 0 : i32
      %dma_wait3A_65 = tpu.memref_slice %arg6[%add3A_15, %dma_wait3A_64] : memref<10112x128xf32, #tpu.memory_space<vmem_shared>> -> memref<128x128xf32, #tpu.memory_space<vmem_shared>>
      tpu.wait_dma2 semaphore(%run_scoped3A : memref<!tpu.dma_semaphore, #tpu.memory_space<semaphore_mem>>) src(%arg9 : memref<128x128xf32, #tpu.memory_space<vmem>>) dst(%dma_wait3A_65 : memref<128x128xf32, #tpu.memory_space<vmem_shared>>)
      tpu.yield
    }) : () -> ()
    %add3A_16 = arith.constant 512 : i32
    %add3A_17 = arith.addi %mul3A_7, %add3A_16 : i32
    "tpu.region"() ({
      %run_scoped3A = tpu.sem_alloc : memref<!tpu.dma_semaphore, #tpu.memory_space<semaphore_mem>>
      %dma_start3A = arith.constant 0 : i32
      %dma_start3A_60 = arith.constant 0 : i32
      %dma_start3A_61 = tpu.memref_slice %arg9[%dma_start3A, %dma_start3A_60] : memref<128x128xf32, #tpu.memory_space<vmem>> -> memref<120x128xf32, #tpu.memory_space<vmem>>
      %dma_start3A_62 = arith.constant 0 : i32
      %dma_start3A_63 = tpu.memref_slice %arg6[%add3A_17, %dma_start3A_62] : memref<10112x128xf32, #tpu.memory_space<vmem_shared>> -> memref<120x128xf32, #tpu.memory_space<vmem_shared>>
      %dma_start3A_64 = arith.constant 0 : i32
      %dma_start3A_65 = tpu.memref_slice %arg6[%add3A_17, %dma_start3A_64] : memref<10112x128xf32, #tpu.memory_space<vmem_shared>> -> memref<120x128xf32, #tpu.memory_space<vmem_shared>>
      %dma_start3A_66 = arith.constant 0 : i32
      %dma_start3A_67 = arith.constant 0 : i32
      %dma_start3A_68 = tpu.memref_slice %arg9[%dma_start3A_66, %dma_start3A_67] : memref<128x128xf32, #tpu.memory_space<vmem>> -> memref<120x128xf32, #tpu.memory_space<vmem>>
      tpu.enqueue_dma source(%dma_start3A_68 : memref<120x128xf32, #tpu.memory_space<vmem>>) target(%dma_start3A_65 : memref<120x128xf32, #tpu.memory_space<vmem_shared>>) target_semaphore(%run_scoped3A : memref<!tpu.dma_semaphore, #tpu.memory_space<semaphore_mem>>)
      %dma_wait3A = arith.constant 0 : i32
      %dma_wait3A_69 = arith.constant 0 : i32
      %dma_wait3A_70 = tpu.memref_slice %arg9[%dma_wait3A, %dma_wait3A_69] : memref<128x128xf32, #tpu.memory_space<vmem>> -> memref<120x128xf32, #tpu.memory_space<vmem>>
      %dma_wait3A_71 = arith.constant 0 : i32
      %dma_wait3A_72 = tpu.memref_slice %arg6[%add3A_17, %dma_wait3A_71] : memref<10112x128xf32, #tpu.memory_space<vmem_shared>> -> memref<120x128xf32, #tpu.memory_space<vmem_shared>>
      %dma_wait3A_73 = arith.constant 0 : i32
      %dma_wait3A_74 = tpu.memref_slice %arg6[%add3A_17, %dma_wait3A_73] : memref<10112x128xf32, #tpu.memory_space<vmem_shared>> -> memref<120x128xf32, #tpu.memory_space<vmem_shared>>
      %dma_wait3A_75 = arith.constant 0 : i32
      %dma_wait3A_76 = arith.constant 0 : i32
      %dma_wait3A_77 = tpu.memref_slice %arg9[%dma_wait3A_75, %dma_wait3A_76] : memref<128x128xf32, #tpu.memory_space<vmem>> -> memref<120x128xf32, #tpu.memory_space<vmem>>
      tpu.wait_dma2 semaphore(%run_scoped3A : memref<!tpu.dma_semaphore, #tpu.memory_space<semaphore_mem>>) src(%dma_wait3A_77 : memref<120x128xf32, #tpu.memory_space<vmem>>) dst(%dma_wait3A_74 : memref<120x128xf32, #tpu.memory_space<vmem_shared>>)
      tpu.yield
    }) : () -> ()
    %barrier3A = arith.constant 0 : index
    tpu.barrier barrier_id(%barrier3A)
    %eq3A = arith.constant 0 : i32
    %eq3A_18 = arith.cmpi eq, %arg0, %eq3A : i32
    %mul3A_19 = arith.constant 120 : i32
    %mul3A_20 = arith.muli %arg1, %mul3A_19 : i32
    %mul3A_21 = arith.constant 40 : i32
    %mul3A_22 = arith.muli %arg1, %mul3A_21 : i32
    %add3A_23 = arith.constant 1920 : i32
    %add3A_24 = arith.addi %add3A_23, %mul3A_22 : i32
    %select_n3A = arith.select %eq3A_18, %mul3A_20, %add3A_24 : i32
    %eq3A_25 = arith.constant 0 : i32
    %eq3A_26 = arith.cmpi eq, %arg0, %eq3A_25 : i32
    %select_n3A_27 = arith.constant 5 : i32
    %select_n3A_28 = arith.constant 15 : i32
    %select_n3A_29 = arith.select %eq3A_26, %select_n3A_28, %select_n3A_27 : i32
    %while3A = arith.constant 0 : i32
    %while3A_30 = arith.constant 0 : i32
    %while3A_31 = arith.subi %select_n3A_29, %while3A_30 : i32
    %while3A_32 = arith.addi %while3A_30, %while3A_31 : i32
    %while3A_33 = arith.constant 1 : i32
    %while3A_34 = arith.divsi %while3A_31, %while3A_33 : i32
    %while3A_35 = arith.muli %while3A_34, %while3A_33 : i32
    %while3A_36 = arith.addi %while3A_30, %while3A_35 : i32
    %while3A_37 = arith.constant 1 : i32
    scf.for %while3A_60 = %while3A_30 to %while3A_36 step %while3A_37  : i32 {
      %mul3A_61 = arith.constant 8 : i32
      %mul3A_62 = arith.muli %while3A_60, %mul3A_61 : i32
      %add3A_63 = arith.addi %select_n3A, %mul3A_62 : i32
      "tpu.region"() ({
        %run_scoped3A_184 = tpu.sem_alloc : memref<!tpu.dma_semaphore, #tpu.memory_space<semaphore_mem>>
        %dma_start3A_185 = arith.constant 0 : i32
        %dma_start3A_186 = tpu.memref_slice %arg2[%add3A_63, %dma_start3A_185] : memref<2560x128xi32, #tpu.memory_space<hbm>> -> memref<8x128xi32, #tpu.memory_space<hbm>>
        %dma_start3A_187 = arith.constant 0 : i32
        %dma_start3A_188 = tpu.memref_slice %arg2[%add3A_63, %dma_start3A_187] : memref<2560x128xi32, #tpu.memory_space<hbm>> -> memref<8x128xi32, #tpu.memory_space<hbm>>
        tpu.enqueue_dma source(%dma_start3A_188 : memref<8x128xi32, #tpu.memory_space<hbm>>) target(%arg7 : memref<8x128xi32, #tpu.memory_space<vmem>>) target_semaphore(%run_scoped3A_184 : memref<!tpu.dma_semaphore, #tpu.memory_space<semaphore_mem>>)
        %dma_wait3A_189 = arith.constant 0 : i32
        %dma_wait3A_190 = tpu.memref_slice %arg2[%add3A_63, %dma_wait3A_189] : memref<2560x128xi32, #tpu.memory_space<hbm>> -> memref<8x128xi32, #tpu.memory_space<hbm>>
        %dma_wait3A_191 = arith.constant 0 : i32
        %dma_wait3A_192 = tpu.memref_slice %arg2[%add3A_63, %dma_wait3A_191] : memref<2560x128xi32, #tpu.memory_space<hbm>> -> memref<8x128xi32, #tpu.memory_space<hbm>>
        tpu.wait_dma2 semaphore(%run_scoped3A_184 : memref<!tpu.dma_semaphore, #tpu.memory_space<semaphore_mem>>) src(%dma_wait3A_192 : memref<8x128xi32, #tpu.memory_space<hbm>>) dst(%arg7 : memref<8x128xi32, #tpu.memory_space<vmem>>)
        tpu.yield
      }) : () -> ()
      %mul3A_64 = arith.constant 8 : i32
      %mul3A_65 = arith.muli %while3A_60, %mul3A_64 : i32
      %add3A_66 = arith.addi %select_n3A, %mul3A_65 : i32
      "tpu.region"() ({
        %run_scoped3A_184 = tpu.sem_alloc : memref<!tpu.dma_semaphore, #tpu.memory_space<semaphore_mem>>
        %dma_start3A_185 = arith.constant 0 : i32
        %dma_start3A_186 = tpu.memref_slice %arg3[%add3A_66, %dma_start3A_185] : memref<2560x128xi32, #tpu.memory_space<hbm>> -> memref<8x128xi32, #tpu.memory_space<hbm>>
        %dma_start3A_187 = arith.constant 0 : i32
        %dma_start3A_188 = tpu.memref_slice %arg3[%add3A_66, %dma_start3A_187] : memref<2560x128xi32, #tpu.memory_space<hbm>> -> memref<8x128xi32, #tpu.memory_space<hbm>>
        tpu.enqueue_dma source(%dma_start3A_188 : memref<8x128xi32, #tpu.memory_space<hbm>>) target(%arg8 : memref<8x128xi32, #tpu.memory_space<vmem>>) target_semaphore(%run_scoped3A_184 : memref<!tpu.dma_semaphore, #tpu.memory_space<semaphore_mem>>)
        %dma_wait3A_189 = arith.constant 0 : i32
        %dma_wait3A_190 = tpu.memref_slice %arg3[%add3A_66, %dma_wait3A_189] : memref<2560x128xi32, #tpu.memory_space<hbm>> -> memref<8x128xi32, #tpu.memory_space<hbm>>
        %dma_wait3A_191 = arith.constant 0 : i32
        %dma_wait3A_192 = tpu.memref_slice %arg3[%add3A_66, %dma_wait3A_191] : memref<2560x128xi32, #tpu.memory_space<hbm>> -> memref<8x128xi32, #tpu.memory_space<hbm>>
        tpu.wait_dma2 semaphore(%run_scoped3A_184 : memref<!tpu.dma_semaphore, #tpu.memory_space<semaphore_mem>>) src(%dma_wait3A_192 : memref<8x128xi32, #tpu.memory_space<hbm>>) dst(%arg8 : memref<8x128xi32, #tpu.memory_space<vmem>>)
        tpu.yield
      }) : () -> ()
      %dma_start3A = arith.constant 0 : i32
      %dma_start3A_67 = arith.constant 0 : i32
      %dma_start3A_68 = tpu.memref_slice %arg7[%dma_start3A, %dma_start3A_67] : memref<8x128xi32, #tpu.memory_space<vmem>> -> memref<1x128xi32, #tpu.memory_space<vmem>>
      %dma_start3A_69 = tpu.memref_squeeze %dma_start3A_68 : memref<1x128xi32, #tpu.memory_space<vmem>> -> memref<128xi32, #tpu.memory_space<vmem>>
      %dma_start3A_70 = arith.constant 0 : i32
      %dma_start3A_71 = arith.constant 0 : i32
      %dma_start3A_72 = tpu.memref_slice %arg4[%dma_start3A_70, %dma_start3A_71] : memref<10000x128xf32, #tpu.memory_space<hbm>> -> memref<10000x128xf32, #tpu.memory_space<hbm>>
      tpu.enqueue_indirect_dma source(%dma_start3A_72 : memref<10000x128xf32, #tpu.memory_space<hbm>>) target(%arg9 : memref<128x128xf32, #tpu.memory_space<vmem>>) offsets(%dma_start3A_69 : memref<128xi32, #tpu.memory_space<vmem>>) semaphore(%arg11 : memref<!tpu.dma_semaphore, #tpu.memory_space<semaphore_mem>>)
      %dma_start3A_73 = arith.constant 1 : i32
      %dma_start3A_74 = arith.constant 0 : i32
      %dma_start3A_75 = tpu.memref_slice %arg7[%dma_start3A_73, %dma_start3A_74] : memref<8x128xi32, #tpu.memory_space<vmem>> -> memref<1x128xi32, #tpu.memory_space<vmem>>
      %dma_start3A_76 = tpu.memref_squeeze %dma_start3A_75 : memref<1x128xi32, #tpu.memory_space<vmem>> -> memref<128xi32, #tpu.memory_space<vmem>>
      %dma_start3A_77 = arith.constant 0 : i32
      %dma_start3A_78 = arith.constant 0 : i32
      %dma_start3A_79 = tpu.memref_slice %arg4[%dma_start3A_77, %dma_start3A_78] : memref<10000x128xf32, #tpu.memory_space<hbm>> -> memref<10000x128xf32, #tpu.memory_space<hbm>>
      tpu.enqueue_indirect_dma source(%dma_start3A_79 : memref<10000x128xf32, #tpu.memory_space<hbm>>) target(%arg10 : memref<128x128xf32, #tpu.memory_space<vmem>>) offsets(%dma_start3A_76 : memref<128xi32, #tpu.memory_space<vmem>>) semaphore(%arg12 : memref<!tpu.dma_semaphore, #tpu.memory_space<semaphore_mem>>)
      %dma_wait3A = arith.constant 0 : i32
      %dma_wait3A_80 = arith.constant 0 : i32
      %dma_wait3A_81 = tpu.memref_slice %arg7[%dma_wait3A, %dma_wait3A_80] : memref<8x128xi32, #tpu.memory_space<vmem>> -> memref<1x128xi32, #tpu.memory_space<vmem>>
      %dma_wait3A_82 = tpu.memref_squeeze %dma_wait3A_81 : memref<1x128xi32, #tpu.memory_space<vmem>> -> memref<128xi32, #tpu.memory_space<vmem>>
      %dma_wait3A_83 = arith.constant 0 : i32
      %dma_wait3A_84 = arith.constant 0 : i32
      %dma_wait3A_85 = tpu.memref_slice %arg4[%dma_wait3A_83, %dma_wait3A_84] : memref<10000x128xf32, #tpu.memory_space<hbm>> -> memref<10000x128xf32, #tpu.memory_space<hbm>>
      tpu.wait_indirect_dma semaphore(%arg11 : memref<!tpu.dma_semaphore, #tpu.memory_space<semaphore_mem>>) src(%dma_wait3A_85 : memref<10000x128xf32, #tpu.memory_space<hbm>>) dst(%arg9 : memref<128x128xf32, #tpu.memory_space<vmem>>)
      %run_scoped3A = arith.constant 0 : i32
      "tpu.region"() ({
        %run_scoped3A_184 = tpu.sem_alloc : memref<!tpu.dma_semaphore, #tpu.memory_space<semaphore_mem>>
        %dma_start3A_185 = arith.constant 0 : i32
        %dma_start3A_186 = tpu.memref_slice %arg8[%run_scoped3A, %dma_start3A_185] : memref<8x128xi32, #tpu.memory_space<vmem>> -> memref<1x128xi32, #tpu.memory_space<vmem>>
        %dma_start3A_187 = tpu.memref_squeeze %dma_start3A_186 : memref<1x128xi32, #tpu.memory_space<vmem>> -> memref<128xi32, #tpu.memory_space<vmem>>
        %dma_start3A_188 = arith.constant 0 : i32
        %dma_start3A_189 = arith.constant 0 : i32
        %dma_start3A_190 = tpu.memref_slice %arg6[%dma_start3A_188, %dma_start3A_189] : memref<10112x128xf32, #tpu.memory_space<vmem_shared>> -> memref<10112x128xf32, #tpu.memory_space<vmem_shared>>
        tpu.enqueue_indirect_dma source(%arg9 : memref<128x128xf32, #tpu.memory_space<vmem>>) target(%dma_start3A_190 : memref<10112x128xf32, #tpu.memory_space<vmem_shared>>) offsets(%dma_start3A_187 : memref<128xi32, #tpu.memory_space<vmem>>) semaphore(%run_scoped3A_184 : memref<!tpu.dma_semaphore, #tpu.memory_space<semaphore_mem>>) {add = true}
        %dma_wait3A_191 = arith.constant 0 : i32
        %dma_wait3A_192 = tpu.memref_slice %arg8[%run_scoped3A, %dma_wait3A_191] : memref<8x128xi32, #tpu.memory_space<vmem>> -> memref<1x128xi32, #tpu.memory_space<vmem>>
        %dma_wait3A_193 = tpu.memref_squeeze %dma_wait3A_192 : memref<1x128xi32, #tpu.memory_space<vmem>> -> memref<128xi32, #tpu.memory_space<vmem>>
        %dma_wait3A_194 = arith.constant 0 : i32
        %dma_wait3A_195 = arith.constant 0 : i32
        %dma_wait3A_196 = tpu.memref_slice %arg6[%dma_wait3A_194, %dma_wait3A_195] : memref<10112x128xf32, #tpu.memory_space<vmem_shared>> -> memref<10112x128xf32, #tpu.memory_space<vmem_shared>>
        tpu.wait_indirect_dma semaphore(%run_scoped3A_184 : memref<!tpu.dma_semaphore, #tpu.memory_space<semaphore_mem>>) src(%arg9 : memref<128x128xf32, #tpu.memory_space<vmem>>) dst(%dma_wait3A_196 : memref<10112x128xf32, #tpu.memory_space<vmem_shared>>)
        tpu.yield
      }) : () -> ()
      %dma_start3A_86 = arith.constant 2 : i32
      %dma_start3A_87 = arith.constant 0 : i32
      %dma_start3A_88 = tpu.memref_slice %arg7[%dma_start3A_86, %dma_start3A_87] : memref<8x128xi32, #tpu.memory_space<vmem>> -> memref<1x128xi32, #tpu.memory_space<vmem>>
      %dma_start3A_89 = tpu.memref_squeeze %dma_start3A_88 : memref<1x128xi32, #tpu.memory_space<vmem>> -> memref<128xi32, #tpu.memory_space<vmem>>
      %dma_start3A_90 = arith.constant 0 : i32
      %dma_start3A_91 = arith.constant 0 : i32
      %dma_start3A_92 = tpu.memref_slice %arg4[%dma_start3A_90, %dma_start3A_91] : memref<10000x128xf32, #tpu.memory_space<hbm>> -> memref<10000x128xf32, #tpu.memory_space<hbm>>
      tpu.enqueue_indirect_dma source(%dma_start3A_92 : memref<10000x128xf32, #tpu.memory_space<hbm>>) target(%arg9 : memref<128x128xf32, #tpu.memory_space<vmem>>) offsets(%dma_start3A_89 : memref<128xi32, #tpu.memory_space<vmem>>) semaphore(%arg11 : memref<!tpu.dma_semaphore, #tpu.memory_space<semaphore_mem>>)
      %dma_wait3A_93 = arith.constant 1 : i32
      %dma_wait3A_94 = arith.constant 0 : i32
      %dma_wait3A_95 = tpu.memref_slice %arg7[%dma_wait3A_93, %dma_wait3A_94] : memref<8x128xi32, #tpu.memory_space<vmem>> -> memref<1x128xi32, #tpu.memory_space<vmem>>
      %dma_wait3A_96 = tpu.memref_squeeze %dma_wait3A_95 : memref<1x128xi32, #tpu.memory_space<vmem>> -> memref<128xi32, #tpu.memory_space<vmem>>
      %dma_wait3A_97 = arith.constant 0 : i32
      %dma_wait3A_98 = arith.constant 0 : i32
      %dma_wait3A_99 = tpu.memref_slice %arg4[%dma_wait3A_97, %dma_wait3A_98] : memref<10000x128xf32, #tpu.memory_space<hbm>> -> memref<10000x128xf32, #tpu.memory_space<hbm>>
      tpu.wait_indirect_dma semaphore(%arg12 : memref<!tpu.dma_semaphore, #tpu.memory_space<semaphore_mem>>) src(%dma_wait3A_99 : memref<10000x128xf32, #tpu.memory_space<hbm>>) dst(%arg10 : memref<128x128xf32, #tpu.memory_space<vmem>>)
      %run_scoped3A_100 = arith.constant 1 : i32
      "tpu.region"() ({
        %run_scoped3A_184 = tpu.sem_alloc : memref<!tpu.dma_semaphore, #tpu.memory_space<semaphore_mem>>
        %dma_start3A_185 = arith.constant 0 : i32
        %dma_start3A_186 = tpu.memref_slice %arg8[%run_scoped3A_100, %dma_start3A_185] : memref<8x128xi32, #tpu.memory_space<vmem>> -> memref<1x128xi32, #tpu.memory_space<vmem>>
        %dma_start3A_187 = tpu.memref_squeeze %dma_start3A_186 : memref<1x128xi32, #tpu.memory_space<vmem>> -> memref<128xi32, #tpu.memory_space<vmem>>
        %dma_start3A_188 = arith.constant 0 : i32
        %dma_start3A_189 = arith.constant 0 : i32
        %dma_start3A_190 = tpu.memref_slice %arg6[%dma_start3A_188, %dma_start3A_189] : memref<10112x128xf32, #tpu.memory_space<vmem_shared>> -> memref<10112x128xf32, #tpu.memory_space<vmem_shared>>
        tpu.enqueue_indirect_dma source(%arg10 : memref<128x128xf32, #tpu.memory_space<vmem>>) target(%dma_start3A_190 : memref<10112x128xf32, #tpu.memory_space<vmem_shared>>) offsets(%dma_start3A_187 : memref<128xi32, #tpu.memory_space<vmem>>) semaphore(%run_scoped3A_184 : memref<!tpu.dma_semaphore, #tpu.memory_space<semaphore_mem>>) {add = true}
        %dma_wait3A_191 = arith.constant 0 : i32
        %dma_wait3A_192 = tpu.memref_slice %arg8[%run_scoped3A_100, %dma_wait3A_191] : memref<8x128xi32, #tpu.memory_space<vmem>> -> memref<1x128xi32, #tpu.memory_space<vmem>>
        %dma_wait3A_193 = tpu.memref_squeeze %dma_wait3A_192 : memref<1x128xi32, #tpu.memory_space<vmem>> -> memref<128xi32, #tpu.memory_space<vmem>>
        %dma_wait3A_194 = arith.constant 0 : i32
        %dma_wait3A_195 = arith.constant 0 : i32
        %dma_wait3A_196 = tpu.memref_slice %arg6[%dma_wait3A_194, %dma_wait3A_195] : memref<10112x128xf32, #tpu.memory_space<vmem_shared>> -> memref<10112x128xf32, #tpu.memory_space<vmem_shared>>
        tpu.wait_indirect_dma semaphore(%run_scoped3A_184 : memref<!tpu.dma_semaphore, #tpu.memory_space<semaphore_mem>>) src(%arg10 : memref<128x128xf32, #tpu.memory_space<vmem>>) dst(%dma_wait3A_196 : memref<10112x128xf32, #tpu.memory_space<vmem_shared>>)
        tpu.yield
      }) : () -> ()
      %dma_start3A_101 = arith.constant 3 : i32
      %dma_start3A_102 = arith.constant 0 : i32
      %dma_start3A_103 = tpu.memref_slice %arg7[%dma_start3A_101, %dma_start3A_102] : memref<8x128xi32, #tpu.memory_space<vmem>> -> memref<1x128xi32, #tpu.memory_space<vmem>>
      %dma_start3A_104 = tpu.memref_squeeze %dma_start3A_103 : memref<1x128xi32, #tpu.memory_space<vmem>> -> memref<128xi32, #tpu.memory_space<vmem>>
      %dma_start3A_105 = arith.constant 0 : i32
      %dma_start3A_106 = arith.constant 0 : i32
      %dma_start3A_107 = tpu.memref_slice %arg4[%dma_start3A_105, %dma_start3A_106] : memref<10000x128xf32, #tpu.memory_space<hbm>> -> memref<10000x128xf32, #tpu.memory_space<hbm>>
      tpu.enqueue_indirect_dma source(%dma_start3A_107 : memref<10000x128xf32, #tpu.memory_space<hbm>>) target(%arg10 : memref<128x128xf32, #tpu.memory_space<vmem>>) offsets(%dma_start3A_104 : memref<128xi32, #tpu.memory_space<vmem>>) semaphore(%arg12 : memref<!tpu.dma_semaphore, #tpu.memory_space<semaphore_mem>>)
      %dma_wait3A_108 = arith.constant 2 : i32
      %dma_wait3A_109 = arith.constant 0 : i32
      %dma_wait3A_110 = tpu.memref_slice %arg7[%dma_wait3A_108, %dma_wait3A_109] : memref<8x128xi32, #tpu.memory_space<vmem>> -> memref<1x128xi32, #tpu.memory_space<vmem>>
      %dma_wait3A_111 = tpu.memref_squeeze %dma_wait3A_110 : memref<1x128xi32, #tpu.memory_space<vmem>> -> memref<128xi32, #tpu.memory_space<vmem>>
      %dma_wait3A_112 = arith.constant 0 : i32
      %dma_wait3A_113 = arith.constant 0 : i32
      %dma_wait3A_114 = tpu.memref_slice %arg4[%dma_wait3A_112, %dma_wait3A_113] : memref<10000x128xf32, #tpu.memory_space<hbm>> -> memref<10000x128xf32, #tpu.memory_space<hbm>>
      tpu.wait_indirect_dma semaphore(%arg11 : memref<!tpu.dma_semaphore, #tpu.memory_space<semaphore_mem>>) src(%dma_wait3A_114 : memref<10000x128xf32, #tpu.memory_space<hbm>>) dst(%arg9 : memref<128x128xf32, #tpu.memory_space<vmem>>)
      %run_scoped3A_115 = arith.constant 2 : i32
      "tpu.region"() ({
        %run_scoped3A_184 = tpu.sem_alloc : memref<!tpu.dma_semaphore, #tpu.memory_space<semaphore_mem>>
        %dma_start3A_185 = arith.constant 0 : i32
        %dma_start3A_186 = tpu.memref_slice %arg8[%run_scoped3A_115, %dma_start3A_185] : memref<8x128xi32, #tpu.memory_space<vmem>> -> memref<1x128xi32, #tpu.memory_space<vmem>>
        %dma_start3A_187 = tpu.memref_squeeze %dma_start3A_186 : memref<1x128xi32, #tpu.memory_space<vmem>> -> memref<128xi32, #tpu.memory_space<vmem>>
        %dma_start3A_188 = arith.constant 0 : i32
        %dma_start3A_189 = arith.constant 0 : i32
        %dma_start3A_190 = tpu.memref_slice %arg6[%dma_start3A_188, %dma_start3A_189] : memref<10112x128xf32, #tpu.memory_space<vmem_shared>> -> memref<10112x128xf32, #tpu.memory_space<vmem_shared>>
        tpu.enqueue_indirect_dma source(%arg9 : memref<128x128xf32, #tpu.memory_space<vmem>>) target(%dma_start3A_190 : memref<10112x128xf32, #tpu.memory_space<vmem_shared>>) offsets(%dma_start3A_187 : memref<128xi32, #tpu.memory_space<vmem>>) semaphore(%run_scoped3A_184 : memref<!tpu.dma_semaphore, #tpu.memory_space<semaphore_mem>>) {add = true}
        %dma_wait3A_191 = arith.constant 0 : i32
        %dma_wait3A_192 = tpu.memref_slice %arg8[%run_scoped3A_115, %dma_wait3A_191] : memref<8x128xi32, #tpu.memory_space<vmem>> -> memref<1x128xi32, #tpu.memory_space<vmem>>
        %dma_wait3A_193 = tpu.memref_squeeze %dma_wait3A_192 : memref<1x128xi32, #tpu.memory_space<vmem>> -> memref<128xi32, #tpu.memory_space<vmem>>
        %dma_wait3A_194 = arith.constant 0 : i32
        %dma_wait3A_195 = arith.constant 0 : i32
        %dma_wait3A_196 = tpu.memref_slice %arg6[%dma_wait3A_194, %dma_wait3A_195] : memref<10112x128xf32, #tpu.memory_space<vmem_shared>> -> memref<10112x128xf32, #tpu.memory_space<vmem_shared>>
        tpu.wait_indirect_dma semaphore(%run_scoped3A_184 : memref<!tpu.dma_semaphore, #tpu.memory_space<semaphore_mem>>) src(%arg9 : memref<128x128xf32, #tpu.memory_space<vmem>>) dst(%dma_wait3A_196 : memref<10112x128xf32, #tpu.memory_space<vmem_shared>>)
        tpu.yield
      }) : () -> ()
      %dma_start3A_116 = arith.constant 4 : i32
      %dma_start3A_117 = arith.constant 0 : i32
      %dma_start3A_118 = tpu.memref_slice %arg7[%dma_start3A_116, %dma_start3A_117] : memref<8x128xi32, #tpu.memory_space<vmem>> -> memref<1x128xi32, #tpu.memory_space<vmem>>
      %dma_start3A_119 = tpu.memref_squeeze %dma_start3A_118 : memref<1x128xi32, #tpu.memory_space<vmem>> -> memref<128xi32, #tpu.memory_space<vmem>>
      %dma_start3A_120 = arith.constant 0 : i32
      %dma_start3A_121 = arith.constant 0 : i32
      %dma_start3A_122 = tpu.memref_slice %arg4[%dma_start3A_120, %dma_start3A_121] : memref<10000x128xf32, #tpu.memory_space<hbm>> -> memref<10000x128xf32, #tpu.memory_space<hbm>>
      tpu.enqueue_indirect_dma source(%dma_start3A_122 : memref<10000x128xf32, #tpu.memory_space<hbm>>) target(%arg9 : memref<128x128xf32, #tpu.memory_space<vmem>>) offsets(%dma_start3A_119 : memref<128xi32, #tpu.memory_space<vmem>>) semaphore(%arg11 : memref<!tpu.dma_semaphore, #tpu.memory_space<semaphore_mem>>)
      %dma_wait3A_123 = arith.constant 3 : i32
      %dma_wait3A_124 = arith.constant 0 : i32
      %dma_wait3A_125 = tpu.memref_slice %arg7[%dma_wait3A_123, %dma_wait3A_124] : memref<8x128xi32, #tpu.memory_space<vmem>> -> memref<1x128xi32, #tpu.memory_space<vmem>>
      %dma_wait3A_126 = tpu.memref_squeeze %dma_wait3A_125 : memref<1x128xi32, #tpu.memory_space<vmem>> -> memref<128xi32, #tpu.memory_space<vmem>>
      %dma_wait3A_127 = arith.constant 0 : i32
      %dma_wait3A_128 = arith.constant 0 : i32
      %dma_wait3A_129 = tpu.memref_slice %arg4[%dma_wait3A_127, %dma_wait3A_128] : memref<10000x128xf32, #tpu.memory_space<hbm>> -> memref<10000x128xf32, #tpu.memory_space<hbm>>
      tpu.wait_indirect_dma semaphore(%arg12 : memref<!tpu.dma_semaphore, #tpu.memory_space<semaphore_mem>>) src(%dma_wait3A_129 : memref<10000x128xf32, #tpu.memory_space<hbm>>) dst(%arg10 : memref<128x128xf32, #tpu.memory_space<vmem>>)
      %run_scoped3A_130 = arith.constant 3 : i32
      "tpu.region"() ({
        %run_scoped3A_184 = tpu.sem_alloc : memref<!tpu.dma_semaphore, #tpu.memory_space<semaphore_mem>>
        %dma_start3A_185 = arith.constant 0 : i32
        %dma_start3A_186 = tpu.memref_slice %arg8[%run_scoped3A_130, %dma_start3A_185] : memref<8x128xi32, #tpu.memory_space<vmem>> -> memref<1x128xi32, #tpu.memory_space<vmem>>
        %dma_start3A_187 = tpu.memref_squeeze %dma_start3A_186 : memref<1x128xi32, #tpu.memory_space<vmem>> -> memref<128xi32, #tpu.memory_space<vmem>>
        %dma_start3A_188 = arith.constant 0 : i32
        %dma_start3A_189 = arith.constant 0 : i32
        %dma_start3A_190 = tpu.memref_slice %arg6[%dma_start3A_188, %dma_start3A_189] : memref<10112x128xf32, #tpu.memory_space<vmem_shared>> -> memref<10112x128xf32, #tpu.memory_space<vmem_shared>>
        tpu.enqueue_indirect_dma source(%arg10 : memref<128x128xf32, #tpu.memory_space<vmem>>) target(%dma_start3A_190 : memref<10112x128xf32, #tpu.memory_space<vmem_shared>>) offsets(%dma_start3A_187 : memref<128xi32, #tpu.memory_space<vmem>>) semaphore(%run_scoped3A_184 : memref<!tpu.dma_semaphore, #tpu.memory_space<semaphore_mem>>) {add = true}
        %dma_wait3A_191 = arith.constant 0 : i32
        %dma_wait3A_192 = tpu.memref_slice %arg8[%run_scoped3A_130, %dma_wait3A_191] : memref<8x128xi32, #tpu.memory_space<vmem>> -> memref<1x128xi32, #tpu.memory_space<vmem>>
        %dma_wait3A_193 = tpu.memref_squeeze %dma_wait3A_192 : memref<1x128xi32, #tpu.memory_space<vmem>> -> memref<128xi32, #tpu.memory_space<vmem>>
        %dma_wait3A_194 = arith.constant 0 : i32
        %dma_wait3A_195 = arith.constant 0 : i32
        %dma_wait3A_196 = tpu.memref_slice %arg6[%dma_wait3A_194, %dma_wait3A_195] : memref<10112x128xf32, #tpu.memory_space<vmem_shared>> -> memref<10112x128xf32, #tpu.memory_space<vmem_shared>>
        tpu.wait_indirect_dma semaphore(%run_scoped3A_184 : memref<!tpu.dma_semaphore, #tpu.memory_space<semaphore_mem>>) src(%arg10 : memref<128x128xf32, #tpu.memory_space<vmem>>) dst(%dma_wait3A_196 : memref<10112x128xf32, #tpu.memory_space<vmem_shared>>)
        tpu.yield
      }) : () -> ()
      %dma_start3A_131 = arith.constant 5 : i32
      %dma_start3A_132 = arith.constant 0 : i32
      %dma_start3A_133 = tpu.memref_slice %arg7[%dma_start3A_131, %dma_start3A_132] : memref<8x128xi32, #tpu.memory_space<vmem>> -> memref<1x128xi32, #tpu.memory_space<vmem>>
      %dma_start3A_134 = tpu.memref_squeeze %dma_start3A_133 : memref<1x128xi32, #tpu.memory_space<vmem>> -> memref<128xi32, #tpu.memory_space<vmem>>
      %dma_start3A_135 = arith.constant 0 : i32
      %dma_start3A_136 = arith.constant 0 : i32
      %dma_start3A_137 = tpu.memref_slice %arg4[%dma_start3A_135, %dma_start3A_136] : memref<10000x128xf32, #tpu.memory_space<hbm>> -> memref<10000x128xf32, #tpu.memory_space<hbm>>
      tpu.enqueue_indirect_dma source(%dma_start3A_137 : memref<10000x128xf32, #tpu.memory_space<hbm>>) target(%arg10 : memref<128x128xf32, #tpu.memory_space<vmem>>) offsets(%dma_start3A_134 : memref<128xi32, #tpu.memory_space<vmem>>) semaphore(%arg12 : memref<!tpu.dma_semaphore, #tpu.memory_space<semaphore_mem>>)
      %dma_wait3A_138 = arith.constant 4 : i32
      %dma_wait3A_139 = arith.constant 0 : i32
      %dma_wait3A_140 = tpu.memref_slice %arg7[%dma_wait3A_138, %dma_wait3A_139] : memref<8x128xi32, #tpu.memory_space<vmem>> -> memref<1x128xi32, #tpu.memory_space<vmem>>
      %dma_wait3A_141 = tpu.memref_squeeze %dma_wait3A_140 : memref<1x128xi32, #tpu.memory_space<vmem>> -> memref<128xi32, #tpu.memory_space<vmem>>
      %dma_wait3A_142 = arith.constant 0 : i32
      %dma_wait3A_143 = arith.constant 0 : i32
      %dma_wait3A_144 = tpu.memref_slice %arg4[%dma_wait3A_142, %dma_wait3A_143] : memref<10000x128xf32, #tpu.memory_space<hbm>> -> memref<10000x128xf32, #tpu.memory_space<hbm>>
      tpu.wait_indirect_dma semaphore(%arg11 : memref<!tpu.dma_semaphore, #tpu.memory_space<semaphore_mem>>) src(%dma_wait3A_144 : memref<10000x128xf32, #tpu.memory_space<hbm>>) dst(%arg9 : memref<128x128xf32, #tpu.memory_space<vmem>>)
      %run_scoped3A_145 = arith.constant 4 : i32
      "tpu.region"() ({
        %run_scoped3A_184 = tpu.sem_alloc : memref<!tpu.dma_semaphore, #tpu.memory_space<semaphore_mem>>
        %dma_start3A_185 = arith.constant 0 : i32
        %dma_start3A_186 = tpu.memref_slice %arg8[%run_scoped3A_145, %dma_start3A_185] : memref<8x128xi32, #tpu.memory_space<vmem>> -> memref<1x128xi32, #tpu.memory_space<vmem>>
        %dma_start3A_187 = tpu.memref_squeeze %dma_start3A_186 : memref<1x128xi32, #tpu.memory_space<vmem>> -> memref<128xi32, #tpu.memory_space<vmem>>
        %dma_start3A_188 = arith.constant 0 : i32
        %dma_start3A_189 = arith.constant 0 : i32
        %dma_start3A_190 = tpu.memref_slice %arg6[%dma_start3A_188, %dma_start3A_189] : memref<10112x128xf32, #tpu.memory_space<vmem_shared>> -> memref<10112x128xf32, #tpu.memory_space<vmem_shared>>
        tpu.enqueue_indirect_dma source(%arg9 : memref<128x128xf32, #tpu.memory_space<vmem>>) target(%dma_start3A_190 : memref<10112x128xf32, #tpu.memory_space<vmem_shared>>) offsets(%dma_start3A_187 : memref<128xi32, #tpu.memory_space<vmem>>) semaphore(%run_scoped3A_184 : memref<!tpu.dma_semaphore, #tpu.memory_space<semaphore_mem>>) {add = true}
        %dma_wait3A_191 = arith.constant 0 : i32
        %dma_wait3A_192 = tpu.memref_slice %arg8[%run_scoped3A_145, %dma_wait3A_191] : memref<8x128xi32, #tpu.memory_space<vmem>> -> memref<1x128xi32, #tpu.memory_space<vmem>>
        %dma_wait3A_193 = tpu.memref_squeeze %dma_wait3A_192 : memref<1x128xi32, #tpu.memory_space<vmem>> -> memref<128xi32, #tpu.memory_space<vmem>>
        %dma_wait3A_194 = arith.constant 0 : i32
        %dma_wait3A_195 = arith.constant 0 : i32
        %dma_wait3A_196 = tpu.memref_slice %arg6[%dma_wait3A_194, %dma_wait3A_195] : memref<10112x128xf32, #tpu.memory_space<vmem_shared>> -> memref<10112x128xf32, #tpu.memory_space<vmem_shared>>
        tpu.wait_indirect_dma semaphore(%run_scoped3A_184 : memref<!tpu.dma_semaphore, #tpu.memory_space<semaphore_mem>>) src(%arg9 : memref<128x128xf32, #tpu.memory_space<vmem>>) dst(%dma_wait3A_196 : memref<10112x128xf32, #tpu.memory_space<vmem_shared>>)
        tpu.yield
      }) : () -> ()
      %dma_start3A_146 = arith.constant 6 : i32
      %dma_start3A_147 = arith.constant 0 : i32
      %dma_start3A_148 = tpu.memref_slice %arg7[%dma_start3A_146, %dma_start3A_147] : memref<8x128xi32, #tpu.memory_space<vmem>> -> memref<1x128xi32, #tpu.memory_space<vmem>>
      %dma_start3A_149 = tpu.memref_squeeze %dma_start3A_148 : memref<1x128xi32, #tpu.memory_space<vmem>> -> memref<128xi32, #tpu.memory_space<vmem>>
      %dma_start3A_150 = arith.constant 0 : i32
      %dma_start3A_151 = arith.constant 0 : i32
      %dma_start3A_152 = tpu.memref_slice %arg4[%dma_start3A_150, %dma_start3A_151] : memref<10000x128xf32, #tpu.memory_space<hbm>> -> memref<10000x128xf32, #tpu.memory_space<hbm>>
      tpu.enqueue_indirect_dma source(%dma_start3A_152 : memref<10000x128xf32, #tpu.memory_space<hbm>>) target(%arg9 : memref<128x128xf32, #tpu.memory_space<vmem>>) offsets(%dma_start3A_149 : memref<128xi32, #tpu.memory_space<vmem>>) semaphore(%arg11 : memref<!tpu.dma_semaphore, #tpu.memory_space<semaphore_mem>>)
      %dma_wait3A_153 = arith.constant 5 : i32
      %dma_wait3A_154 = arith.constant 0 : i32
      %dma_wait3A_155 = tpu.memref_slice %arg7[%dma_wait3A_153, %dma_wait3A_154] : memref<8x128xi32, #tpu.memory_space<vmem>> -> memref<1x128xi32, #tpu.memory_space<vmem>>
      %dma_wait3A_156 = tpu.memref_squeeze %dma_wait3A_155 : memref<1x128xi32, #tpu.memory_space<vmem>> -> memref<128xi32, #tpu.memory_space<vmem>>
      %dma_wait3A_157 = arith.constant 0 : i32
      %dma_wait3A_158 = arith.constant 0 : i32
      %dma_wait3A_159 = tpu.memref_slice %arg4[%dma_wait3A_157, %dma_wait3A_158] : memref<10000x128xf32, #tpu.memory_space<hbm>> -> memref<10000x128xf32, #tpu.memory_space<hbm>>
      tpu.wait_indirect_dma semaphore(%arg12 : memref<!tpu.dma_semaphore, #tpu.memory_space<semaphore_mem>>) src(%dma_wait3A_159 : memref<10000x128xf32, #tpu.memory_space<hbm>>) dst(%arg10 : memref<128x128xf32, #tpu.memory_space<vmem>>)
      %run_scoped3A_160 = arith.constant 5 : i32
      "tpu.region"() ({
        %run_scoped3A_184 = tpu.sem_alloc : memref<!tpu.dma_semaphore, #tpu.memory_space<semaphore_mem>>
        %dma_start3A_185 = arith.constant 0 : i32
        %dma_start3A_186 = tpu.memref_slice %arg8[%run_scoped3A_160, %dma_start3A_185] : memref<8x128xi32, #tpu.memory_space<vmem>> -> memref<1x128xi32, #tpu.memory_space<vmem>>
        %dma_start3A_187 = tpu.memref_squeeze %dma_start3A_186 : memref<1x128xi32, #tpu.memory_space<vmem>> -> memref<128xi32, #tpu.memory_space<vmem>>
        %dma_start3A_188 = arith.constant 0 : i32
        %dma_start3A_189 = arith.constant 0 : i32
        %dma_start3A_190 = tpu.memref_slice %arg6[%dma_start3A_188, %dma_start3A_189] : memref<10112x128xf32, #tpu.memory_space<vmem_shared>> -> memref<10112x128xf32, #tpu.memory_space<vmem_shared>>
        tpu.enqueue_indirect_dma source(%arg10 : memref<128x128xf32, #tpu.memory_space<vmem>>) target(%dma_start3A_190 : memref<10112x128xf32, #tpu.memory_space<vmem_shared>>) offsets(%dma_start3A_187 : memref<128xi32, #tpu.memory_space<vmem>>) semaphore(%run_scoped3A_184 : memref<!tpu.dma_semaphore, #tpu.memory_space<semaphore_mem>>) {add = true}
        %dma_wait3A_191 = arith.constant 0 : i32
        %dma_wait3A_192 = tpu.memref_slice %arg8[%run_scoped3A_160, %dma_wait3A_191] : memref<8x128xi32, #tpu.memory_space<vmem>> -> memref<1x128xi32, #tpu.memory_space<vmem>>
        %dma_wait3A_193 = tpu.memref_squeeze %dma_wait3A_192 : memref<1x128xi32, #tpu.memory_space<vmem>> -> memref<128xi32, #tpu.memory_space<vmem>>
        %dma_wait3A_194 = arith.constant 0 : i32
        %dma_wait3A_195 = arith.constant 0 : i32
        %dma_wait3A_196 = tpu.memref_slice %arg6[%dma_wait3A_194, %dma_wait3A_195] : memref<10112x128xf32, #tpu.memory_space<vmem_shared>> -> memref<10112x128xf32, #tpu.memory_space<vmem_shared>>
        tpu.wait_indirect_dma semaphore(%run_scoped3A_184 : memref<!tpu.dma_semaphore, #tpu.memory_space<semaphore_mem>>) src(%arg10 : memref<128x128xf32, #tpu.memory_space<vmem>>) dst(%dma_wait3A_196 : memref<10112x128xf32, #tpu.memory_space<vmem_shared>>)
        tpu.yield
      }) : () -> ()
      %dma_start3A_161 = arith.constant 7 : i32
      %dma_start3A_162 = arith.constant 0 : i32
      %dma_start3A_163 = tpu.memref_slice %arg7[%dma_start3A_161, %dma_start3A_162] : memref<8x128xi32, #tpu.memory_space<vmem>> -> memref<1x128xi32, #tpu.memory_space<vmem>>
      %dma_start3A_164 = tpu.memref_squeeze %dma_start3A_163 : memref<1x128xi32, #tpu.memory_space<vmem>> -> memref<128xi32, #tpu.memory_space<vmem>>
      %dma_start3A_165 = arith.constant 0 : i32
      %dma_start3A_166 = arith.constant 0 : i32
      %dma_start3A_167 = tpu.memref_slice %arg4[%dma_start3A_165, %dma_start3A_166] : memref<10000x128xf32, #tpu.memory_space<hbm>> -> memref<10000x128xf32, #tpu.memory_space<hbm>>
      tpu.enqueue_indirect_dma source(%dma_start3A_167 : memref<10000x128xf32, #tpu.memory_space<hbm>>) target(%arg10 : memref<128x128xf32, #tpu.memory_space<vmem>>) offsets(%dma_start3A_164 : memref<128xi32, #tpu.memory_space<vmem>>) semaphore(%arg12 : memref<!tpu.dma_semaphore, #tpu.memory_space<semaphore_mem>>)
      %dma_wait3A_168 = arith.constant 6 : i32
      %dma_wait3A_169 = arith.constant 0 : i32
      %dma_wait3A_170 = tpu.memref_slice %arg7[%dma_wait3A_168, %dma_wait3A_169] : memref<8x128xi32, #tpu.memory_space<vmem>> -> memref<1x128xi32, #tpu.memory_space<vmem>>
      %dma_wait3A_171 = tpu.memref_squeeze %dma_wait3A_170 : memref<1x128xi32, #tpu.memory_space<vmem>> -> memref<128xi32, #tpu.memory_space<vmem>>
      %dma_wait3A_172 = arith.constant 0 : i32
      %dma_wait3A_173 = arith.constant 0 : i32
      %dma_wait3A_174 = tpu.memref_slice %arg4[%dma_wait3A_172, %dma_wait3A_173] : memref<10000x128xf32, #tpu.memory_space<hbm>> -> memref<10000x128xf32, #tpu.memory_space<hbm>>
      tpu.wait_indirect_dma semaphore(%arg11 : memref<!tpu.dma_semaphore, #tpu.memory_space<semaphore_mem>>) src(%dma_wait3A_174 : memref<10000x128xf32, #tpu.memory_space<hbm>>) dst(%arg9 : memref<128x128xf32, #tpu.memory_space<vmem>>)
      %run_scoped3A_175 = arith.constant 6 : i32
      "tpu.region"() ({
        %run_scoped3A_184 = tpu.sem_alloc : memref<!tpu.dma_semaphore, #tpu.memory_space<semaphore_mem>>
        %dma_start3A_185 = arith.constant 0 : i32
        %dma_start3A_186 = tpu.memref_slice %arg8[%run_scoped3A_175, %dma_start3A_185] : memref<8x128xi32, #tpu.memory_space<vmem>> -> memref<1x128xi32, #tpu.memory_space<vmem>>
        %dma_start3A_187 = tpu.memref_squeeze %dma_start3A_186 : memref<1x128xi32, #tpu.memory_space<vmem>> -> memref<128xi32, #tpu.memory_space<vmem>>
        %dma_start3A_188 = arith.constant 0 : i32
        %dma_start3A_189 = arith.constant 0 : i32
        %dma_start3A_190 = tpu.memref_slice %arg6[%dma_start3A_188, %dma_start3A_189] : memref<10112x128xf32, #tpu.memory_space<vmem_shared>> -> memref<10112x128xf32, #tpu.memory_space<vmem_shared>>
        tpu.enqueue_indirect_dma source(%arg9 : memref<128x128xf32, #tpu.memory_space<vmem>>) target(%dma_start3A_190 : memref<10112x128xf32, #tpu.memory_space<vmem_shared>>) offsets(%dma_start3A_187 : memref<128xi32, #tpu.memory_space<vmem>>) semaphore(%run_scoped3A_184 : memref<!tpu.dma_semaphore, #tpu.memory_space<semaphore_mem>>) {add = true}
        %dma_wait3A_191 = arith.constant 0 : i32
        %dma_wait3A_192 = tpu.memref_slice %arg8[%run_scoped3A_175, %dma_wait3A_191] : memref<8x128xi32, #tpu.memory_space<vmem>> -> memref<1x128xi32, #tpu.memory_space<vmem>>
        %dma_wait3A_193 = tpu.memref_squeeze %dma_wait3A_192 : memref<1x128xi32, #tpu.memory_space<vmem>> -> memref<128xi32, #tpu.memory_space<vmem>>
        %dma_wait3A_194 = arith.constant 0 : i32
        %dma_wait3A_195 = arith.constant 0 : i32
        %dma_wait3A_196 = tpu.memref_slice %arg6[%dma_wait3A_194, %dma_wait3A_195] : memref<10112x128xf32, #tpu.memory_space<vmem_shared>> -> memref<10112x128xf32, #tpu.memory_space<vmem_shared>>
        tpu.wait_indirect_dma semaphore(%run_scoped3A_184 : memref<!tpu.dma_semaphore, #tpu.memory_space<semaphore_mem>>) src(%arg9 : memref<128x128xf32, #tpu.memory_space<vmem>>) dst(%dma_wait3A_196 : memref<10112x128xf32, #tpu.memory_space<vmem_shared>>)
        tpu.yield
      }) : () -> ()
      %dma_wait3A_176 = arith.constant 7 : i32
      %dma_wait3A_177 = arith.constant 0 : i32
      %dma_wait3A_178 = tpu.memref_slice %arg7[%dma_wait3A_176, %dma_wait3A_177] : memref<8x128xi32, #tpu.memory_space<vmem>> -> memref<1x128xi32, #tpu.memory_space<vmem>>
      %dma_wait3A_179 = tpu.memref_squeeze %dma_wait3A_178 : memref<1x128xi32, #tpu.memory_space<vmem>> -> memref<128xi32, #tpu.memory_space<vmem>>
      %dma_wait3A_180 = arith.constant 0 : i32
      %dma_wait3A_181 = arith.constant 0 : i32
      %dma_wait3A_182 = tpu.memref_slice %arg4[%dma_wait3A_180, %dma_wait3A_181] : memref<10000x128xf32, #tpu.memory_space<hbm>> -> memref<10000x128xf32, #tpu.memory_space<hbm>>
      tpu.wait_indirect_dma semaphore(%arg12 : memref<!tpu.dma_semaphore, #tpu.memory_space<semaphore_mem>>) src(%dma_wait3A_182 : memref<10000x128xf32, #tpu.memory_space<hbm>>) dst(%arg10 : memref<128x128xf32, #tpu.memory_space<vmem>>)
      %run_scoped3A_183 = arith.constant 7 : i32
      "tpu.region"() ({
        %run_scoped3A_184 = tpu.sem_alloc : memref<!tpu.dma_semaphore, #tpu.memory_space<semaphore_mem>>
        %dma_start3A_185 = arith.constant 0 : i32
        %dma_start3A_186 = tpu.memref_slice %arg8[%run_scoped3A_183, %dma_start3A_185] : memref<8x128xi32, #tpu.memory_space<vmem>> -> memref<1x128xi32, #tpu.memory_space<vmem>>
        %dma_start3A_187 = tpu.memref_squeeze %dma_start3A_186 : memref<1x128xi32, #tpu.memory_space<vmem>> -> memref<128xi32, #tpu.memory_space<vmem>>
        %dma_start3A_188 = arith.constant 0 : i32
        %dma_start3A_189 = arith.constant 0 : i32
        %dma_start3A_190 = tpu.memref_slice %arg6[%dma_start3A_188, %dma_start3A_189] : memref<10112x128xf32, #tpu.memory_space<vmem_shared>> -> memref<10112x128xf32, #tpu.memory_space<vmem_shared>>
        tpu.enqueue_indirect_dma source(%arg10 : memref<128x128xf32, #tpu.memory_space<vmem>>) target(%dma_start3A_190 : memref<10112x128xf32, #tpu.memory_space<vmem_shared>>) offsets(%dma_start3A_187 : memref<128xi32, #tpu.memory_space<vmem>>) semaphore(%run_scoped3A_184 : memref<!tpu.dma_semaphore, #tpu.memory_space<semaphore_mem>>) {add = true}
        %dma_wait3A_191 = arith.constant 0 : i32
        %dma_wait3A_192 = tpu.memref_slice %arg8[%run_scoped3A_183, %dma_wait3A_191] : memref<8x128xi32, #tpu.memory_space<vmem>> -> memref<1x128xi32, #tpu.memory_space<vmem>>
        %dma_wait3A_193 = tpu.memref_squeeze %dma_wait3A_192 : memref<1x128xi32, #tpu.memory_space<vmem>> -> memref<128xi32, #tpu.memory_space<vmem>>
        %dma_wait3A_194 = arith.constant 0 : i32
        %dma_wait3A_195 = arith.constant 0 : i32
        %dma_wait3A_196 = tpu.memref_slice %arg6[%dma_wait3A_194, %dma_wait3A_195] : memref<10112x128xf32, #tpu.memory_space<vmem_shared>> -> memref<10112x128xf32, #tpu.memory_space<vmem_shared>>
        tpu.wait_indirect_dma semaphore(%run_scoped3A_184 : memref<!tpu.dma_semaphore, #tpu.memory_space<semaphore_mem>>) src(%arg10 : memref<128x128xf32, #tpu.memory_space<vmem>>) dst(%dma_wait3A_196 : memref<10112x128xf32, #tpu.memory_space<vmem_shared>>)
        tpu.yield
      }) : () -> ()
    }
    %while3A_38 = arith.constant 1 : i32
    scf.for %while3A_60 = %while3A_36 to %while3A_32 step %while3A_38  : i32 {
      %mul3A_61 = arith.constant 8 : i32
      %mul3A_62 = arith.muli %while3A_60, %mul3A_61 : i32
      %add3A_63 = arith.addi %select_n3A, %mul3A_62 : i32
      "tpu.region"() ({
        %run_scoped3A_184 = tpu.sem_alloc : memref<!tpu.dma_semaphore, #tpu.memory_space<semaphore_mem>>
        %dma_start3A_185 = arith.constant 0 : i32
        %dma_start3A_186 = tpu.memref_slice %arg2[%add3A_63, %dma_start3A_185] : memref<2560x128xi32, #tpu.memory_space<hbm>> -> memref<8x128xi32, #tpu.memory_space<hbm>>
        %dma_start3A_187 = arith.constant 0 : i32
        %dma_start3A_188 = tpu.memref_slice %arg2[%add3A_63, %dma_start3A_187] : memref<2560x128xi32, #tpu.memory_space<hbm>> -> memref<8x128xi32, #tpu.memory_space<hbm>>
        tpu.enqueue_dma source(%dma_start3A_188 : memref<8x128xi32, #tpu.memory_space<hbm>>) target(%arg7 : memref<8x128xi32, #tpu.memory_space<vmem>>) target_semaphore(%run_scoped3A_184 : memref<!tpu.dma_semaphore, #tpu.memory_space<semaphore_mem>>)
        %dma_wait3A_189 = arith.constant 0 : i32
        %dma_wait3A_190 = tpu.memref_slice %arg2[%add3A_63, %dma_wait3A_189] : memref<2560x128xi32, #tpu.memory_space<hbm>> -> memref<8x128xi32, #tpu.memory_space<hbm>>
        %dma_wait3A_191 = arith.constant 0 : i32
        %dma_wait3A_192 = tpu.memref_slice %arg2[%add3A_63, %dma_wait3A_191] : memref<2560x128xi32, #tpu.memory_space<hbm>> -> memref<8x128xi32, #tpu.memory_space<hbm>>
        tpu.wait_dma2 semaphore(%run_scoped3A_184 : memref<!tpu.dma_semaphore, #tpu.memory_space<semaphore_mem>>) src(%dma_wait3A_192 : memref<8x128xi32, #tpu.memory_space<hbm>>) dst(%arg7 : memref<8x128xi32, #tpu.memory_space<vmem>>)
        tpu.yield
      }) : () -> ()
      %mul3A_64 = arith.constant 8 : i32
      %mul3A_65 = arith.muli %while3A_60, %mul3A_64 : i32
      %add3A_66 = arith.addi %select_n3A, %mul3A_65 : i32
      "tpu.region"() ({
        %run_scoped3A_184 = tpu.sem_alloc : memref<!tpu.dma_semaphore, #tpu.memory_space<semaphore_mem>>
        %dma_start3A_185 = arith.constant 0 : i32
        %dma_start3A_186 = tpu.memref_slice %arg3[%add3A_66, %dma_start3A_185] : memref<2560x128xi32, #tpu.memory_space<hbm>> -> memref<8x128xi32, #tpu.memory_space<hbm>>
        %dma_start3A_187 = arith.constant 0 : i32
        %dma_start3A_188 = tpu.memref_slice %arg3[%add3A_66, %dma_start3A_187] : memref<2560x128xi32, #tpu.memory_space<hbm>> -> memref<8x128xi32, #tpu.memory_space<hbm>>
        tpu.enqueue_dma source(%dma_start3A_188 : memref<8x128xi32, #tpu.memory_space<hbm>>) target(%arg8 : memref<8x128xi32, #tpu.memory_space<vmem>>) target_semaphore(%run_scoped3A_184 : memref<!tpu.dma_semaphore, #tpu.memory_space<semaphore_mem>>)
        %dma_wait3A_189 = arith.constant 0 : i32
        %dma_wait3A_190 = tpu.memref_slice %arg3[%add3A_66, %dma_wait3A_189] : memref<2560x128xi32, #tpu.memory_space<hbm>> -> memref<8x128xi32, #tpu.memory_space<hbm>>
        %dma_wait3A_191 = arith.constant 0 : i32
        %dma_wait3A_192 = tpu.memref_slice %arg3[%add3A_66, %dma_wait3A_191] : memref<2560x128xi32, #tpu.memory_space<hbm>> -> memref<8x128xi32, #tpu.memory_space<hbm>>
        tpu.wait_dma2 semaphore(%run_scoped3A_184 : memref<!tpu.dma_semaphore, #tpu.memory_space<semaphore_mem>>) src(%dma_wait3A_192 : memref<8x128xi32, #tpu.memory_space<hbm>>) dst(%arg8 : memref<8x128xi32, #tpu.memory_space<vmem>>)
        tpu.yield
      }) : () -> ()
      %dma_start3A = arith.constant 0 : i32
      %dma_start3A_67 = arith.constant 0 : i32
      %dma_start3A_68 = tpu.memref_slice %arg7[%dma_start3A, %dma_start3A_67] : memref<8x128xi32, #tpu.memory_space<vmem>> -> memref<1x128xi32, #tpu.memory_space<vmem>>
      %dma_start3A_69 = tpu.memref_squeeze %dma_start3A_68 : memref<1x128xi32, #tpu.memory_space<vmem>> -> memref<128xi32, #tpu.memory_space<vmem>>
      %dma_start3A_70 = arith.constant 0 : i32
      %dma_start3A_71 = arith.constant 0 : i32
      %dma_start3A_72 = tpu.memref_slice %arg4[%dma_start3A_70, %dma_start3A_71] : memref<10000x128xf32, #tpu.memory_space<hbm>> -> memref<10000x128xf32, #tpu.memory_space<hbm>>
      tpu.enqueue_indirect_dma source(%dma_start3A_72 : memref<10000x128xf32, #tpu.memory_space<hbm>>) target(%arg9 : memref<128x128xf32, #tpu.memory_space<vmem>>) offsets(%dma_start3A_69 : memref<128xi32, #tpu.memory_space<vmem>>) semaphore(%arg11 : memref<!tpu.dma_semaphore, #tpu.memory_space<semaphore_mem>>)
      %dma_start3A_73 = arith.constant 1 : i32
      %dma_start3A_74 = arith.constant 0 : i32
      %dma_start3A_75 = tpu.memref_slice %arg7[%dma_start3A_73, %dma_start3A_74] : memref<8x128xi32, #tpu.memory_space<vmem>> -> memref<1x128xi32, #tpu.memory_space<vmem>>
      %dma_start3A_76 = tpu.memref_squeeze %dma_start3A_75 : memref<1x128xi32, #tpu.memory_space<vmem>> -> memref<128xi32, #tpu.memory_space<vmem>>
      %dma_start3A_77 = arith.constant 0 : i32
      %dma_start3A_78 = arith.constant 0 : i32
      %dma_start3A_79 = tpu.memref_slice %arg4[%dma_start3A_77, %dma_start3A_78] : memref<10000x128xf32, #tpu.memory_space<hbm>> -> memref<10000x128xf32, #tpu.memory_space<hbm>>
      tpu.enqueue_indirect_dma source(%dma_start3A_79 : memref<10000x128xf32, #tpu.memory_space<hbm>>) target(%arg10 : memref<128x128xf32, #tpu.memory_space<vmem>>) offsets(%dma_start3A_76 : memref<128xi32, #tpu.memory_space<vmem>>) semaphore(%arg12 : memref<!tpu.dma_semaphore, #tpu.memory_space<semaphore_mem>>)
      %dma_wait3A = arith.constant 0 : i32
      %dma_wait3A_80 = arith.constant 0 : i32
      %dma_wait3A_81 = tpu.memref_slice %arg7[%dma_wait3A, %dma_wait3A_80] : memref<8x128xi32, #tpu.memory_space<vmem>> -> memref<1x128xi32, #tpu.memory_space<vmem>>
      %dma_wait3A_82 = tpu.memref_squeeze %dma_wait3A_81 : memref<1x128xi32, #tpu.memory_space<vmem>> -> memref<128xi32, #tpu.memory_space<vmem>>
      %dma_wait3A_83 = arith.constant 0 : i32
      %dma_wait3A_84 = arith.constant 0 : i32
      %dma_wait3A_85 = tpu.memref_slice %arg4[%dma_wait3A_83, %dma_wait3A_84] : memref<10000x128xf32, #tpu.memory_space<hbm>> -> memref<10000x128xf32, #tpu.memory_space<hbm>>
      tpu.wait_indirect_dma semaphore(%arg11 : memref<!tpu.dma_semaphore, #tpu.memory_space<semaphore_mem>>) src(%dma_wait3A_85 : memref<10000x128xf32, #tpu.memory_space<hbm>>) dst(%arg9 : memref<128x128xf32, #tpu.memory_space<vmem>>)
      %run_scoped3A = arith.constant 0 : i32
      "tpu.region"() ({
        %run_scoped3A_184 = tpu.sem_alloc : memref<!tpu.dma_semaphore, #tpu.memory_space<semaphore_mem>>
        %dma_start3A_185 = arith.constant 0 : i32
        %dma_start3A_186 = tpu.memref_slice %arg8[%run_scoped3A, %dma_start3A_185] : memref<8x128xi32, #tpu.memory_space<vmem>> -> memref<1x128xi32, #tpu.memory_space<vmem>>
        %dma_start3A_187 = tpu.memref_squeeze %dma_start3A_186 : memref<1x128xi32, #tpu.memory_space<vmem>> -> memref<128xi32, #tpu.memory_space<vmem>>
        %dma_start3A_188 = arith.constant 0 : i32
        %dma_start3A_189 = arith.constant 0 : i32
        %dma_start3A_190 = tpu.memref_slice %arg6[%dma_start3A_188, %dma_start3A_189] : memref<10112x128xf32, #tpu.memory_space<vmem_shared>> -> memref<10112x128xf32, #tpu.memory_space<vmem_shared>>
        tpu.enqueue_indirect_dma source(%arg9 : memref<128x128xf32, #tpu.memory_space<vmem>>) target(%dma_start3A_190 : memref<10112x128xf32, #tpu.memory_space<vmem_shared>>) offsets(%dma_start3A_187 : memref<128xi32, #tpu.memory_space<vmem>>) semaphore(%run_scoped3A_184 : memref<!tpu.dma_semaphore, #tpu.memory_space<semaphore_mem>>) {add = true}
        %dma_wait3A_191 = arith.constant 0 : i32
        %dma_wait3A_192 = tpu.memref_slice %arg8[%run_scoped3A, %dma_wait3A_191] : memref<8x128xi32, #tpu.memory_space<vmem>> -> memref<1x128xi32, #tpu.memory_space<vmem>>
        %dma_wait3A_193 = tpu.memref_squeeze %dma_wait3A_192 : memref<1x128xi32, #tpu.memory_space<vmem>> -> memref<128xi32, #tpu.memory_space<vmem>>
        %dma_wait3A_194 = arith.constant 0 : i32
        %dma_wait3A_195 = arith.constant 0 : i32
        %dma_wait3A_196 = tpu.memref_slice %arg6[%dma_wait3A_194, %dma_wait3A_195] : memref<10112x128xf32, #tpu.memory_space<vmem_shared>> -> memref<10112x128xf32, #tpu.memory_space<vmem_shared>>
        tpu.wait_indirect_dma semaphore(%run_scoped3A_184 : memref<!tpu.dma_semaphore, #tpu.memory_space<semaphore_mem>>) src(%arg9 : memref<128x128xf32, #tpu.memory_space<vmem>>) dst(%dma_wait3A_196 : memref<10112x128xf32, #tpu.memory_space<vmem_shared>>)
        tpu.yield
      }) : () -> ()
      %dma_start3A_86 = arith.constant 2 : i32
      %dma_start3A_87 = arith.constant 0 : i32
      %dma_start3A_88 = tpu.memref_slice %arg7[%dma_start3A_86, %dma_start3A_87] : memref<8x128xi32, #tpu.memory_space<vmem>> -> memref<1x128xi32, #tpu.memory_space<vmem>>
      %dma_start3A_89 = tpu.memref_squeeze %dma_start3A_88 : memref<1x128xi32, #tpu.memory_space<vmem>> -> memref<128xi32, #tpu.memory_space<vmem>>
      %dma_start3A_90 = arith.constant 0 : i32
      %dma_start3A_91 = arith.constant 0 : i32
      %dma_start3A_92 = tpu.memref_slice %arg4[%dma_start3A_90, %dma_start3A_91] : memref<10000x128xf32, #tpu.memory_space<hbm>> -> memref<10000x128xf32, #tpu.memory_space<hbm>>
      tpu.enqueue_indirect_dma source(%dma_start3A_92 : memref<10000x128xf32, #tpu.memory_space<hbm>>) target(%arg9 : memref<128x128xf32, #tpu.memory_space<vmem>>) offsets(%dma_start3A_89 : memref<128xi32, #tpu.memory_space<vmem>>) semaphore(%arg11 : memref<!tpu.dma_semaphore, #tpu.memory_space<semaphore_mem>>)
      %dma_wait3A_93 = arith.constant 1 : i32
      %dma_wait3A_94 = arith.constant 0 : i32
      %dma_wait3A_95 = tpu.memref_slice %arg7[%dma_wait3A_93, %dma_wait3A_94] : memref<8x128xi32, #tpu.memory_space<vmem>> -> memref<1x128xi32, #tpu.memory_space<vmem>>
      %dma_wait3A_96 = tpu.memref_squeeze %dma_wait3A_95 : memref<1x128xi32, #tpu.memory_space<vmem>> -> memref<128xi32, #tpu.memory_space<vmem>>
      %dma_wait3A_97 = arith.constant 0 : i32
      %dma_wait3A_98 = arith.constant 0 : i32
      %dma_wait3A_99 = tpu.memref_slice %arg4[%dma_wait3A_97, %dma_wait3A_98] : memref<10000x128xf32, #tpu.memory_space<hbm>> -> memref<10000x128xf32, #tpu.memory_space<hbm>>
      tpu.wait_indirect_dma semaphore(%arg12 : memref<!tpu.dma_semaphore, #tpu.memory_space<semaphore_mem>>) src(%dma_wait3A_99 : memref<10000x128xf32, #tpu.memory_space<hbm>>) dst(%arg10 : memref<128x128xf32, #tpu.memory_space<vmem>>)
      %run_scoped3A_100 = arith.constant 1 : i32
      "tpu.region"() ({
        %run_scoped3A_184 = tpu.sem_alloc : memref<!tpu.dma_semaphore, #tpu.memory_space<semaphore_mem>>
        %dma_start3A_185 = arith.constant 0 : i32
        %dma_start3A_186 = tpu.memref_slice %arg8[%run_scoped3A_100, %dma_start3A_185] : memref<8x128xi32, #tpu.memory_space<vmem>> -> memref<1x128xi32, #tpu.memory_space<vmem>>
        %dma_start3A_187 = tpu.memref_squeeze %dma_start3A_186 : memref<1x128xi32, #tpu.memory_space<vmem>> -> memref<128xi32, #tpu.memory_space<vmem>>
        %dma_start3A_188 = arith.constant 0 : i32
        %dma_start3A_189 = arith.constant 0 : i32
        %dma_start3A_190 = tpu.memref_slice %arg6[%dma_start3A_188, %dma_start3A_189] : memref<10112x128xf32, #tpu.memory_space<vmem_shared>> -> memref<10112x128xf32, #tpu.memory_space<vmem_shared>>
        tpu.enqueue_indirect_dma source(%arg10 : memref<128x128xf32, #tpu.memory_space<vmem>>) target(%dma_start3A_190 : memref<10112x128xf32, #tpu.memory_space<vmem_shared>>) offsets(%dma_start3A_187 : memref<128xi32, #tpu.memory_space<vmem>>) semaphore(%run_scoped3A_184 : memref<!tpu.dma_semaphore, #tpu.memory_space<semaphore_mem>>) {add = true}
        %dma_wait3A_191 = arith.constant 0 : i32
        %dma_wait3A_192 = tpu.memref_slice %arg8[%run_scoped3A_100, %dma_wait3A_191] : memref<8x128xi32, #tpu.memory_space<vmem>> -> memref<1x128xi32, #tpu.memory_space<vmem>>
        %dma_wait3A_193 = tpu.memref_squeeze %dma_wait3A_192 : memref<1x128xi32, #tpu.memory_space<vmem>> -> memref<128xi32, #tpu.memory_space<vmem>>
        %dma_wait3A_194 = arith.constant 0 : i32
        %dma_wait3A_195 = arith.constant 0 : i32
        %dma_wait3A_196 = tpu.memref_slice %arg6[%dma_wait3A_194, %dma_wait3A_195] : memref<10112x128xf32, #tpu.memory_space<vmem_shared>> -> memref<10112x128xf32, #tpu.memory_space<vmem_shared>>
        tpu.wait_indirect_dma semaphore(%run_scoped3A_184 : memref<!tpu.dma_semaphore, #tpu.memory_space<semaphore_mem>>) src(%arg10 : memref<128x128xf32, #tpu.memory_space<vmem>>) dst(%dma_wait3A_196 : memref<10112x128xf32, #tpu.memory_space<vmem_shared>>)
        tpu.yield
      }) : () -> ()
      %dma_start3A_101 = arith.constant 3 : i32
      %dma_start3A_102 = arith.constant 0 : i32
      %dma_start3A_103 = tpu.memref_slice %arg7[%dma_start3A_101, %dma_start3A_102] : memref<8x128xi32, #tpu.memory_space<vmem>> -> memref<1x128xi32, #tpu.memory_space<vmem>>
      %dma_start3A_104 = tpu.memref_squeeze %dma_start3A_103 : memref<1x128xi32, #tpu.memory_space<vmem>> -> memref<128xi32, #tpu.memory_space<vmem>>
      %dma_start3A_105 = arith.constant 0 : i32
      %dma_start3A_106 = arith.constant 0 : i32
      %dma_start3A_107 = tpu.memref_slice %arg4[%dma_start3A_105, %dma_start3A_106] : memref<10000x128xf32, #tpu.memory_space<hbm>> -> memref<10000x128xf32, #tpu.memory_space<hbm>>
      tpu.enqueue_indirect_dma source(%dma_start3A_107 : memref<10000x128xf32, #tpu.memory_space<hbm>>) target(%arg10 : memref<128x128xf32, #tpu.memory_space<vmem>>) offsets(%dma_start3A_104 : memref<128xi32, #tpu.memory_space<vmem>>) semaphore(%arg12 : memref<!tpu.dma_semaphore, #tpu.memory_space<semaphore_mem>>)
      %dma_wait3A_108 = arith.constant 2 : i32
      %dma_wait3A_109 = arith.constant 0 : i32
      %dma_wait3A_110 = tpu.memref_slice %arg7[%dma_wait3A_108, %dma_wait3A_109] : memref<8x128xi32, #tpu.memory_space<vmem>> -> memref<1x128xi32, #tpu.memory_space<vmem>>
      %dma_wait3A_111 = tpu.memref_squeeze %dma_wait3A_110 : memref<1x128xi32, #tpu.memory_space<vmem>> -> memref<128xi32, #tpu.memory_space<vmem>>
      %dma_wait3A_112 = arith.constant 0 : i32
      %dma_wait3A_113 = arith.constant 0 : i32
      %dma_wait3A_114 = tpu.memref_slice %arg4[%dma_wait3A_112, %dma_wait3A_113] : memref<10000x128xf32, #tpu.memory_space<hbm>> -> memref<10000x128xf32, #tpu.memory_space<hbm>>
      tpu.wait_indirect_dma semaphore(%arg11 : memref<!tpu.dma_semaphore, #tpu.memory_space<semaphore_mem>>) src(%dma_wait3A_114 : memref<10000x128xf32, #tpu.memory_space<hbm>>) dst(%arg9 : memref<128x128xf32, #tpu.memory_space<vmem>>)
      %run_scoped3A_115 = arith.constant 2 : i32
      "tpu.region"() ({
        %run_scoped3A_184 = tpu.sem_alloc : memref<!tpu.dma_semaphore, #tpu.memory_space<semaphore_mem>>
        %dma_start3A_185 = arith.constant 0 : i32
        %dma_start3A_186 = tpu.memref_slice %arg8[%run_scoped3A_115, %dma_start3A_185] : memref<8x128xi32, #tpu.memory_space<vmem>> -> memref<1x128xi32, #tpu.memory_space<vmem>>
        %dma_start3A_187 = tpu.memref_squeeze %dma_start3A_186 : memref<1x128xi32, #tpu.memory_space<vmem>> -> memref<128xi32, #tpu.memory_space<vmem>>
        %dma_start3A_188 = arith.constant 0 : i32
        %dma_start3A_189 = arith.constant 0 : i32
        %dma_start3A_190 = tpu.memref_slice %arg6[%dma_start3A_188, %dma_start3A_189] : memref<10112x128xf32, #tpu.memory_space<vmem_shared>> -> memref<10112x128xf32, #tpu.memory_space<vmem_shared>>
        tpu.enqueue_indirect_dma source(%arg9 : memref<128x128xf32, #tpu.memory_space<vmem>>) target(%dma_start3A_190 : memref<10112x128xf32, #tpu.memory_space<vmem_shared>>) offsets(%dma_start3A_187 : memref<128xi32, #tpu.memory_space<vmem>>) semaphore(%run_scoped3A_184 : memref<!tpu.dma_semaphore, #tpu.memory_space<semaphore_mem>>) {add = true}
        %dma_wait3A_191 = arith.constant 0 : i32
        %dma_wait3A_192 = tpu.memref_slice %arg8[%run_scoped3A_115, %dma_wait3A_191] : memref<8x128xi32, #tpu.memory_space<vmem>> -> memref<1x128xi32, #tpu.memory_space<vmem>>
        %dma_wait3A_193 = tpu.memref_squeeze %dma_wait3A_192 : memref<1x128xi32, #tpu.memory_space<vmem>> -> memref<128xi32, #tpu.memory_space<vmem>>
        %dma_wait3A_194 = arith.constant 0 : i32
        %dma_wait3A_195 = arith.constant 0 : i32
        %dma_wait3A_196 = tpu.memref_slice %arg6[%dma_wait3A_194, %dma_wait3A_195] : memref<10112x128xf32, #tpu.memory_space<vmem_shared>> -> memref<10112x128xf32, #tpu.memory_space<vmem_shared>>
        tpu.wait_indirect_dma semaphore(%run_scoped3A_184 : memref<!tpu.dma_semaphore, #tpu.memory_space<semaphore_mem>>) src(%arg9 : memref<128x128xf32, #tpu.memory_space<vmem>>) dst(%dma_wait3A_196 : memref<10112x128xf32, #tpu.memory_space<vmem_shared>>)
        tpu.yield
      }) : () -> ()
      %dma_start3A_116 = arith.constant 4 : i32
      %dma_start3A_117 = arith.constant 0 : i32
      %dma_start3A_118 = tpu.memref_slice %arg7[%dma_start3A_116, %dma_start3A_117] : memref<8x128xi32, #tpu.memory_space<vmem>> -> memref<1x128xi32, #tpu.memory_space<vmem>>
      %dma_start3A_119 = tpu.memref_squeeze %dma_start3A_118 : memref<1x128xi32, #tpu.memory_space<vmem>> -> memref<128xi32, #tpu.memory_space<vmem>>
      %dma_start3A_120 = arith.constant 0 : i32
      %dma_start3A_121 = arith.constant 0 : i32
      %dma_start3A_122 = tpu.memref_slice %arg4[%dma_start3A_120, %dma_start3A_121] : memref<10000x128xf32, #tpu.memory_space<hbm>> -> memref<10000x128xf32, #tpu.memory_space<hbm>>
      tpu.enqueue_indirect_dma source(%dma_start3A_122 : memref<10000x128xf32, #tpu.memory_space<hbm>>) target(%arg9 : memref<128x128xf32, #tpu.memory_space<vmem>>) offsets(%dma_start3A_119 : memref<128xi32, #tpu.memory_space<vmem>>) semaphore(%arg11 : memref<!tpu.dma_semaphore, #tpu.memory_space<semaphore_mem>>)
      %dma_wait3A_123 = arith.constant 3 : i32
      %dma_wait3A_124 = arith.constant 0 : i32
      %dma_wait3A_125 = tpu.memref_slice %arg7[%dma_wait3A_123, %dma_wait3A_124] : memref<8x128xi32, #tpu.memory_space<vmem>> -> memref<1x128xi32, #tpu.memory_space<vmem>>
      %dma_wait3A_126 = tpu.memref_squeeze %dma_wait3A_125 : memref<1x128xi32, #tpu.memory_space<vmem>> -> memref<128xi32, #tpu.memory_space<vmem>>
      %dma_wait3A_127 = arith.constant 0 : i32
      %dma_wait3A_128 = arith.constant 0 : i32
      %dma_wait3A_129 = tpu.memref_slice %arg4[%dma_wait3A_127, %dma_wait3A_128] : memref<10000x128xf32, #tpu.memory_space<hbm>> -> memref<10000x128xf32, #tpu.memory_space<hbm>>
      tpu.wait_indirect_dma semaphore(%arg12 : memref<!tpu.dma_semaphore, #tpu.memory_space<semaphore_mem>>) src(%dma_wait3A_129 : memref<10000x128xf32, #tpu.memory_space<hbm>>) dst(%arg10 : memref<128x128xf32, #tpu.memory_space<vmem>>)
      %run_scoped3A_130 = arith.constant 3 : i32
      "tpu.region"() ({
        %run_scoped3A_184 = tpu.sem_alloc : memref<!tpu.dma_semaphore, #tpu.memory_space<semaphore_mem>>
        %dma_start3A_185 = arith.constant 0 : i32
        %dma_start3A_186 = tpu.memref_slice %arg8[%run_scoped3A_130, %dma_start3A_185] : memref<8x128xi32, #tpu.memory_space<vmem>> -> memref<1x128xi32, #tpu.memory_space<vmem>>
        %dma_start3A_187 = tpu.memref_squeeze %dma_start3A_186 : memref<1x128xi32, #tpu.memory_space<vmem>> -> memref<128xi32, #tpu.memory_space<vmem>>
        %dma_start3A_188 = arith.constant 0 : i32
        %dma_start3A_189 = arith.constant 0 : i32
        %dma_start3A_190 = tpu.memref_slice %arg6[%dma_start3A_188, %dma_start3A_189] : memref<10112x128xf32, #tpu.memory_space<vmem_shared>> -> memref<10112x128xf32, #tpu.memory_space<vmem_shared>>
        tpu.enqueue_indirect_dma source(%arg10 : memref<128x128xf32, #tpu.memory_space<vmem>>) target(%dma_start3A_190 : memref<10112x128xf32, #tpu.memory_space<vmem_shared>>) offsets(%dma_start3A_187 : memref<128xi32, #tpu.memory_space<vmem>>) semaphore(%run_scoped3A_184 : memref<!tpu.dma_semaphore, #tpu.memory_space<semaphore_mem>>) {add = true}
        %dma_wait3A_191 = arith.constant 0 : i32
        %dma_wait3A_192 = tpu.memref_slice %arg8[%run_scoped3A_130, %dma_wait3A_191] : memref<8x128xi32, #tpu.memory_space<vmem>> -> memref<1x128xi32, #tpu.memory_space<vmem>>
        %dma_wait3A_193 = tpu.memref_squeeze %dma_wait3A_192 : memref<1x128xi32, #tpu.memory_space<vmem>> -> memref<128xi32, #tpu.memory_space<vmem>>
        %dma_wait3A_194 = arith.constant 0 : i32
        %dma_wait3A_195 = arith.constant 0 : i32
        %dma_wait3A_196 = tpu.memref_slice %arg6[%dma_wait3A_194, %dma_wait3A_195] : memref<10112x128xf32, #tpu.memory_space<vmem_shared>> -> memref<10112x128xf32, #tpu.memory_space<vmem_shared>>
        tpu.wait_indirect_dma semaphore(%run_scoped3A_184 : memref<!tpu.dma_semaphore, #tpu.memory_space<semaphore_mem>>) src(%arg10 : memref<128x128xf32, #tpu.memory_space<vmem>>) dst(%dma_wait3A_196 : memref<10112x128xf32, #tpu.memory_space<vmem_shared>>)
        tpu.yield
      }) : () -> ()
      %dma_start3A_131 = arith.constant 5 : i32
      %dma_start3A_132 = arith.constant 0 : i32
      %dma_start3A_133 = tpu.memref_slice %arg7[%dma_start3A_131, %dma_start3A_132] : memref<8x128xi32, #tpu.memory_space<vmem>> -> memref<1x128xi32, #tpu.memory_space<vmem>>
      %dma_start3A_134 = tpu.memref_squeeze %dma_start3A_133 : memref<1x128xi32, #tpu.memory_space<vmem>> -> memref<128xi32, #tpu.memory_space<vmem>>
      %dma_start3A_135 = arith.constant 0 : i32
      %dma_start3A_136 = arith.constant 0 : i32
      %dma_start3A_137 = tpu.memref_slice %arg4[%dma_start3A_135, %dma_start3A_136] : memref<10000x128xf32, #tpu.memory_space<hbm>> -> memref<10000x128xf32, #tpu.memory_space<hbm>>
      tpu.enqueue_indirect_dma source(%dma_start3A_137 : memref<10000x128xf32, #tpu.memory_space<hbm>>) target(%arg10 : memref<128x128xf32, #tpu.memory_space<vmem>>) offsets(%dma_start3A_134 : memref<128xi32, #tpu.memory_space<vmem>>) semaphore(%arg12 : memref<!tpu.dma_semaphore, #tpu.memory_space<semaphore_mem>>)
      %dma_wait3A_138 = arith.constant 4 : i32
      %dma_wait3A_139 = arith.constant 0 : i32
      %dma_wait3A_140 = tpu.memref_slice %arg7[%dma_wait3A_138, %dma_wait3A_139] : memref<8x128xi32, #tpu.memory_space<vmem>> -> memref<1x128xi32, #tpu.memory_space<vmem>>
      %dma_wait3A_141 = tpu.memref_squeeze %dma_wait3A_140 : memref<1x128xi32, #tpu.memory_space<vmem>> -> memref<128xi32, #tpu.memory_space<vmem>>
      %dma_wait3A_142 = arith.constant 0 : i32
      %dma_wait3A_143 = arith.constant 0 : i32
      %dma_wait3A_144 = tpu.memref_slice %arg4[%dma_wait3A_142, %dma_wait3A_143] : memref<10000x128xf32, #tpu.memory_space<hbm>> -> memref<10000x128xf32, #tpu.memory_space<hbm>>
      tpu.wait_indirect_dma semaphore(%arg11 : memref<!tpu.dma_semaphore, #tpu.memory_space<semaphore_mem>>) src(%dma_wait3A_144 : memref<10000x128xf32, #tpu.memory_space<hbm>>) dst(%arg9 : memref<128x128xf32, #tpu.memory_space<vmem>>)
      %run_scoped3A_145 = arith.constant 4 : i32
      "tpu.region"() ({
        %run_scoped3A_184 = tpu.sem_alloc : memref<!tpu.dma_semaphore, #tpu.memory_space<semaphore_mem>>
        %dma_start3A_185 = arith.constant 0 : i32
        %dma_start3A_186 = tpu.memref_slice %arg8[%run_scoped3A_145, %dma_start3A_185] : memref<8x128xi32, #tpu.memory_space<vmem>> -> memref<1x128xi32, #tpu.memory_space<vmem>>
        %dma_start3A_187 = tpu.memref_squeeze %dma_start3A_186 : memref<1x128xi32, #tpu.memory_space<vmem>> -> memref<128xi32, #tpu.memory_space<vmem>>
        %dma_start3A_188 = arith.constant 0 : i32
        %dma_start3A_189 = arith.constant 0 : i32
        %dma_start3A_190 = tpu.memref_slice %arg6[%dma_start3A_188, %dma_start3A_189] : memref<10112x128xf32, #tpu.memory_space<vmem_shared>> -> memref<10112x128xf32, #tpu.memory_space<vmem_shared>>
        tpu.enqueue_indirect_dma source(%arg9 : memref<128x128xf32, #tpu.memory_space<vmem>>) target(%dma_start3A_190 : memref<10112x128xf32, #tpu.memory_space<vmem_shared>>) offsets(%dma_start3A_187 : memref<128xi32, #tpu.memory_space<vmem>>) semaphore(%run_scoped3A_184 : memref<!tpu.dma_semaphore, #tpu.memory_space<semaphore_mem>>) {add = true}
        %dma_wait3A_191 = arith.constant 0 : i32
        %dma_wait3A_192 = tpu.memref_slice %arg8[%run_scoped3A_145, %dma_wait3A_191] : memref<8x128xi32, #tpu.memory_space<vmem>> -> memref<1x128xi32, #tpu.memory_space<vmem>>
        %dma_wait3A_193 = tpu.memref_squeeze %dma_wait3A_192 : memref<1x128xi32, #tpu.memory_space<vmem>> -> memref<128xi32, #tpu.memory_space<vmem>>
        %dma_wait3A_194 = arith.constant 0 : i32
        %dma_wait3A_195 = arith.constant 0 : i32
        %dma_wait3A_196 = tpu.memref_slice %arg6[%dma_wait3A_194, %dma_wait3A_195] : memref<10112x128xf32, #tpu.memory_space<vmem_shared>> -> memref<10112x128xf32, #tpu.memory_space<vmem_shared>>
        tpu.wait_indirect_dma semaphore(%run_scoped3A_184 : memref<!tpu.dma_semaphore, #tpu.memory_space<semaphore_mem>>) src(%arg9 : memref<128x128xf32, #tpu.memory_space<vmem>>) dst(%dma_wait3A_196 : memref<10112x128xf32, #tpu.memory_space<vmem_shared>>)
        tpu.yield
      }) : () -> ()
      %dma_start3A_146 = arith.constant 6 : i32
      %dma_start3A_147 = arith.constant 0 : i32
      %dma_start3A_148 = tpu.memref_slice %arg7[%dma_start3A_146, %dma_start3A_147] : memref<8x128xi32, #tpu.memory_space<vmem>> -> memref<1x128xi32, #tpu.memory_space<vmem>>
      %dma_start3A_149 = tpu.memref_squeeze %dma_start3A_148 : memref<1x128xi32, #tpu.memory_space<vmem>> -> memref<128xi32, #tpu.memory_space<vmem>>
      %dma_start3A_150 = arith.constant 0 : i32
      %dma_start3A_151 = arith.constant 0 : i32
      %dma_start3A_152 = tpu.memref_slice %arg4[%dma_start3A_150, %dma_start3A_151] : memref<10000x128xf32, #tpu.memory_space<hbm>> -> memref<10000x128xf32, #tpu.memory_space<hbm>>
      tpu.enqueue_indirect_dma source(%dma_start3A_152 : memref<10000x128xf32, #tpu.memory_space<hbm>>) target(%arg9 : memref<128x128xf32, #tpu.memory_space<vmem>>) offsets(%dma_start3A_149 : memref<128xi32, #tpu.memory_space<vmem>>) semaphore(%arg11 : memref<!tpu.dma_semaphore, #tpu.memory_space<semaphore_mem>>)
      %dma_wait3A_153 = arith.constant 5 : i32
      %dma_wait3A_154 = arith.constant 0 : i32
      %dma_wait3A_155 = tpu.memref_slice %arg7[%dma_wait3A_153, %dma_wait3A_154] : memref<8x128xi32, #tpu.memory_space<vmem>> -> memref<1x128xi32, #tpu.memory_space<vmem>>
      %dma_wait3A_156 = tpu.memref_squeeze %dma_wait3A_155 : memref<1x128xi32, #tpu.memory_space<vmem>> -> memref<128xi32, #tpu.memory_space<vmem>>
      %dma_wait3A_157 = arith.constant 0 : i32
      %dma_wait3A_158 = arith.constant 0 : i32
      %dma_wait3A_159 = tpu.memref_slice %arg4[%dma_wait3A_157, %dma_wait3A_158] : memref<10000x128xf32, #tpu.memory_space<hbm>> -> memref<10000x128xf32, #tpu.memory_space<hbm>>
      tpu.wait_indirect_dma semaphore(%arg12 : memref<!tpu.dma_semaphore, #tpu.memory_space<semaphore_mem>>) src(%dma_wait3A_159 : memref<10000x128xf32, #tpu.memory_space<hbm>>) dst(%arg10 : memref<128x128xf32, #tpu.memory_space<vmem>>)
      %run_scoped3A_160 = arith.constant 5 : i32
      "tpu.region"() ({
        %run_scoped3A_184 = tpu.sem_alloc : memref<!tpu.dma_semaphore, #tpu.memory_space<semaphore_mem>>
        %dma_start3A_185 = arith.constant 0 : i32
        %dma_start3A_186 = tpu.memref_slice %arg8[%run_scoped3A_160, %dma_start3A_185] : memref<8x128xi32, #tpu.memory_space<vmem>> -> memref<1x128xi32, #tpu.memory_space<vmem>>
        %dma_start3A_187 = tpu.memref_squeeze %dma_start3A_186 : memref<1x128xi32, #tpu.memory_space<vmem>> -> memref<128xi32, #tpu.memory_space<vmem>>
        %dma_start3A_188 = arith.constant 0 : i32
        %dma_start3A_189 = arith.constant 0 : i32
        %dma_start3A_190 = tpu.memref_slice %arg6[%dma_start3A_188, %dma_start3A_189] : memref<10112x128xf32, #tpu.memory_space<vmem_shared>> -> memref<10112x128xf32, #tpu.memory_space<vmem_shared>>
        tpu.enqueue_indirect_dma source(%arg10 : memref<128x128xf32, #tpu.memory_space<vmem>>) target(%dma_start3A_190 : memref<10112x128xf32, #tpu.memory_space<vmem_shared>>) offsets(%dma_start3A_187 : memref<128xi32, #tpu.memory_space<vmem>>) semaphore(%run_scoped3A_184 : memref<!tpu.dma_semaphore, #tpu.memory_space<semaphore_mem>>) {add = true}
        %dma_wait3A_191 = arith.constant 0 : i32
        %dma_wait3A_192 = tpu.memref_slice %arg8[%run_scoped3A_160, %dma_wait3A_191] : memref<8x128xi32, #tpu.memory_space<vmem>> -> memref<1x128xi32, #tpu.memory_space<vmem>>
        %dma_wait3A_193 = tpu.memref_squeeze %dma_wait3A_192 : memref<1x128xi32, #tpu.memory_space<vmem>> -> memref<128xi32, #tpu.memory_space<vmem>>
        %dma_wait3A_194 = arith.constant 0 : i32
        %dma_wait3A_195 = arith.constant 0 : i32
        %dma_wait3A_196 = tpu.memref_slice %arg6[%dma_wait3A_194, %dma_wait3A_195] : memref<10112x128xf32, #tpu.memory_space<vmem_shared>> -> memref<10112x128xf32, #tpu.memory_space<vmem_shared>>
        tpu.wait_indirect_dma semaphore(%run_scoped3A_184 : memref<!tpu.dma_semaphore, #tpu.memory_space<semaphore_mem>>) src(%arg10 : memref<128x128xf32, #tpu.memory_space<vmem>>) dst(%dma_wait3A_196 : memref<10112x128xf32, #tpu.memory_space<vmem_shared>>)
        tpu.yield
      }) : () -> ()
      %dma_start3A_161 = arith.constant 7 : i32
      %dma_start3A_162 = arith.constant 0 : i32
      %dma_start3A_163 = tpu.memref_slice %arg7[%dma_start3A_161, %dma_start3A_162] : memref<8x128xi32, #tpu.memory_space<vmem>> -> memref<1x128xi32, #tpu.memory_space<vmem>>
      %dma_start3A_164 = tpu.memref_squeeze %dma_start3A_163 : memref<1x128xi32, #tpu.memory_space<vmem>> -> memref<128xi32, #tpu.memory_space<vmem>>
      %dma_start3A_165 = arith.constant 0 : i32
      %dma_start3A_166 = arith.constant 0 : i32
      %dma_start3A_167 = tpu.memref_slice %arg4[%dma_start3A_165, %dma_start3A_166] : memref<10000x128xf32, #tpu.memory_space<hbm>> -> memref<10000x128xf32, #tpu.memory_space<hbm>>
      tpu.enqueue_indirect_dma source(%dma_start3A_167 : memref<10000x128xf32, #tpu.memory_space<hbm>>) target(%arg10 : memref<128x128xf32, #tpu.memory_space<vmem>>) offsets(%dma_start3A_164 : memref<128xi32, #tpu.memory_space<vmem>>) semaphore(%arg12 : memref<!tpu.dma_semaphore, #tpu.memory_space<semaphore_mem>>)
      %dma_wait3A_168 = arith.constant 6 : i32
      %dma_wait3A_169 = arith.constant 0 : i32
      %dma_wait3A_170 = tpu.memref_slice %arg7[%dma_wait3A_168, %dma_wait3A_169] : memref<8x128xi32, #tpu.memory_space<vmem>> -> memref<1x128xi32, #tpu.memory_space<vmem>>
      %dma_wait3A_171 = tpu.memref_squeeze %dma_wait3A_170 : memref<1x128xi32, #tpu.memory_space<vmem>> -> memref<128xi32, #tpu.memory_space<vmem>>
      %dma_wait3A_172 = arith.constant 0 : i32
      %dma_wait3A_173 = arith.constant 0 : i32
      %dma_wait3A_174 = tpu.memref_slice %arg4[%dma_wait3A_172, %dma_wait3A_173] : memref<10000x128xf32, #tpu.memory_space<hbm>> -> memref<10000x128xf32, #tpu.memory_space<hbm>>
      tpu.wait_indirect_dma semaphore(%arg11 : memref<!tpu.dma_semaphore, #tpu.memory_space<semaphore_mem>>) src(%dma_wait3A_174 : memref<10000x128xf32, #tpu.memory_space<hbm>>) dst(%arg9 : memref<128x128xf32, #tpu.memory_space<vmem>>)
      %run_scoped3A_175 = arith.constant 6 : i32
      "tpu.region"() ({
        %run_scoped3A_184 = tpu.sem_alloc : memref<!tpu.dma_semaphore, #tpu.memory_space<semaphore_mem>>
        %dma_start3A_185 = arith.constant 0 : i32
        %dma_start3A_186 = tpu.memref_slice %arg8[%run_scoped3A_175, %dma_start3A_185] : memref<8x128xi32, #tpu.memory_space<vmem>> -> memref<1x128xi32, #tpu.memory_space<vmem>>
        %dma_start3A_187 = tpu.memref_squeeze %dma_start3A_186 : memref<1x128xi32, #tpu.memory_space<vmem>> -> memref<128xi32, #tpu.memory_space<vmem>>
        %dma_start3A_188 = arith.constant 0 : i32
        %dma_start3A_189 = arith.constant 0 : i32
        %dma_start3A_190 = tpu.memref_slice %arg6[%dma_start3A_188, %dma_start3A_189] : memref<10112x128xf32, #tpu.memory_space<vmem_shared>> -> memref<10112x128xf32, #tpu.memory_space<vmem_shared>>
        tpu.enqueue_indirect_dma source(%arg9 : memref<128x128xf32, #tpu.memory_space<vmem>>) target(%dma_start3A_190 : memref<10112x128xf32, #tpu.memory_space<vmem_shared>>) offsets(%dma_start3A_187 : memref<128xi32, #tpu.memory_space<vmem>>) semaphore(%run_scoped3A_184 : memref<!tpu.dma_semaphore, #tpu.memory_space<semaphore_mem>>) {add = true}
        %dma_wait3A_191 = arith.constant 0 : i32
        %dma_wait3A_192 = tpu.memref_slice %arg8[%run_scoped3A_175, %dma_wait3A_191] : memref<8x128xi32, #tpu.memory_space<vmem>> -> memref<1x128xi32, #tpu.memory_space<vmem>>
        %dma_wait3A_193 = tpu.memref_squeeze %dma_wait3A_192 : memref<1x128xi32, #tpu.memory_space<vmem>> -> memref<128xi32, #tpu.memory_space<vmem>>
        %dma_wait3A_194 = arith.constant 0 : i32
        %dma_wait3A_195 = arith.constant 0 : i32
        %dma_wait3A_196 = tpu.memref_slice %arg6[%dma_wait3A_194, %dma_wait3A_195] : memref<10112x128xf32, #tpu.memory_space<vmem_shared>> -> memref<10112x128xf32, #tpu.memory_space<vmem_shared>>
        tpu.wait_indirect_dma semaphore(%run_scoped3A_184 : memref<!tpu.dma_semaphore, #tpu.memory_space<semaphore_mem>>) src(%arg9 : memref<128x128xf32, #tpu.memory_space<vmem>>) dst(%dma_wait3A_196 : memref<10112x128xf32, #tpu.memory_space<vmem_shared>>)
        tpu.yield
      }) : () -> ()
      %dma_wait3A_176 = arith.constant 7 : i32
      %dma_wait3A_177 = arith.constant 0 : i32
      %dma_wait3A_178 = tpu.memref_slice %arg7[%dma_wait3A_176, %dma_wait3A_177] : memref<8x128xi32, #tpu.memory_space<vmem>> -> memref<1x128xi32, #tpu.memory_space<vmem>>
      %dma_wait3A_179 = tpu.memref_squeeze %dma_wait3A_178 : memref<1x128xi32, #tpu.memory_space<vmem>> -> memref<128xi32, #tpu.memory_space<vmem>>
      %dma_wait3A_180 = arith.constant 0 : i32
      %dma_wait3A_181 = arith.constant 0 : i32
      %dma_wait3A_182 = tpu.memref_slice %arg4[%dma_wait3A_180, %dma_wait3A_181] : memref<10000x128xf32, #tpu.memory_space<hbm>> -> memref<10000x128xf32, #tpu.memory_space<hbm>>
      tpu.wait_indirect_dma semaphore(%arg12 : memref<!tpu.dma_semaphore, #tpu.memory_space<semaphore_mem>>) src(%dma_wait3A_182 : memref<10000x128xf32, #tpu.memory_space<hbm>>) dst(%arg10 : memref<128x128xf32, #tpu.memory_space<vmem>>)
      %run_scoped3A_183 = arith.constant 7 : i32
      "tpu.region"() ({
        %run_scoped3A_184 = tpu.sem_alloc : memref<!tpu.dma_semaphore, #tpu.memory_space<semaphore_mem>>
        %dma_start3A_185 = arith.constant 0 : i32
        %dma_start3A_186 = tpu.memref_slice %arg8[%run_scoped3A_183, %dma_start3A_185] : memref<8x128xi32, #tpu.memory_space<vmem>> -> memref<1x128xi32, #tpu.memory_space<vmem>>
        %dma_start3A_187 = tpu.memref_squeeze %dma_start3A_186 : memref<1x128xi32, #tpu.memory_space<vmem>> -> memref<128xi32, #tpu.memory_space<vmem>>
        %dma_start3A_188 = arith.constant 0 : i32
        %dma_start3A_189 = arith.constant 0 : i32
        %dma_start3A_190 = tpu.memref_slice %arg6[%dma_start3A_188, %dma_start3A_189] : memref<10112x128xf32, #tpu.memory_space<vmem_shared>> -> memref<10112x128xf32, #tpu.memory_space<vmem_shared>>
        tpu.enqueue_indirect_dma source(%arg10 : memref<128x128xf32, #tpu.memory_space<vmem>>) target(%dma_start3A_190 : memref<10112x128xf32, #tpu.memory_space<vmem_shared>>) offsets(%dma_start3A_187 : memref<128xi32, #tpu.memory_space<vmem>>) semaphore(%run_scoped3A_184 : memref<!tpu.dma_semaphore, #tpu.memory_space<semaphore_mem>>) {add = true}
        %dma_wait3A_191 = arith.constant 0 : i32
        %dma_wait3A_192 = tpu.memref_slice %arg8[%run_scoped3A_183, %dma_wait3A_191] : memref<8x128xi32, #tpu.memory_space<vmem>> -> memref<1x128xi32, #tpu.memory_space<vmem>>
        %dma_wait3A_193 = tpu.memref_squeeze %dma_wait3A_192 : memref<1x128xi32, #tpu.memory_space<vmem>> -> memref<128xi32, #tpu.memory_space<vmem>>
        %dma_wait3A_194 = arith.constant 0 : i32
        %dma_wait3A_195 = arith.constant 0 : i32
        %dma_wait3A_196 = tpu.memref_slice %arg6[%dma_wait3A_194, %dma_wait3A_195] : memref<10112x128xf32, #tpu.memory_space<vmem_shared>> -> memref<10112x128xf32, #tpu.memory_space<vmem_shared>>
        tpu.wait_indirect_dma semaphore(%run_scoped3A_184 : memref<!tpu.dma_semaphore, #tpu.memory_space<semaphore_mem>>) src(%arg10 : memref<128x128xf32, #tpu.memory_space<vmem>>) dst(%dma_wait3A_196 : memref<10112x128xf32, #tpu.memory_space<vmem_shared>>)
        tpu.yield
      }) : () -> ()
    }
    %barrier3A_39 = arith.constant 0 : index
    tpu.barrier barrier_id(%barrier3A_39)
    %add3A_40 = arith.constant 0 : i32
    %add3A_41 = arith.addi %mul3A_7, %add3A_40 : i32
    "tpu.region"() ({
      %run_scoped3A = tpu.sem_alloc : memref<!tpu.dma_semaphore, #tpu.memory_space<semaphore_mem>>
      %dma_start3A = arith.constant 0 : i32
      %dma_start3A_60 = tpu.memref_slice %arg6[%add3A_41, %dma_start3A] : memref<10112x128xf32, #tpu.memory_space<vmem_shared>> -> memref<128x128xf32, #tpu.memory_space<vmem_shared>>
      %dma_start3A_61 = arith.constant 0 : i32
      %dma_start3A_62 = tpu.memref_slice %arg6[%add3A_41, %dma_start3A_61] : memref<10112x128xf32, #tpu.memory_space<vmem_shared>> -> memref<128x128xf32, #tpu.memory_space<vmem_shared>>
      tpu.enqueue_dma source(%dma_start3A_62 : memref<128x128xf32, #tpu.memory_space<vmem_shared>>) target(%arg9 : memref<128x128xf32, #tpu.memory_space<vmem>>) target_semaphore(%run_scoped3A : memref<!tpu.dma_semaphore, #tpu.memory_space<semaphore_mem>>)
      %dma_wait3A = arith.constant 0 : i32
      %dma_wait3A_63 = tpu.memref_slice %arg6[%add3A_41, %dma_wait3A] : memref<10112x128xf32, #tpu.memory_space<vmem_shared>> -> memref<128x128xf32, #tpu.memory_space<vmem_shared>>
      %dma_wait3A_64 = arith.constant 0 : i32
      %dma_wait3A_65 = tpu.memref_slice %arg6[%add3A_41, %dma_wait3A_64] : memref<10112x128xf32, #tpu.memory_space<vmem_shared>> -> memref<128x128xf32, #tpu.memory_space<vmem_shared>>
      tpu.wait_dma2 semaphore(%run_scoped3A : memref<!tpu.dma_semaphore, #tpu.memory_space<semaphore_mem>>) src(%dma_wait3A_65 : memref<128x128xf32, #tpu.memory_space<vmem_shared>>) dst(%arg9 : memref<128x128xf32, #tpu.memory_space<vmem>>)
      tpu.yield
    }) : () -> ()
    %add3A_42 = arith.constant 0 : i32
    %add3A_43 = arith.addi %mul3A_7, %add3A_42 : i32
    "tpu.region"() ({
      %run_scoped3A = tpu.sem_alloc : memref<!tpu.dma_semaphore, #tpu.memory_space<semaphore_mem>>
      %dma_start3A = arith.constant 0 : i32
      %dma_start3A_60 = tpu.memref_slice %arg5[%arg0, %add3A_43, %dma_start3A] : memref<2x10112x128xf32, #tpu.memory_space<hbm>> -> memref<1x128x128xf32, #tpu.memory_space<hbm>>
      %dma_start3A_61 = tpu.memref_squeeze %dma_start3A_60 : memref<1x128x128xf32, #tpu.memory_space<hbm>> -> memref<128x128xf32, #tpu.memory_space<hbm>>
      %dma_start3A_62 = arith.constant 0 : i32
      %dma_start3A_63 = tpu.memref_slice %arg5[%arg0, %add3A_43, %dma_start3A_62] : memref<2x10112x128xf32, #tpu.memory_space<hbm>> -> memref<1x128x128xf32, #tpu.memory_space<hbm>>
      %dma_start3A_64 = tpu.memref_squeeze %dma_start3A_63 : memref<1x128x128xf32, #tpu.memory_space<hbm>> -> memref<128x128xf32, #tpu.memory_space<hbm>>
      tpu.enqueue_dma source(%arg9 : memref<128x128xf32, #tpu.memory_space<vmem>>) target(%dma_start3A_64 : memref<128x128xf32, #tpu.memory_space<hbm>>) target_semaphore(%run_scoped3A : memref<!tpu.dma_semaphore, #tpu.memory_space<semaphore_mem>>)
      %dma_wait3A = arith.constant 0 : i32
      %dma_wait3A_65 = tpu.memref_slice %arg5[%arg0, %add3A_43, %dma_wait3A] : memref<2x10112x128xf32, #tpu.memory_space<hbm>> -> memref<1x128x128xf32, #tpu.memory_space<hbm>>
      %dma_wait3A_66 = tpu.memref_squeeze %dma_wait3A_65 : memref<1x128x128xf32, #tpu.memory_space<hbm>> -> memref<128x128xf32, #tpu.memory_space<hbm>>
      %dma_wait3A_67 = arith.constant 0 : i32
      %dma_wait3A_68 = tpu.memref_slice %arg5[%arg0, %add3A_43, %dma_wait3A_67] : memref<2x10112x128xf32, #tpu.memory_space<hbm>> -> memref<1x128x128xf32, #tpu.memory_space<hbm>>
      %dma_wait3A_69 = tpu.memref_squeeze %dma_wait3A_68 : memref<1x128x128xf32, #tpu.memory_space<hbm>> -> memref<128x128xf32, #tpu.memory_space<hbm>>
      tpu.wait_dma2 semaphore(%run_scoped3A : memref<!tpu.dma_semaphore, #tpu.memory_space<semaphore_mem>>) src(%arg9 : memref<128x128xf32, #tpu.memory_space<vmem>>) dst(%dma_wait3A_69 : memref<128x128xf32, #tpu.memory_space<hbm>>)
      tpu.yield
    }) : () -> ()
    %add3A_44 = arith.constant 128 : i32
    %add3A_45 = arith.addi %mul3A_7, %add3A_44 : i32
    "tpu.region"() ({
      %run_scoped3A = tpu.sem_alloc : memref<!tpu.dma_semaphore, #tpu.memory_space<semaphore_mem>>
      %dma_start3A = arith.constant 0 : i32
      %dma_start3A_60 = tpu.memref_slice %arg6[%add3A_45, %dma_start3A] : memref<10112x128xf32, #tpu.memory_space<vmem_shared>> -> memref<128x128xf32, #tpu.memory_space<vmem_shared>>
      %dma_start3A_61 = arith.constant 0 : i32
      %dma_start3A_62 = tpu.memref_slice %arg6[%add3A_45, %dma_start3A_61] : memref<10112x128xf32, #tpu.memory_space<vmem_shared>> -> memref<128x128xf32, #tpu.memory_space<vmem_shared>>
      tpu.enqueue_dma source(%dma_start3A_62 : memref<128x128xf32, #tpu.memory_space<vmem_shared>>) target(%arg9 : memref<128x128xf32, #tpu.memory_space<vmem>>) target_semaphore(%run_scoped3A : memref<!tpu.dma_semaphore, #tpu.memory_space<semaphore_mem>>)
      %dma_wait3A = arith.constant 0 : i32
      %dma_wait3A_63 = tpu.memref_slice %arg6[%add3A_45, %dma_wait3A] : memref<10112x128xf32, #tpu.memory_space<vmem_shared>> -> memref<128x128xf32, #tpu.memory_space<vmem_shared>>
      %dma_wait3A_64 = arith.constant 0 : i32
      %dma_wait3A_65 = tpu.memref_slice %arg6[%add3A_45, %dma_wait3A_64] : memref<10112x128xf32, #tpu.memory_space<vmem_shared>> -> memref<128x128xf32, #tpu.memory_space<vmem_shared>>
      tpu.wait_dma2 semaphore(%run_scoped3A : memref<!tpu.dma_semaphore, #tpu.memory_space<semaphore_mem>>) src(%dma_wait3A_65 : memref<128x128xf32, #tpu.memory_space<vmem_shared>>) dst(%arg9 : memref<128x128xf32, #tpu.memory_space<vmem>>)
      tpu.yield
    }) : () -> ()
    %add3A_46 = arith.constant 128 : i32
    %add3A_47 = arith.addi %mul3A_7, %add3A_46 : i32
    "tpu.region"() ({
      %run_scoped3A = tpu.sem_alloc : memref<!tpu.dma_semaphore, #tpu.memory_space<semaphore_mem>>
      %dma_start3A = arith.constant 0 : i32
      %dma_start3A_60 = tpu.memref_slice %arg5[%arg0, %add3A_47, %dma_start3A] : memref<2x10112x128xf32, #tpu.memory_space<hbm>> -> memref<1x128x128xf32, #tpu.memory_space<hbm>>
      %dma_start3A_61 = tpu.memref_squeeze %dma_start3A_60 : memref<1x128x128xf32, #tpu.memory_space<hbm>> -> memref<128x128xf32, #tpu.memory_space<hbm>>
      %dma_start3A_62 = arith.constant 0 : i32
      %dma_start3A_63 = tpu.memref_slice %arg5[%arg0, %add3A_47, %dma_start3A_62] : memref<2x10112x128xf32, #tpu.memory_space<hbm>> -> memref<1x128x128xf32, #tpu.memory_space<hbm>>
      %dma_start3A_64 = tpu.memref_squeeze %dma_start3A_63 : memref<1x128x128xf32, #tpu.memory_space<hbm>> -> memref<128x128xf32, #tpu.memory_space<hbm>>
      tpu.enqueue_dma source(%arg9 : memref<128x128xf32, #tpu.memory_space<vmem>>) target(%dma_start3A_64 : memref<128x128xf32, #tpu.memory_space<hbm>>) target_semaphore(%run_scoped3A : memref<!tpu.dma_semaphore, #tpu.memory_space<semaphore_mem>>)
      %dma_wait3A = arith.constant 0 : i32
      %dma_wait3A_65 = tpu.memref_slice %arg5[%arg0, %add3A_47, %dma_wait3A] : memref<2x10112x128xf32, #tpu.memory_space<hbm>> -> memref<1x128x128xf32, #tpu.memory_space<hbm>>
      %dma_wait3A_66 = tpu.memref_squeeze %dma_wait3A_65 : memref<1x128x128xf32, #tpu.memory_space<hbm>> -> memref<128x128xf32, #tpu.memory_space<hbm>>
      %dma_wait3A_67 = arith.constant 0 : i32
      %dma_wait3A_68 = tpu.memref_slice %arg5[%arg0, %add3A_47, %dma_wait3A_67] : memref<2x10112x128xf32, #tpu.memory_space<hbm>> -> memref<1x128x128xf32, #tpu.memory_space<hbm>>
      %dma_wait3A_69 = tpu.memref_squeeze %dma_wait3A_68 : memref<1x128x128xf32, #tpu.memory_space<hbm>> -> memref<128x128xf32, #tpu.memory_space<hbm>>
      tpu.wait_dma2 semaphore(%run_scoped3A : memref<!tpu.dma_semaphore, #tpu.memory_space<semaphore_mem>>) src(%arg9 : memref<128x128xf32, #tpu.memory_space<vmem>>) dst(%dma_wait3A_69 : memref<128x128xf32, #tpu.memory_space<hbm>>)
      tpu.yield
    }) : () -> ()
    %add3A_48 = arith.constant 256 : i32
    %add3A_49 = arith.addi %mul3A_7, %add3A_48 : i32
    "tpu.region"() ({
      %run_scoped3A = tpu.sem_alloc : memref<!tpu.dma_semaphore, #tpu.memory_space<semaphore_mem>>
      %dma_start3A = arith.constant 0 : i32
      %dma_start3A_60 = tpu.memref_slice %arg6[%add3A_49, %dma_start3A] : memref<10112x128xf32, #tpu.memory_space<vmem_shared>> -> memref<128x128xf32, #tpu.memory_space<vmem_shared>>
      %dma_start3A_61 = arith.constant 0 : i32
      %dma_start3A_62 = tpu.memref_slice %arg6[%add3A_49, %dma_start3A_61] : memref<10112x128xf32, #tpu.memory_space<vmem_shared>> -> memref<128x128xf32, #tpu.memory_space<vmem_shared>>
      tpu.enqueue_dma source(%dma_start3A_62 : memref<128x128xf32, #tpu.memory_space<vmem_shared>>) target(%arg9 : memref<128x128xf32, #tpu.memory_space<vmem>>) target_semaphore(%run_scoped3A : memref<!tpu.dma_semaphore, #tpu.memory_space<semaphore_mem>>)
      %dma_wait3A = arith.constant 0 : i32
      %dma_wait3A_63 = tpu.memref_slice %arg6[%add3A_49, %dma_wait3A] : memref<10112x128xf32, #tpu.memory_space<vmem_shared>> -> memref<128x128xf32, #tpu.memory_space<vmem_shared>>
      %dma_wait3A_64 = arith.constant 0 : i32
      %dma_wait3A_65 = tpu.memref_slice %arg6[%add3A_49, %dma_wait3A_64] : memref<10112x128xf32, #tpu.memory_space<vmem_shared>> -> memref<128x128xf32, #tpu.memory_space<vmem_shared>>
      tpu.wait_dma2 semaphore(%run_scoped3A : memref<!tpu.dma_semaphore, #tpu.memory_space<semaphore_mem>>) src(%dma_wait3A_65 : memref<128x128xf32, #tpu.memory_space<vmem_shared>>) dst(%arg9 : memref<128x128xf32, #tpu.memory_space<vmem>>)
      tpu.yield
    }) : () -> ()
    %add3A_50 = arith.constant 256 : i32
    %add3A_51 = arith.addi %mul3A_7, %add3A_50 : i32
    "tpu.region"() ({
      %run_scoped3A = tpu.sem_alloc : memref<!tpu.dma_semaphore, #tpu.memory_space<semaphore_mem>>
      %dma_start3A = arith.constant 0 : i32
      %dma_start3A_60 = tpu.memref_slice %arg5[%arg0, %add3A_51, %dma_start3A] : memref<2x10112x128xf32, #tpu.memory_space<hbm>> -> memref<1x128x128xf32, #tpu.memory_space<hbm>>
      %dma_start3A_61 = tpu.memref_squeeze %dma_start3A_60 : memref<1x128x128xf32, #tpu.memory_space<hbm>> -> memref<128x128xf32, #tpu.memory_space<hbm>>
      %dma_start3A_62 = arith.constant 0 : i32
      %dma_start3A_63 = tpu.memref_slice %arg5[%arg0, %add3A_51, %dma_start3A_62] : memref<2x10112x128xf32, #tpu.memory_space<hbm>> -> memref<1x128x128xf32, #tpu.memory_space<hbm>>
      %dma_start3A_64 = tpu.memref_squeeze %dma_start3A_63 : memref<1x128x128xf32, #tpu.memory_space<hbm>> -> memref<128x128xf32, #tpu.memory_space<hbm>>
      tpu.enqueue_dma source(%arg9 : memref<128x128xf32, #tpu.memory_space<vmem>>) target(%dma_start3A_64 : memref<128x128xf32, #tpu.memory_space<hbm>>) target_semaphore(%run_scoped3A : memref<!tpu.dma_semaphore, #tpu.memory_space<semaphore_mem>>)
      %dma_wait3A = arith.constant 0 : i32
      %dma_wait3A_65 = tpu.memref_slice %arg5[%arg0, %add3A_51, %dma_wait3A] : memref<2x10112x128xf32, #tpu.memory_space<hbm>> -> memref<1x128x128xf32, #tpu.memory_space<hbm>>
      %dma_wait3A_66 = tpu.memref_squeeze %dma_wait3A_65 : memref<1x128x128xf32, #tpu.memory_space<hbm>> -> memref<128x128xf32, #tpu.memory_space<hbm>>
      %dma_wait3A_67 = arith.constant 0 : i32
      %dma_wait3A_68 = tpu.memref_slice %arg5[%arg0, %add3A_51, %dma_wait3A_67] : memref<2x10112x128xf32, #tpu.memory_space<hbm>> -> memref<1x128x128xf32, #tpu.memory_space<hbm>>
      %dma_wait3A_69 = tpu.memref_squeeze %dma_wait3A_68 : memref<1x128x128xf32, #tpu.memory_space<hbm>> -> memref<128x128xf32, #tpu.memory_space<hbm>>
      tpu.wait_dma2 semaphore(%run_scoped3A : memref<!tpu.dma_semaphore, #tpu.memory_space<semaphore_mem>>) src(%arg9 : memref<128x128xf32, #tpu.memory_space<vmem>>) dst(%dma_wait3A_69 : memref<128x128xf32, #tpu.memory_space<hbm>>)
      tpu.yield
    }) : () -> ()
    %add3A_52 = arith.constant 384 : i32
    %add3A_53 = arith.addi %mul3A_7, %add3A_52 : i32
    "tpu.region"() ({
      %run_scoped3A = tpu.sem_alloc : memref<!tpu.dma_semaphore, #tpu.memory_space<semaphore_mem>>
      %dma_start3A = arith.constant 0 : i32
      %dma_start3A_60 = tpu.memref_slice %arg6[%add3A_53, %dma_start3A] : memref<10112x128xf32, #tpu.memory_space<vmem_shared>> -> memref<128x128xf32, #tpu.memory_space<vmem_shared>>
      %dma_start3A_61 = arith.constant 0 : i32
      %dma_start3A_62 = tpu.memref_slice %arg6[%add3A_53, %dma_start3A_61] : memref<10112x128xf32, #tpu.memory_space<vmem_shared>> -> memref<128x128xf32, #tpu.memory_space<vmem_shared>>
      tpu.enqueue_dma source(%dma_start3A_62 : memref<128x128xf32, #tpu.memory_space<vmem_shared>>) target(%arg9 : memref<128x128xf32, #tpu.memory_space<vmem>>) target_semaphore(%run_scoped3A : memref<!tpu.dma_semaphore, #tpu.memory_space<semaphore_mem>>)
      %dma_wait3A = arith.constant 0 : i32
      %dma_wait3A_63 = tpu.memref_slice %arg6[%add3A_53, %dma_wait3A] : memref<10112x128xf32, #tpu.memory_space<vmem_shared>> -> memref<128x128xf32, #tpu.memory_space<vmem_shared>>
      %dma_wait3A_64 = arith.constant 0 : i32
      %dma_wait3A_65 = tpu.memref_slice %arg6[%add3A_53, %dma_wait3A_64] : memref<10112x128xf32, #tpu.memory_space<vmem_shared>> -> memref<128x128xf32, #tpu.memory_space<vmem_shared>>
      tpu.wait_dma2 semaphore(%run_scoped3A : memref<!tpu.dma_semaphore, #tpu.memory_space<semaphore_mem>>) src(%dma_wait3A_65 : memref<128x128xf32, #tpu.memory_space<vmem_shared>>) dst(%arg9 : memref<128x128xf32, #tpu.memory_space<vmem>>)
      tpu.yield
    }) : () -> ()
    %add3A_54 = arith.constant 384 : i32
    %add3A_55 = arith.addi %mul3A_7, %add3A_54 : i32
    "tpu.region"() ({
      %run_scoped3A = tpu.sem_alloc : memref<!tpu.dma_semaphore, #tpu.memory_space<semaphore_mem>>
      %dma_start3A = arith.constant 0 : i32
      %dma_start3A_60 = tpu.memref_slice %arg5[%arg0, %add3A_55, %dma_start3A] : memref<2x10112x128xf32, #tpu.memory_space<hbm>> -> memref<1x128x128xf32, #tpu.memory_space<hbm>>
      %dma_start3A_61 = tpu.memref_squeeze %dma_start3A_60 : memref<1x128x128xf32, #tpu.memory_space<hbm>> -> memref<128x128xf32, #tpu.memory_space<hbm>>
      %dma_start3A_62 = arith.constant 0 : i32
      %dma_start3A_63 = tpu.memref_slice %arg5[%arg0, %add3A_55, %dma_start3A_62] : memref<2x10112x128xf32, #tpu.memory_space<hbm>> -> memref<1x128x128xf32, #tpu.memory_space<hbm>>
      %dma_start3A_64 = tpu.memref_squeeze %dma_start3A_63 : memref<1x128x128xf32, #tpu.memory_space<hbm>> -> memref<128x128xf32, #tpu.memory_space<hbm>>
      tpu.enqueue_dma source(%arg9 : memref<128x128xf32, #tpu.memory_space<vmem>>) target(%dma_start3A_64 : memref<128x128xf32, #tpu.memory_space<hbm>>) target_semaphore(%run_scoped3A : memref<!tpu.dma_semaphore, #tpu.memory_space<semaphore_mem>>)
      %dma_wait3A = arith.constant 0 : i32
      %dma_wait3A_65 = tpu.memref_slice %arg5[%arg0, %add3A_55, %dma_wait3A] : memref<2x10112x128xf32, #tpu.memory_space<hbm>> -> memref<1x128x128xf32, #tpu.memory_space<hbm>>
      %dma_wait3A_66 = tpu.memref_squeeze %dma_wait3A_65 : memref<1x128x128xf32, #tpu.memory_space<hbm>> -> memref<128x128xf32, #tpu.memory_space<hbm>>
      %dma_wait3A_67 = arith.constant 0 : i32
      %dma_wait3A_68 = tpu.memref_slice %arg5[%arg0, %add3A_55, %dma_wait3A_67] : memref<2x10112x128xf32, #tpu.memory_space<hbm>> -> memref<1x128x128xf32, #tpu.memory_space<hbm>>
      %dma_wait3A_69 = tpu.memref_squeeze %dma_wait3A_68 : memref<1x128x128xf32, #tpu.memory_space<hbm>> -> memref<128x128xf32, #tpu.memory_space<hbm>>
      tpu.wait_dma2 semaphore(%run_scoped3A : memref<!tpu.dma_semaphore, #tpu.memory_space<semaphore_mem>>) src(%arg9 : memref<128x128xf32, #tpu.memory_space<vmem>>) dst(%dma_wait3A_69 : memref<128x128xf32, #tpu.memory_space<hbm>>)
      tpu.yield
    }) : () -> ()
    %add3A_56 = arith.constant 512 : i32
    %add3A_57 = arith.addi %mul3A_7, %add3A_56 : i32
    "tpu.region"() ({
      %run_scoped3A = tpu.sem_alloc : memref<!tpu.dma_semaphore, #tpu.memory_space<semaphore_mem>>
      %dma_start3A = arith.constant 0 : i32
      %dma_start3A_60 = arith.constant 0 : i32
      %dma_start3A_61 = tpu.memref_slice %arg9[%dma_start3A, %dma_start3A_60] : memref<128x128xf32, #tpu.memory_space<vmem>> -> memref<120x128xf32, #tpu.memory_space<vmem>>
      %dma_start3A_62 = arith.constant 0 : i32
      %dma_start3A_63 = tpu.memref_slice %arg6[%add3A_57, %dma_start3A_62] : memref<10112x128xf32, #tpu.memory_space<vmem_shared>> -> memref<120x128xf32, #tpu.memory_space<vmem_shared>>
      %dma_start3A_64 = arith.constant 0 : i32
      %dma_start3A_65 = arith.constant 0 : i32
      %dma_start3A_66 = tpu.memref_slice %arg9[%dma_start3A_64, %dma_start3A_65] : memref<128x128xf32, #tpu.memory_space<vmem>> -> memref<120x128xf32, #tpu.memory_space<vmem>>
      %dma_start3A_67 = arith.constant 0 : i32
      %dma_start3A_68 = tpu.memref_slice %arg6[%add3A_57, %dma_start3A_67] : memref<10112x128xf32, #tpu.memory_space<vmem_shared>> -> memref<120x128xf32, #tpu.memory_space<vmem_shared>>
      tpu.enqueue_dma source(%dma_start3A_68 : memref<120x128xf32, #tpu.memory_space<vmem_shared>>) target(%dma_start3A_66 : memref<120x128xf32, #tpu.memory_space<vmem>>) target_semaphore(%run_scoped3A : memref<!tpu.dma_semaphore, #tpu.memory_space<semaphore_mem>>)
      %dma_wait3A = arith.constant 0 : i32
      %dma_wait3A_69 = arith.constant 0 : i32
      %dma_wait3A_70 = tpu.memref_slice %arg9[%dma_wait3A, %dma_wait3A_69] : memref<128x128xf32, #tpu.memory_space<vmem>> -> memref<120x128xf32, #tpu.memory_space<vmem>>
      %dma_wait3A_71 = arith.constant 0 : i32
      %dma_wait3A_72 = tpu.memref_slice %arg6[%add3A_57, %dma_wait3A_71] : memref<10112x128xf32, #tpu.memory_space<vmem_shared>> -> memref<120x128xf32, #tpu.memory_space<vmem_shared>>
      %dma_wait3A_73 = arith.constant 0 : i32
      %dma_wait3A_74 = arith.constant 0 : i32
      %dma_wait3A_75 = tpu.memref_slice %arg9[%dma_wait3A_73, %dma_wait3A_74] : memref<128x128xf32, #tpu.memory_space<vmem>> -> memref<120x128xf32, #tpu.memory_space<vmem>>
      %dma_wait3A_76 = arith.constant 0 : i32
      %dma_wait3A_77 = tpu.memref_slice %arg6[%add3A_57, %dma_wait3A_76] : memref<10112x128xf32, #tpu.memory_space<vmem_shared>> -> memref<120x128xf32, #tpu.memory_space<vmem_shared>>
      tpu.wait_dma2 semaphore(%run_scoped3A : memref<!tpu.dma_semaphore, #tpu.memory_space<semaphore_mem>>) src(%dma_wait3A_77 : memref<120x128xf32, #tpu.memory_space<vmem_shared>>) dst(%dma_wait3A_75 : memref<120x128xf32, #tpu.memory_space<vmem>>)
      tpu.yield
    }) : () -> ()
    %add3A_58 = arith.constant 512 : i32
    %add3A_59 = arith.addi %mul3A_7, %add3A_58 : i32
    "tpu.region"() ({
      %run_scoped3A = tpu.sem_alloc : memref<!tpu.dma_semaphore, #tpu.memory_space<semaphore_mem>>
      %dma_start3A = arith.constant 0 : i32
      %dma_start3A_60 = arith.constant 0 : i32
      %dma_start3A_61 = tpu.memref_slice %arg9[%dma_start3A, %dma_start3A_60] : memref<128x128xf32, #tpu.memory_space<vmem>> -> memref<120x128xf32, #tpu.memory_space<vmem>>
      %dma_start3A_62 = arith.constant 0 : i32
      %dma_start3A_63 = tpu.memref_slice %arg5[%arg0, %add3A_59, %dma_start3A_62] : memref<2x10112x128xf32, #tpu.memory_space<hbm>> -> memref<1x120x128xf32, #tpu.memory_space<hbm>>
      %dma_start3A_64 = tpu.memref_squeeze %dma_start3A_63 : memref<1x120x128xf32, #tpu.memory_space<hbm>> -> memref<120x128xf32, #tpu.memory_space<hbm>>
      %dma_start3A_65 = arith.constant 0 : i32
      %dma_start3A_66 = tpu.memref_slice %arg5[%arg0, %add3A_59, %dma_start3A_65] : memref<2x10112x128xf32, #tpu.memory_space<hbm>> -> memref<1x120x128xf32, #tpu.memory_space<hbm>>
      %dma_start3A_67 = tpu.memref_squeeze %dma_start3A_66 : memref<1x120x128xf32, #tpu.memory_space<hbm>> -> memref<120x128xf32, #tpu.memory_space<hbm>>
      %dma_start3A_68 = arith.constant 0 : i32
      %dma_start3A_69 = arith.constant 0 : i32
      %dma_start3A_70 = tpu.memref_slice %arg9[%dma_start3A_68, %dma_start3A_69] : memref<128x128xf32, #tpu.memory_space<vmem>> -> memref<120x128xf32, #tpu.memory_space<vmem>>
      tpu.enqueue_dma source(%dma_start3A_70 : memref<120x128xf32, #tpu.memory_space<vmem>>) target(%dma_start3A_67 : memref<120x128xf32, #tpu.memory_space<hbm>>) target_semaphore(%run_scoped3A : memref<!tpu.dma_semaphore, #tpu.memory_space<semaphore_mem>>)
      %dma_wait3A = arith.constant 0 : i32
      %dma_wait3A_71 = arith.constant 0 : i32
      %dma_wait3A_72 = tpu.memref_slice %arg9[%dma_wait3A, %dma_wait3A_71] : memref<128x128xf32, #tpu.memory_space<vmem>> -> memref<120x128xf32, #tpu.memory_space<vmem>>
      %dma_wait3A_73 = arith.constant 0 : i32
      %dma_wait3A_74 = tpu.memref_slice %arg5[%arg0, %add3A_59, %dma_wait3A_73] : memref<2x10112x128xf32, #tpu.memory_space<hbm>> -> memref<1x120x128xf32, #tpu.memory_space<hbm>>
      %dma_wait3A_75 = tpu.memref_squeeze %dma_wait3A_74 : memref<1x120x128xf32, #tpu.memory_space<hbm>> -> memref<120x128xf32, #tpu.memory_space<hbm>>
      %dma_wait3A_76 = arith.constant 0 : i32
      %dma_wait3A_77 = tpu.memref_slice %arg5[%arg0, %add3A_59, %dma_wait3A_76] : memref<2x10112x128xf32, #tpu.memory_space<hbm>> -> memref<1x120x128xf32, #tpu.memory_space<hbm>>
      %dma_wait3A_78 = tpu.memref_squeeze %dma_wait3A_77 : memref<1x120x128xf32, #tpu.memory_space<hbm>> -> memref<120x128xf32, #tpu.memory_space<hbm>>
      %dma_wait3A_79 = arith.constant 0 : i32
      %dma_wait3A_80 = arith.constant 0 : i32
      %dma_wait3A_81 = tpu.memref_slice %arg9[%dma_wait3A_79, %dma_wait3A_80] : memref<128x128xf32, #tpu.memory_space<vmem>> -> memref<120x128xf32, #tpu.memory_space<vmem>>
      tpu.wait_dma2 semaphore(%run_scoped3A : memref<!tpu.dma_semaphore, #tpu.memory_space<semaphore_mem>>) src(%dma_wait3A_81 : memref<120x128xf32, #tpu.memory_space<vmem>>) dst(%dma_wait3A_78 : memref<120x128xf32, #tpu.memory_space<hbm>>)
      tpu.yield
    }) : () -> ()
    return
  }
}

module attributes {stable_mosaic.version = 14 : i64} {
  func.func @_k2_body(%arg0: i32, %arg1: memref<2x1000x1xf32, #tpu.memory_space<vmem>>, %arg2: memref<1000x128xf32, #tpu.memory_space<vmem>>, %arg3: memref<1000x128xf32, #tpu.memory_space<vmem>>) attributes {dimension_semantics = [#tpu.dimension_semantics<arbitrary>], iteration_bounds = array<i64: 10>, scalar_prefetch = 0 : i64, scratch_operands = 0 : i64, tpu.core_type = #tpu.core_type<tc>, window_params = [{transform_indices = @transform_0, window_bounds = array<i64: 2, 1000, 1>}, {transform_indices = @transform_1, window_bounds = array<i64: 1000, 128>}, {transform_indices = @transform_2, window_bounds = array<i64: 1000, 128>}]} {
    %get3A = arith.constant 0 : index
    %get3A_0 = arith.constant 0 : index
    %get3A_1 = arith.constant 0 : index
    %get3A_2 = vector.load %arg1[%get3A, %get3A_0, %get3A_1] : memref<2x1000x1xf32, #tpu.memory_space<vmem>>, vector<1x1000x1xf32>
    %get3A_3 = vector.shape_cast %get3A_2 : vector<1x1000x1xf32> to vector<1000x1xf32>
    %get3A_4 = arith.constant 1 : index
    %get3A_5 = arith.constant 0 : index
    %get3A_6 = arith.constant 0 : index
    %get3A_7 = vector.load %arg1[%get3A_4, %get3A_5, %get3A_6] : memref<2x1000x1xf32, #tpu.memory_space<vmem>>, vector<1x1000x1xf32>
    %get3A_8 = vector.shape_cast %get3A_7 : vector<1x1000x1xf32> to vector<1000x1xf32>
    %add3A = arith.addf %get3A_3, %get3A_8 : vector<1000x1xf32>
    %add3A_9 = arith.constant 1.000000e+00 : f32
    %add3A_10 = vector.broadcast %add3A_9 : f32 to vector<1000x1xf32>
    %add3A_11 = arith.addf %add3A, %add3A_10 : vector<1000x1xf32>
    %add3A_12 = arith.constant 9.99999996E-13 : f32
    %add3A_13 = vector.broadcast %add3A_12 : f32 to vector<1000x1xf32>
    %add3A_14 = arith.addf %add3A_11, %add3A_13 : vector<1000x1xf32>
    %rsqrt3A = math.rsqrt %add3A_14 : vector<1000x1xf32>
    %get3A_15 = arith.constant 0 : index
    %get3A_16 = arith.constant 0 : index
    %get3A_17 = vector.load %arg2[%get3A_15, %get3A_16] : memref<1000x128xf32, #tpu.memory_space<vmem>>, vector<1000x128xf32>
    %mul3A = vector.broadcast %rsqrt3A : vector<1000x1xf32> to vector<1000x128xf32>
    %mul3A_18 = arith.mulf %get3A_17, %mul3A : vector<1000x128xf32>
    %swap3A = arith.constant 0 : index
    %swap3A_19 = arith.constant 0 : index
    %swap3A_20 = vector.load %arg3[%swap3A, %swap3A_19] : memref<1000x128xf32, #tpu.memory_space<vmem>>, vector<1000x128xf32>
    tpu.vector_store %arg3[%swap3A, %swap3A_19], %mul3A_18 {strides = array<i32>} : memref<1000x128xf32, #tpu.memory_space<vmem>>, vector<1000x128xf32>,
    return
  }
  func.func @transform_0(%arg0: i32) -> (i32, i32, i32) {
    %c0_i32 = arith.constant 0 : i32
    %c0_i32_0 = arith.constant 0 : i32
    %c0_i32_1 = arith.constant 0 : i32
    return %c0_i32, %arg0, %c0_i32_0 : i32, i32, i32
  }
  func.func @transform_1(%arg0: i32) -> (i32, i32) {
    %c0_i32 = arith.constant 0 : i32
    %c0_i32_0 = arith.constant 0 : i32
    return %arg0, %c0_i32 : i32, i32
  }
  func.func @transform_2(%arg0: i32) -> (i32, i32) {
    %c0_i32 = arith.constant 0 : i32
    %c0_i32_0 = arith.constant 0 : i32
    return %arg0, %c0_i32 : i32, i32
  }
}

module attributes {stable_mosaic.version = 14 : i64} {
  func.func @_k4_body(%arg0: i32, %arg1: memref<1x1000x128xf32, #tpu.memory_space<vmem>>, %arg2: memref<1x1000x128xf32, #tpu.memory_space<vmem>>, %arg3: memref<1000x128xf32, #tpu.memory_space<vmem>>, %arg4: memref<2x1000x1xf32, #tpu.memory_space<vmem>>, %arg5: memref<1000x128xf32, #tpu.memory_space<vmem>>, %arg6: memref<128x128xf32, #tpu.memory_space<vmem>>, %arg7: memref<1x128xf32, #tpu.memory_space<vmem>>, %arg8: memref<1x128xf32, #tpu.memory_space<vmem>>, %arg9: memref<1x128xf32, #tpu.memory_space<vmem>>, %arg10: memref<1000x128xf32, #tpu.memory_space<vmem>>) attributes {dimension_semantics = [#tpu.dimension_semantics<arbitrary>], iteration_bounds = array<i64: 10>, scalar_prefetch = 0 : i64, scratch_operands = 0 : i64, tpu.core_type = #tpu.core_type<tc>, window_params = [{transform_indices = @transform_0, window_bounds = array<i64: 1, 1000, 128>}, {transform_indices = @transform_1, window_bounds = array<i64: 1, 1000, 128>}, {transform_indices = @transform_2, window_bounds = array<i64: 1000, 128>}, {transform_indices = @transform_3, window_bounds = array<i64: 2, 1000, 1>}, {transform_indices = @transform_4, window_bounds = array<i64: 1000, 128>}, {pipeline_mode = #tpu.pipeline_mode<synchronous>, transform_indices = @transform_5, window_bounds = array<i64: 128, 128>}, {pipeline_mode = #tpu.pipeline_mode<synchronous>, transform_indices = @transform_6, window_bounds = array<i64: 1, 128>}, {pipeline_mode = #tpu.pipeline_mode<synchronous>, transform_indices = @transform_7, window_bounds = array<i64: 1, 128>}, {pipeline_mode = #tpu.pipeline_mode<synchronous>, transform_indices = @transform_8, window_bounds = array<i64: 1, 128>}, {transform_indices = @transform_9, window_bounds = array<i64: 1000, 128>}]} {
    %get3A = arith.constant 0 : index
    %get3A_0 = arith.constant 0 : index
    %get3A_1 = arith.constant 0 : index
    %get3A_2 = vector.load %arg4[%get3A, %get3A_0, %get3A_1] : memref<2x1000x1xf32, #tpu.memory_space<vmem>>, vector<1x1000x1xf32>
    %get3A_3 = vector.shape_cast %get3A_2 : vector<1x1000x1xf32> to vector<1000x1xf32>
    %get3A_4 = arith.constant 1 : index
    %get3A_5 = arith.constant 0 : index
    %get3A_6 = arith.constant 0 : index
    %get3A_7 = vector.load %arg4[%get3A_4, %get3A_5, %get3A_6] : memref<2x1000x1xf32, #tpu.memory_space<vmem>>, vector<1x1000x1xf32>
    %get3A_8 = vector.shape_cast %get3A_7 : vector<1x1000x1xf32> to vector<1000x1xf32>
    %add3A = arith.addf %get3A_3, %get3A_8 : vector<1000x1xf32>
    %add3A_9 = arith.constant 1.000000e+00 : f32
    %add3A_10 = vector.broadcast %add3A_9 : f32 to vector<1000x1xf32>
    %add3A_11 = arith.addf %add3A, %add3A_10 : vector<1000x1xf32>
    %add3A_12 = arith.constant 9.99999996E-13 : f32
    %add3A_13 = vector.broadcast %add3A_12 : f32 to vector<1000x1xf32>
    %add3A_14 = arith.addf %add3A_11, %add3A_13 : vector<1000x1xf32>
    %rsqrt3A = math.rsqrt %add3A_14 : vector<1000x1xf32>
    %get3A_15 = arith.constant 0 : index
    %get3A_16 = arith.constant 0 : index
    %get3A_17 = arith.constant 0 : index
    %get3A_18 = vector.load %arg1[%get3A_15, %get3A_16, %get3A_17] : memref<1x1000x128xf32, #tpu.memory_space<vmem>>, vector<1x1000x128xf32>
    %get3A_19 = vector.shape_cast %get3A_18 : vector<1x1000x128xf32> to vector<1000x128xf32>
    %get3A_20 = arith.constant 0 : index
    %get3A_21 = arith.constant 0 : index
    %get3A_22 = arith.constant 0 : index
    %get3A_23 = vector.load %arg2[%get3A_20, %get3A_21, %get3A_22] : memref<1x1000x128xf32, #tpu.memory_space<vmem>>, vector<1x1000x128xf32>
    %get3A_24 = vector.shape_cast %get3A_23 : vector<1x1000x128xf32> to vector<1000x128xf32>
    %add3A_25 = arith.addf %get3A_19, %get3A_24 : vector<1000x128xf32>
    %get3A_26 = arith.constant 0 : index
    %get3A_27 = arith.constant 0 : index
    %get3A_28 = vector.load %arg3[%get3A_26, %get3A_27] : memref<1000x128xf32, #tpu.memory_space<vmem>>, vector<1000x128xf32>
    %add3A_29 = arith.addf %add3A_25, %get3A_28 : vector<1000x128xf32>
    %mul3A = vector.broadcast %rsqrt3A : vector<1000x1xf32> to vector<1000x128xf32>
    %mul3A_30 = arith.mulf %add3A_29, %mul3A : vector<1000x128xf32>
    %get3A_31 = arith.constant 0 : index
    %get3A_32 = arith.constant 0 : index
    %get3A_33 = vector.load %arg6[%get3A_31, %get3A_32] : memref<128x128xf32, #tpu.memory_space<vmem>>, vector<128x128xf32>
    %dot_general3A = arith.constant dense<0.000000e+00> : vector<1000x128xf32>
    %dot_general3A_34 = tpu.matmul %mul3A_30, %get3A_33, %dot_general3A {dimension_numbers = #tpu.dot_dimension_numbers<[1], [0], [0], [1], [0, 0, 1, 1], [], []>, transpose_lhs_hint = false} : vector<1000x128xf32>, vector<128x128xf32>, vector<1000x128xf32> -> vector<1000x128xf32>
    %get3A_35 = arith.constant 0 : index
    %get3A_36 = arith.constant 0 : index
    %get3A_37 = vector.load %arg7[%get3A_35, %get3A_36] : memref<1x128xf32, #tpu.memory_space<vmem>>, vector<1x128xf32>
    %add3A_38 = vector.broadcast %get3A_37 : vector<1x128xf32> to vector<1000x128xf32>
    %add3A_39 = arith.addf %dot_general3A_34, %add3A_38 : vector<1000x128xf32>
    %mul3A_40 = arith.constant 5.000000e-01 : f32
    %mul3A_41 = vector.broadcast %mul3A_40 : f32 to vector<1000x128xf32>
    %mul3A_42 = arith.mulf %mul3A_41, %add3A_39 : vector<1000x128xf32>
    %mul3A_43 = arith.constant 0.707106769 : f32
    %mul3A_44 = vector.broadcast %mul3A_43 : f32 to vector<1000x128xf32>
    %mul3A_45 = arith.mulf %add3A_39, %mul3A_44 : vector<1000x128xf32>
    %erf3A = math.erf %mul3A_45 : vector<1000x128xf32>
    %add3A_46 = arith.constant 1.000000e+00 : f32
    %add3A_47 = vector.broadcast %add3A_46 : f32 to vector<1000x128xf32>
    %add3A_48 = arith.addf %add3A_47, %erf3A : vector<1000x128xf32>
    %mul3A_49 = arith.mulf %mul3A_42, %add3A_48 : vector<1000x128xf32>
    %reduce_sum3A = arith.constant dense<0.000000e+00> : vector<1000xf32>
    %reduce_sum3A_50 = vector.multi_reduction <add>, %mul3A_49, %reduce_sum3A [1] : vector<1000x128xf32> to vector<1000xf32>
    %broadcast_in_dim3A = vector.shape_cast %reduce_sum3A_50 : vector<1000xf32> to vector<1000x1xf32>
    %div3A = arith.constant 1.280000e+02 : f32
    %div3A_51 = vector.broadcast %div3A : f32 to vector<1000x1xf32>
    %div3A_52 = arith.divf %broadcast_in_dim3A, %div3A_51 : vector<1000x1xf32>
    %sub3A = vector.broadcast %div3A_52 : vector<1000x1xf32> to vector<1000x128xf32>
    %sub3A_53 = arith.subf %mul3A_49, %sub3A : vector<1000x128xf32>
    %mul3A_54 = arith.mulf %sub3A_53, %sub3A_53 : vector<1000x128xf32>
    %reduce_sum3A_55 = arith.constant dense<0.000000e+00> : vector<1000xf32>
    %reduce_sum3A_56 = vector.multi_reduction <add>, %mul3A_54, %reduce_sum3A_55 [1] : vector<1000x128xf32> to vector<1000xf32>
    %broadcast_in_dim3A_57 = vector.shape_cast %reduce_sum3A_56 : vector<1000xf32> to vector<1000x1xf32>
    %div3A_58 = arith.constant 1.280000e+02 : f32
    %div3A_59 = vector.broadcast %div3A_58 : f32 to vector<1000x1xf32>
    %div3A_60 = arith.divf %broadcast_in_dim3A_57, %div3A_59 : vector<1000x1xf32>
    %add3A_61 = arith.constant 9.99999974E-6 : f32
    %add3A_62 = vector.broadcast %add3A_61 : f32 to vector<1000x1xf32>
    %add3A_63 = arith.addf %div3A_60, %add3A_62 : vector<1000x1xf32>
    %rsqrt3A_64 = math.rsqrt %add3A_63 : vector<1000x1xf32>
    %mul3A_65 = vector.broadcast %rsqrt3A_64 : vector<1000x1xf32> to vector<1000x128xf32>
    %mul3A_66 = arith.mulf %sub3A_53, %mul3A_65 : vector<1000x128xf32>
    %get3A_67 = arith.constant 0 : index
    %get3A_68 = arith.constant 0 : index
    %get3A_69 = vector.load %arg8[%get3A_67, %get3A_68] : memref<1x128xf32, #tpu.memory_space<vmem>>, vector<1x128xf32>
    %mul3A_70 = vector.broadcast %get3A_69 : vector<1x128xf32> to vector<1000x128xf32>
    %mul3A_71 = arith.mulf %mul3A_66, %mul3A_70 : vector<1000x128xf32>
    %get3A_72 = arith.constant 0 : index
    %get3A_73 = arith.constant 0 : index
    %get3A_74 = vector.load %arg9[%get3A_72, %get3A_73] : memref<1x128xf32, #tpu.memory_space<vmem>>, vector<1x128xf32>
    %add3A_75 = vector.broadcast %get3A_74 : vector<1x128xf32> to vector<1000x128xf32>
    %add3A_76 = arith.addf %mul3A_71, %add3A_75 : vector<1000x128xf32>
    %get3A_77 = arith.constant 0 : index
    %get3A_78 = arith.constant 0 : index
    %get3A_79 = vector.load %arg5[%get3A_77, %get3A_78] : memref<1000x128xf32, #tpu.memory_space<vmem>>, vector<1000x128xf32>
    %add3A_80 = arith.addf %add3A_76, %get3A_79 : vector<1000x128xf32>
    %swap3A = arith.constant 0 : index
    %swap3A_81 = arith.constant 0 : index
    %swap3A_82 = vector.load %arg10[%swap3A, %swap3A_81] : memref<1000x128xf32, #tpu.memory_space<vmem>>, vector<1000x128xf32>
    tpu.vector_store %arg10[%swap3A, %swap3A_81], %add3A_80 {strides = array<i32>} : memref<1000x128xf32, #tpu.memory_space<vmem>>, vector<1000x128xf32>,
    return
  }
  func.func @transform_0(%arg0: i32) -> (i32, i32, i32) {
    %c0_i32 = arith.constant 0 : i32
    %c0_i32_0 = arith.constant 0 : i32
    %c0_i32_1 = arith.constant 0 : i32
    return %c0_i32, %arg0, %c0_i32_0 : i32, i32, i32
  }
  func.func @transform_1(%arg0: i32) -> (i32, i32, i32) {
    %c1_i32 = arith.constant 1 : i32
    %c0_i32 = arith.constant 0 : i32
    %c0_i32_0 = arith.constant 0 : i32
    return %c1_i32, %arg0, %c0_i32 : i32, i32, i32
  }
  func.func @transform_2(%arg0: i32) -> (i32, i32) {
    %c0_i32 = arith.constant 0 : i32
    %c0_i32_0 = arith.constant 0 : i32
    return %arg0, %c0_i32 : i32, i32
  }
  func.func @transform_3(%arg0: i32) -> (i32, i32, i32) {
    %c0_i32 = arith.constant 0 : i32
    %c0_i32_0 = arith.constant 0 : i32
    %c0_i32_1 = arith.constant 0 : i32
    return %c0_i32, %arg0, %c0_i32_0 : i32, i32, i32
  }
  func.func @transform_4(%arg0: i32) -> (i32, i32) {
    %c0_i32 = arith.constant 0 : i32
    %c0_i32_0 = arith.constant 0 : i32
    return %arg0, %c0_i32 : i32, i32
  }
  func.func @transform_5(%arg0: i32) -> (i32, i32) {
    %c0_i32 = arith.constant 0 : i32
    %c0_i32_0 = arith.constant 0 : i32
    %c0_i32_1 = arith.constant 0 : i32
    return %c0_i32, %c0_i32_0 : i32, i32
  }
  func.func @transform_6(%arg0: i32) -> (i32, i32) {
    %c0_i32 = arith.constant 0 : i32
    %c0_i32_0 = arith.constant 0 : i32
    %c0_i32_1 = arith.constant 0 : i32
    return %c0_i32, %c0_i32_0 : i32, i32
  }
  func.func @transform_7(%arg0: i32) -> (i32, i32) {
    %c0_i32 = arith.constant 0 : i32
    %c0_i32_0 = arith.constant 0 : i32
    %c0_i32_1 = arith.constant 0 : i32
    return %c0_i32, %c0_i32_0 : i32, i32
  }
  func.func @transform_8(%arg0: i32) -> (i32, i32) {
    %c0_i32 = arith.constant 0 : i32
    %c0_i32_0 = arith.constant 0 : i32
    %c0_i32_1 = arith.constant 0 : i32
    return %c0_i32, %c0_i32_0 : i32, i32
  }
  func.func @transform_9(%arg0: i32) -> (i32, i32) {
    %c0_i32 = arith.constant 0 : i32
    %c0_i32_0 = arith.constant 0 : i32
    return %arg0, %c0_i32 : i32, i32
  }
}

</mosaic_0001>

<sc_bundles>
// kernel: kernel.6.cloned.1.call-start
scs
__scs_entry_jumppad:
0x0: {  	(pc) =	sbr.rel $0x88, $3  }
0x1: {  	(tag) =	ssettag $0x0;
	lr =	simm.s32 $0x1  }
0x2: {  	[smem:$0x3F9B] =	sst lr;
	_ =	strace $0xD0000000  }
0x3: {  	_ = 	snop  }
0x4: {  	_ = 	snop  }
0x5: {  	_ = 	snop  }
0x6: {  	_ = 	snop  }
0x7: {  	_ = 	snop  }
__scs_overlays_trampoline_lowered:
0x8: {  	[smem:$0x3FAA] =	sst s0  }
0x9: {  	[smem:$0x3FAB] =	sst s1  }
0xa: {  	[smem:$0x3FAC] =	sst s2  }
0xb: {  	[smem:$0x3FAD] =	sst s3  }
0xc: {  	[smem:$0x3FAE] =	sst s4  }
0xd: {  	[smem:$0x3FAF] =	sst s5  }
0xe: {  	[smem:$0x3FB0] =	sst s6  }
0xf: {  	[smem:$0x3FB1] =	sst s7  }
0x10: {  	[smem:$0x3FB2] =	sst s8  }
0x11: {  	[smem:$0x3FB3] =	sst s9;
	s0 =	simm.s32 @!p0 $0x0  }
0x12: {  	s1 =	sld [smem:$0x3F99];
	s0 =	simm.s32 @p0 $0x1  }
0x13: {  	[smem:$0x3FB4] =	sst s0;
	s0 =	simm.s32 @!p1 $0x0  }
0x14: {  	s2 =	sld [smem:$0x3F98];
	s0 =	simm.s32 @p1 $0x1  }
0x15: {  	[smem:$0x3FB5] =	sst s0;
	s0 =	simm.s32 @!p2 $0x0  }
0x16: {  	s3 =	sld [smem:$0x3FDB];
	s0 =	simm.s32 @p2 $0x1  }
0x17: {  	s4 =	simm.s32 $0x1BF5;
	[smem:$0x3FB7] =	sst s0  }
0x18: {  	s0 =	sld [smem:$0x3F9A];
	_ =	swait.ge [sflag:s4], $0x0  }
0x19: {  	s7 =	sld [smem:$0x3F9B]  }
0x1a: {  	s8 =	sadd.s32 $0xFFFFE003, lr  }
0x1b: {  	s9 =	sadd.s32 $0xFFFFFEF7, lr;
	s5 =	simm.s32 $0xFFFFFFFF;
	p2 =	slt.u32 s8, $0xFFFFF086  }
0x1c: {  	p1 =	slt.u32 s9, $0xF7A;
	s5 =	simm.s32 @!p2 $0x0  }
0x1d: {  	s5 =	simm.s32 @p1 $0x1;
	p0 =	seq.s32 s7, s2  }
0x1e: {  	s7 =	smul.u32 @!p0 $0xF7A, s2;
	p2 =	seq.s32 @!p0 s5, $0x0  }
0x1f: {  	s9 =	smul.u32 $0xF7A, s1;
	s8 =	simm.s32 @!p0 $0x1BF5;
	p2 =	por !p2, p0  }
0x20: {  	[sflag:s8] =	ssyncset.s32 @!p0 $0xFFFFF086;
	s6 =	sadd.s32 @!p0 s3, s7;
	s7 =	simm.s32 @!p0 $0x108  }
0x21: {  	s3 =	sadd.s32 s3, s9;
	s6 =	sadd.s32 @!p0 $0x88, s6;
	s7 =	simm.s32 @p2 $0x1082  }
0x22: {  	[simem:s7], [sflag:s8] =	dma.local @!p0 [hbm:s6], $0xF7A  }
0x23: {  	s9 =	sor.u32 $0xD0000000, s2;
	s6 =	simm.s32 $0x108;
	_ =	swait.ge @!p0 [sflag:s8], $0x0  }
0x24: {  	s3 =	sadd.s32 $0x88, s3;
	s6 =	simm.s32 @!p1 $0x1082;
	[sflag:s4] =	ssyncset.s32 $0xFFFFF086  }
0x25: {  	[simem:s6], [sflag:s4] =	dma.local [hbm:s3], $0xF7A  }
0x26: {  	[smem:$0x3F9B] =	sst s1;
	(tag) =	ssettag s2;
	_ =	strace s9  }
0x27: {  	s1 =	sld [smem:$0x3FAB]  }
0x28: {  	s2 =	sld [smem:$0x3FAC]  }
0x29: {  	s4 =	sld [smem:$0x3FAE]  }
0x2a: {  	p0 =	seq.s32 s5, $0x0;
	s5 =	sld [smem:$0x3FAF]  }
0x2b: {  	s6 =	sld [smem:$0x3FB0]  }
0x2c: {  	s7 =	sld [smem:$0x3FB1]  }
0x2d: {  	s3 =	simm.s32 $0x108;
	s8 =	sld [smem:$0x3FB2]  }
0x2e: {  	s3 =	simm.s32 @!p0 $0x1082;
	s9 =	sld [smem:$0x3FB3]  }
0x2f: {  	lr =	sadd.s32 s0, s3;
	s0 =	sld [smem:$0x3FAA]  }
0x30: {  	s3 =	sld [smem:$0x3FAD]  }
0x31: {  	[smem:$0x3FB6] =	sst s10  }
0x32: {  	s10 =	sld [smem:$0x3FB4];
	_ =	sdelay $0x3  }
0x33: {  	p0 =	seq.s32 s10, $0x1;
	s10 =	sld [smem:$0x3FB6];
	_ =	sdelay $0x3  }
0x34: {  	[smem:$0x3FB6] =	sst s10  }
0x35: {  	s10 =	sld [smem:$0x3FB5];
	_ =	sdelay $0x3  }
0x36: {  	p1 =	seq.s32 s10, $0x1;
	s10 =	sld [smem:$0x3FB6];
	_ =	sdelay $0x3  }
0x37: {  	[smem:$0x3FB6] =	sst s10  }
0x38: {  	s10 =	sld [smem:$0x3FB7]  }
0x39: {  	_ = 	snop;
	(pc) =	sbr.ind lr, $3  }
0x3a: {  	_ = 	snop  }
0x3b: {  	_ = 	snop  }
0x3c: {  	p2 =	seq.s32 s10, $0x1;
	s10 =	sld [smem:$0x3FB6]  }
0x3d: {  	_ =	shalt  }
0x3e: {  	_ =	shalt  }
0x3f: {  	_ =	shalt  }
0x40: {  	_ =	shalt  }
0x41: {  	_ =	shalt  }
0x42: {  	_ =	shalt  }
0x43: {  	_ =	shalt  }
0x44: {  	_ =	shalt  }
0x45: {  	_ =	shalt  }
0x46: {  	_ =	shalt  }
0x47: {  	_ =	shalt  }
0x48: {  	_ =	shalt  }
0x49: {  	_ =	shalt  }
0x4a: {  	_ =	shalt  }
0x4b: {  	_ =	shalt  }
0x4c: {  	_ =	shalt  }
0x4d: {  	_ =	shalt  }
0x4e: {  	_ =	shalt  }
0x4f: {  	_ =	shalt  }
0x50: {  	_ =	shalt  }
0x51: {  	_ =	shalt  }
0x52: {  	_ =	shalt  }
0x53: {  	_ =	shalt  }
0x54: {  	_ =	shalt  }
0x55: {  	_ =	shalt  }
0x56: {  	_ =	shalt  }
0x57: {  	_ =	shalt  }
0x58: {  	_ =	shalt  }
0x59: {  	_ =	shalt  }
0x5a: {  	_ =	shalt  }
0x5b: {  	_ =	shalt  }
0x5c: {  	_ =	shalt  }
0x5d: {  	_ =	shalt  }
0x5e: {  	_ =	shalt  }
0x5f: {  	_ =	shalt  }
0x60: {  	_ =	shalt  }
0x61: {  	_ =	shalt  }
0x62: {  	_ =	shalt  }
0x63: {  	_ =	shalt  }
0x64: {  	_ =	shalt  }
0x65: {  	_ =	shalt  }
0x66: {  	_ =	shalt  }
0x67: {  	_ =	shalt  }
0x68: {  	_ =	shalt  }
0x69: {  	_ =	shalt  }
0x6a: {  	_ =	shalt  }
0x6b: {  	_ =	shalt  }
0x6c: {  	_ =	shalt  }
0x6d: {  	_ =	shalt  }
0x6e: {  	_ =	shalt  }
0x6f: {  	_ =	shalt  }
0x70: {  	_ =	shalt  }
0x71: {  	_ =	shalt  }
0x72: {  	_ =	shalt  }
0x73: {  	_ =	shalt  }
0x74: {  	_ =	shalt  }
0x75: {  	_ =	shalt  }
0x76: {  	_ =	shalt  }
0x77: {  	_ =	shalt  }
0x78: {  	_ =	shalt  }
0x79: {  	_ =	shalt  }
0x7a: {  	_ =	shalt  }
0x7b: {  	_ =	shalt  }
0x7c: {  	_ =	shalt  }
0x7d: {  	_ =	shalt  }
0x7e: {  	_ =	shalt  }
0x7f: {  	_ =	shalt  }
0x80: {  	_ =	shalt  }
0x81: {  	_ =	shalt  }
0x82: {  	_ =	shalt  }
0x83: {  	_ =	shalt  }
0x84: {  	_ =	shalt  }
0x85: {  	_ =	shalt  }
0x86: {  	_ =	shalt  }
0x87: {  	_ =	shalt  }
.Lfunc_end0:
.L_simem_size_0:
called_computation_lowered:
.L_overlay_start_0:
0x88: {  	s2 =	sld [smem:$0x3FD9]  }
0x89: {  	s3 =	sld [smem:$0x3FFE];
	_ =	sdelay $0x1  }
0x8a: {  	s1 =	srdreg.scid  }
0x8b: {  	s0 =	sand.u32 $0x1, s1  }
0x8c: {  	s17 =	sshll.u32 s0, $0xA;
	s2 =	sadd.s32 s3, s2  }
0x8d: {  	s2 =	sadd.s32 s2, s17  }
0x8e: {  	[smem:$0x3FC2] =	sst s2  }
0x8f: {  	_ = 	snop  }
0x90: {  	s2 =	sld [smem:$0x3FD0];
	(tm) =	ssettm $0x1  }
0x91: {  	s18 =	sld [smem:$0x3FFB];
	_ =	sdelay $0x3  }
0x92: {  	_ =	strace s18  }
0x93: {  	s3 =	sld [smem:$0x3FFC];
	_ =	sdelay $0x3  }
0x94: {  	_ =	strace s3  }
0x95: {  	s3 =	sld [smem:$0x3FFD];
	_ =	sdelay $0x3  }
0x96: {  	_ =	strace s3  }
0x97: {  	_ =	strace $0x8FFFFFFF  }
0x98: {  	s19 =	sld [smem:$0x3FDB];
	_ =	sdelay $0x1  }
0x99: {  	s4 =	simm.s32 $_scs_section_size  }
0x9a: {  	s5 =	simm.s32 $_size__tile_overlayer_lowered;
	s6 =	simm.s32 $_tile_overlayer_lowered  }
0x9b: {  	s22 =	simm.s32 $0x1BFF;
	s21 =	sshll.u32 s6, $0x1;
	s3 =	sadd.s32 s4, s19  }
0x9c: {  	s7 =	simm.s32 $0x0;
	s20 =	sshll.u32 s5, $0x1;
	s5 =	sadd.s32 s21, s3  }
0x9d: {  	[timem:s7], [sflag:s22] =	dma.local [hbm:s5], s20  }
0x9e: {  	_ =	swait.ge [sflag:s22], s20  }
0x9f: {  	s4 =	ssub.s32 $0x0, s20;
	[sflag:s22] =	ssyncset.done $0x0  }
0xa0: {  	[sflag:s22] =	ssyncadd.s32 s4;
	_ =	sdelay $0x1  }
0xa1: {  	s23 =	simm.s32 $0x1B8B  }
0xa2: {  	_ =	swait.ge [sflag:s23], $0x1  }
0xa3: {  	[sflag:s23] =	ssyncset.done $0x0  }
0xa4: {  	s25 =	simm.s32 $0x1B8E;
	s24 =	sld [smem:$0x3FFE];
	[sflag:s23] =	ssyncadd.s32 $0xFFFFFFFF  }
0xa5: {  	s26 =	simm.s32 $execute0_lowered;
	[smem:$0x3FD2] =	sst s25  }
0xa6: {  	s5 =	sshll.u32 s26, $0x1;
	_ =	strace $0x80000046;
	[dreg:$0x1] =	wrdreg $0xFFFFFFFF  }
0xa7: {  	s28 =	simm.s32 $_size_execute0_lowered;
	s3 =	sadd.s32 s3, s5;
	[dreg:$0x0] =	wrdreg $0x0  }
0xa8: {  	s5 =	sshll.u32 s28, $0x1;
	[dreg:$0x2] =	wrdreg s3  }
0xa9: {  	[dreg:$0x3] =	wrdreg s5  }
0xaa: {  	[dreg:$0x4] =	wrdreg $0xC0  }
0xab: {  	_ =	task [dreg:s7], $0x5FFFF  }
0xac: {  	[dreg:$0x1] =	wrdreg $0xFFFFFFFF  }
0xad: {  	[dreg:$0x0] =	wrdreg $0x60  }
0xae: {  	[dreg:$0x2] =	wrdreg s24  }
0xaf: {  	[dreg:$0x3] =	wrdreg s2  }
0xb0: {  	[dreg:$0x4] =	wrdreg $0x0  }
0xb1: {  	[dreg:$0x5] =	wrdreg $0x9  }
0xb2: {  	_ =	task.clear_ibuf [dreg:s7], $0x6FFFF;
	_ =	strace $0x90000046  }
0xb3: {  	s29 =	simm.s32 $0x9;
	_ =	strace $0x80000048  }
0xb4: {  	_ =	swait.ge [sflag:s29], $0x1  }
0xb5: {  	[sflag:s29] =	ssyncadd.s32 $0xFFFFFFFF  }
0xb6: {  	_ =	strace $0x90000048  }
0xb7: {  	_ =	sfence  }
0xb8: {  	s30 =	sld [smem:$0x0];
	_ =	sdelay $0x2  }
0xb9: {  	s31 =	sshll.u32 s1, $0xD;
	s1 =	sshrl.u32 s1, $0x2  }
0xba: {  	s3 =	sand.u32 $0x4000, s31;
	s1 =	sadd.s32 s1, s30  }
0xbb: {  	s0 =	sor.u32 s3, s0;
	s1 =	sshll.u32 s1, $0x11  }
0xbc: {  	s0 =	sor.u32 s1, s0  }
0xbd: {  	s0 =	sadd.s32 $0x8F2B, s0  }
0xbe: {  	[sflag:s0] =	ssyncadd.remote.s32 $0x1  }
0xbf: {  	_ =	sfence.sel $0xFFFF  }
0xc0: {  	[dreg:$0x0] =	wrdreg $0xFFFFFFFF;
	(pc) =	sbr.abs _section_cstart, $3  }
0xc1: {  	[dreg:$0x1] =	wrdreg $0xFFFFFFFF  }
0xc2: {  	_ =	task.clear_ibuf [dreg:s7], $0x2FFFF;
	_ =	strace $0x9FFFFFFF  }
0xc3: {  	(tm) =	ssettm $0x7FFFFFFF  }
tec
execute0_lowered:
.L_overlay_start_1:
0x0: {  	(tag) =	ssettag $0x1  }
0x1: {  	s5 =	rddreg [dreg:$0x0]  }
0x2: {  	s6 =	rddreg [dreg:$0x1]  }
0x3: {  	s0 =	srdreg.scid;
	s2 =	rddreg [dreg:$0x2]  }
0x4: {  	s3 =	simm.s32 $0x0;
	s10 =	simm.s32 $0x278;
	s11 =	simm.s32 $0x80  }
0x5: {  	s12 =	simm.s32 $0x2A78;
	s4 =	sand.u32 $0x1, s0;
	s0 =	stileid.u32  }
0x6: {  	s13 =	simm.s32 $0x0;
	s1 =	sshll.u32 s4, $0x4;
	s8 =	smul.u32 $0x278, s0  }
0x7: {  	s9 =	smul.u32 $0x2780, s4;
	s4 =	ssub.s32 $0x2, s4;
	s1 =	sor.u32 s0, s1  }
0x8: {  	[smem:$0x7FF] =	sst s3;
	s30 =	sshrl.u32 s4, $0x1;
	s7 =	smul.u32 $0x500, s1  }
0x9: {  	s1 =	rddreg [dreg:$0x3];
	_ =	strace $0x80000047;
	s9 =	sadd.s32 s8, s9  }
0xa: {  	s31 =	sshrl.u32 s9, $0x3;
	s9 =	simm.s32 $0x1;
	s5 =	sadd.s32 s7, s5  }
0xb: {  	s7 =	ssub.s32 s4, s30;
	s4 =	sadd.s32 s8, s2;
	s6 =	sadd.s32 s6, s31  }
0xc: {  	v0 =	vimm.f32 $1.000000000e+00;
	v1 =	vimm.f32 $0.0e+00;
	s8 =	simm.s32 $0x2AF8;
	s5 =	sadd.s32 $0x2800, s5;
	s7 =	smax.u32 s7, $0x1  }
.LBB2_1:
0xd: {  	[tilespmem:$0x2A78] =	vst v0  }
0xe: {  	[tilespmem:$0x2A88] =	vst v0  }
0xf: {  	[tilespmem:$0x2A98] =	vst v0  }
0x10: {  	[tilespmem:$0x2AA8] =	vst v0  }
0x11: {  	[tilespmem:$0x2AB8] =	vst v0  }
0x12: {  	[tilespmem:$0x2AC8] =	vst v0  }
0x13: {  	[tilespmem:$0x2AD8] =	vst v0  }
0x14: {  	[tilespmem:$0x2AE8] =	vst v0  }
0x15: {  	[tilespmem:$0x2AF8] =	vst v1  }
0x16: {  	[tilespmem:$0x2B08] =	vst v1  }
0x17: {  	[tilespmem:$0x2B18] =	vst v1  }
0x18: {  	[tilespmem:$0x2B28] =	vst v1  }
0x19: {  	[tilespmem:$0x2B38] =	vst v1  }
0x1a: {  	[tilespmem:$0x2B48] =	vst v1  }
0x1b: {  	[tilespmem:$0x2B58] =	vst v1  }
0x1c: {  	[tilespmem:$0x2B68] =	vst v1  }
0x1d: {  	[tilespmem:$0x2B78] =	vst v1  }
0x1e: {  	[tilespmem:$0x2B88] =	vst v1  }
0x1f: {  	[tilespmem:$0x2B98] =	vst v1  }
0x20: {  	[tilespmem:$0x2BA8] =	vst v1  }
0x21: {  	[tilespmem:$0x2BB8] =	vst v1  }
0x22: {  	[tilespmem:$0x2BC8] =	vst v1  }
0x23: {  	[tilespmem:$0x2BD8] =	vst v1  }
0x24: {  	[tilespmem:$0x2BE8] =	vst v1  }
0x25: {  	[tilespmem:$0x2BF8] =	vst v1  }
0x26: {  	[tilespmem:$0x2C08] =	vst v1  }
0x27: {  	[tilespmem:$0x2C18] =	vst v1  }
0x28: {  	[tilespmem:$0x2C28] =	vst v1  }
0x29: {  	[tilespmem:$0x2C38] =	vst v1  }
0x2a: {  	[tilespmem:$0x2C48] =	vst v1  }
0x2b: {  	[tilespmem:$0x2C58] =	vst v1  }
0x2c: {  	[tilespmem:$0x2C68] =	vst v1  }
0x2d: {  	[tilespmem:$0x2C78] =	vst v1  }
0x2e: {  	[tilespmem:$0x2C88] =	vst v1  }
0x2f: {  	[tilespmem:$0x2C98] =	vst v1  }
0x30: {  	[tilespmem:$0x2CA8] =	vst v1  }
0x31: {  	[tilespmem:$0x2CB8] =	vst v1  }
0x32: {  	[tilespmem:$0x2CC8] =	vst v1  }
0x33: {  	[tilespmem:$0x2CD8] =	vst v1  }
0x34: {  	[tilespmem:$0x2CE8] =	vst v1  }
0x35: {  	[tilespmem:$0x2CF8] =	vst v1  }
0x36: {  	[tilespmem:$0x2D08] =	vst v1  }
0x37: {  	[tilespmem:$0x2D18] =	vst v1  }
0x38: {  	[tilespmem:$0x2D28] =	vst v1  }
0x39: {  	[tilespmem:$0x2D38] =	vst v1  }
0x3a: {  	[tilespmem:$0x2D48] =	vst v1  }
0x3b: {  	[tilespmem:$0x2D58] =	vst v1  }
0x3c: {  	[spmem:s4] =	stream.linear.scatter [tilespmem:s8], [sflag:$0x1], $0x278, $0x38;
	[tilespmem:$0x2D78] =	vst v63  }
0x3d: {  	_ =	swait.ge [sflag:s9], $0x278  }
0x3e: {  	[sflag:s9] =	ssyncset.done $0x0  }
0x3f: {  	[sflag:s9] =	ssyncadd.s32 $0xFFFFFD88  }
0x40: {  	[tilespmem:s10], [sflag:$0x1] =	stream.linear.gather [hbm4b:s5+s3], $0x2800, $0x38;
	[tilespmem:$0x2D78] =	vst v63  }
0x41: {  	_ =	swait.ge [sflag:s9], $0x2800  }
0x42: {  	[sflag:s9] =	ssyncset.done $0x0  }
0x43: {  	[sflag:s9] =	ssyncadd.s32 $0xFFFFD800  }
0x44: {  	s14 =	simm.s32 $0x278;
	[bflag:$0x0] =	sbarrier.arrive $0xFFFF  }
0x45: {  	[spmem:s2] =	stream.indirect.scatter.add.f32 [tilespmem:s12], [sflag:$0x1], $0x1, s14, s11, $0xb8;
	[tilespmem:$0x2D78] =	vst v63  }
0x46: {  	s14 =	simm.s32 $0x200;
	_ =	swait.ge [sflag:s9], $0x80  }
.LBB2_2:
0x47: {  	s15 =	sshra.s32 s14, $0x2;
	[sflag:s9] =	ssyncset.done $0x0;
	p0 =	sne.s32 s14, $0x9E00  }
.Ltmp0:
0x48: {  	s15 =	sadd.s32 $0x278, s15;
	[sflag:s9] =	ssyncadd.s32 $0xFFFFFF80;
	(pc) =	sbr.rel @p0 .LBB2_2-.Ltmp0, $3  }
0x49: {  	[spmem:s2] =	stream.indirect.scatter.add.f32 [tilespmem:s12], [sflag:$0x1], $0x1, s15, s11, $0xb8;
	[tilespmem:$0x2D78] =	vst v63  }
0x4a: {  	s14 =	sadd.s32 $0x200, s14;
	_ =	sdelay $0x1  }
0x4b: {  	_ =	swait.ge [sflag:s9], $0x80  }
0x4c: {  	[sflag:s9] =	ssyncset.done $0x0  }
0x4d: {  	[sflag:s9] =	ssyncadd.s32 $0xFFFFFF80  }
0x4e: {  	[bflag:$0x0] =	sbarrier.arrive $0xFFFF  }
0x4f: {  	[tilespmem:s8], [sflag:$0x1] =	stream.linear.gather [spmem:s4], $0x278, $0x38;
	[tilespmem:$0x2D78] =	vst v63  }
0x50: {  	s13 =	sadd.s32 $0x1, s13;
	_ =	swait.ge [sflag:s9], $0x278  }
0x51: {  	p0 =	sne.s32 s13, s7;
	[sflag:s9] =	ssyncset.done $0x0  }
.Ltmp1:
0x52: {  	[sflag:s9] =	ssyncadd.s32 $0xFFFFFD88;
	(pc) =	sbr.rel @p0 .LBB2_1-.Ltmp1, $4  }
0x53: {  	[hbm4b:s6+s3] =	stream.linear.scatter [tilespmem:s8], [sflag:$0x1], $0x278, $0x38;
	[tilespmem:$0x2D78] =	vst v63  }
0x54: {  	_ =	swait.ge [sflag:s9], $0x278  }
0x55: {  	[sflag:s9] =	ssyncset.done $0x0  }
0x56: {  	[sflag:s9] =	ssyncadd.s32 $0xFFFFFD88  }
0x57: {  	_ =	sfence.sel $0x180000  }
0x58: {  	[bflag:$0x0] =	sbarrier.arrive $0xFFFF  }
0x59: {  	p0 =	sne.s32 s0, $0x0;
	_ =	strace $0x90000047  }
0x5a: {  	s0 =	sadd.s32 @!p0 $0x100000, s1;
	[bflag:$0x2] =	sbarrier.arrive $0xFFFF  }
0x5b: {  	[sflag:s0] =	ssyncadd.tile.s32 @!p0 $0x1;
	_ =	shalt  }
.Lfunc_end2:
_tile_overlayer_lowered:
.L_overlay_start_2:
0x5c: {  	(tag) =	ssettag $0x2  }
0x5d: {  	s0 =	rddreg [dreg:$0x0];
	s2 =	stileid.u32  }
0x5e: {  	s1 =	rddreg [dreg:$0x1];
	p0 =	sne.s32 s2, $0x0  }
0x5f: {  	s3 =	rddreg [dreg:$0x2];
	[bflag:$0x3] =	sbarrier.arrive $0xFFFF;
	s2 =	simm.s32 @!p0 $0x1C01  }
0x60: {  	[timem:s3], [sflag:s2] =	dma.local @!p0 [hbm:s0], s1  }
0x61: {  	s0 =	simm.s32 @!p0 $0x1  }
0x62: {  	_ =	swait.ge @!p0 [sflag:s0], s1  }
0x63: {  	s1 =	ssub.s32 @!p0 $0x0, s1;
	[sflag:s0] =	ssyncset.done @!p0 $0x0  }
0x64: {  	[sflag:s0] =	ssyncadd.s32 @!p0 s1  }
0x65: {  	[bflag:$0x3] =	sbarrier.arrive $0xFFFF  }
0x66: {  	_ =	shalt  }

// kernel: kernel.9.cloned.1.call-start
scs
__scs_entry_jumppad:
0x0: {  	(pc) =	sbr.rel $0x88, $3  }
0x1: {  	(tag) =	ssettag $0x0;
	lr =	simm.s32 $0x1  }
0x2: {  	[smem:$0x3F9B] =	sst lr;
	_ =	strace $0xD0000000  }
0x3: {  	_ = 	snop  }
0x4: {  	_ = 	snop  }
0x5: {  	_ = 	snop  }
0x6: {  	_ = 	snop  }
0x7: {  	_ = 	snop  }
__scs_overlays_trampoline_lowered:
0x8: {  	[smem:$0x3FAA] =	sst s0  }
0x9: {  	[smem:$0x3FAB] =	sst s1  }
0xa: {  	[smem:$0x3FAC] =	sst s2  }
0xb: {  	[smem:$0x3FAD] =	sst s3  }
0xc: {  	[smem:$0x3FAE] =	sst s4  }
0xd: {  	[smem:$0x3FAF] =	sst s5  }
0xe: {  	[smem:$0x3FB0] =	sst s6  }
0xf: {  	[smem:$0x3FB1] =	sst s7  }
0x10: {  	[smem:$0x3FB2] =	sst s8  }
0x11: {  	[smem:$0x3FB3] =	sst s9;
	s0 =	simm.s32 @!p0 $0x0  }
0x12: {  	s1 =	sld [smem:$0x3F99];
	s0 =	simm.s32 @p0 $0x1  }
0x13: {  	[smem:$0x3FB4] =	sst s0;
	s0 =	simm.s32 @!p1 $0x0  }
0x14: {  	s2 =	sld [smem:$0x3F98];
	s0 =	simm.s32 @p1 $0x1  }
0x15: {  	[smem:$0x3FB5] =	sst s0;
	s0 =	simm.s32 @!p2 $0x0  }
0x16: {  	s3 =	sld [smem:$0x3FDB];
	s0 =	simm.s32 @p2 $0x1  }
0x17: {  	s4 =	simm.s32 $0x1BF5;
	[smem:$0x3FB7] =	sst s0  }
0x18: {  	s0 =	sld [smem:$0x3F9A];
	_ =	swait.ge [sflag:s4], $0x0  }
0x19: {  	s7 =	sld [smem:$0x3F9B]  }
0x1a: {  	s8 =	sadd.s32 $0xFFFFE003, lr  }
0x1b: {  	s9 =	sadd.s32 $0xFFFFFEF7, lr;
	s5 =	simm.s32 $0xFFFFFFFF;
	p2 =	slt.u32 s8, $0xFFFFF086  }
0x1c: {  	p1 =	slt.u32 s9, $0xF7A;
	s5 =	simm.s32 @!p2 $0x0  }
0x1d: {  	s5 =	simm.s32 @p1 $0x1;
	p0 =	seq.s32 s7, s2  }
0x1e: {  	s7 =	smul.u32 @!p0 $0xF7A, s2;
	p2 =	seq.s32 @!p0 s5, $0x0  }
0x1f: {  	s9 =	smul.u32 $0xF7A, s1;
	s8 =	simm.s32 @!p0 $0x1BF5;
	p2 =	por !p2, p0  }
0x20: {  	[sflag:s8] =	ssyncset.s32 @!p0 $0xFFFFF086;
	s6 =	sadd.s32 @!p0 s3, s7;
	s7 =	simm.s32 @!p0 $0x108  }
0x21: {  	s3 =	sadd.s32 s3, s9;
	s6 =	sadd.s32 @!p0 $0x88, s6;
	s7 =	simm.s32 @p2 $0x1082  }
0x22: {  	[simem:s7], [sflag:s8] =	dma.local @!p0 [hbm:s6], $0xF7A  }
0x23: {  	s9 =	sor.u32 $0xD0000000, s2;
	s6 =	simm.s32 $0x108;
	_ =	swait.ge @!p0 [sflag:s8], $0x0  }
0x24: {  	s3 =	sadd.s32 $0x88, s3;
	s6 =	simm.s32 @!p1 $0x1082;
	[sflag:s4] =	ssyncset.s32 $0xFFFFF086  }
0x25: {  	[simem:s6], [sflag:s4] =	dma.local [hbm:s3], $0xF7A  }
0x26: {  	[smem:$0x3F9B] =	sst s1;
	(tag) =	ssettag s2;
	_ =	strace s9  }
0x27: {  	s1 =	sld [smem:$0x3FAB]  }
0x28: {  	s2 =	sld [smem:$0x3FAC]  }
0x29: {  	s4 =	sld [smem:$0x3FAE]  }
0x2a: {  	p0 =	seq.s32 s5, $0x0;
	s5 =	sld [smem:$0x3FAF]  }
0x2b: {  	s6 =	sld [smem:$0x3FB0]  }
0x2c: {  	s7 =	sld [smem:$0x3FB1]  }
0x2d: {  	s3 =	simm.s32 $0x108;
	s8 =	sld [smem:$0x3FB2]  }
0x2e: {  	s3 =	simm.s32 @!p0 $0x1082;
	s9 =	sld [smem:$0x3FB3]  }
0x2f: {  	lr =	sadd.s32 s0, s3;
	s0 =	sld [smem:$0x3FAA]  }
0x30: {  	s3 =	sld [smem:$0x3FAD]  }
0x31: {  	[smem:$0x3FB6] =	sst s10  }
0x32: {  	s10 =	sld [smem:$0x3FB4];
	_ =	sdelay $0x3  }
0x33: {  	p0 =	seq.s32 s10, $0x1;
	s10 =	sld [smem:$0x3FB6];
	_ =	sdelay $0x3  }
0x34: {  	[smem:$0x3FB6] =	sst s10  }
0x35: {  	s10 =	sld [smem:$0x3FB5];
	_ =	sdelay $0x3  }
0x36: {  	p1 =	seq.s32 s10, $0x1;
	s10 =	sld [smem:$0x3FB6];
	_ =	sdelay $0x3  }
0x37: {  	[smem:$0x3FB6] =	sst s10  }
0x38: {  	s10 =	sld [smem:$0x3FB7]  }
0x39: {  	_ = 	snop;
	(pc) =	sbr.ind lr, $3  }
0x3a: {  	_ = 	snop  }
0x3b: {  	_ = 	snop  }
0x3c: {  	p2 =	seq.s32 s10, $0x1;
	s10 =	sld [smem:$0x3FB6]  }
0x3d: {  	_ =	shalt  }
0x3e: {  	_ =	shalt  }
0x3f: {  	_ =	shalt  }
0x40: {  	_ =	shalt  }
0x41: {  	_ =	shalt  }
0x42: {  	_ =	shalt  }
0x43: {  	_ =	shalt  }
0x44: {  	_ =	shalt  }
0x45: {  	_ =	shalt  }
0x46: {  	_ =	shalt  }
0x47: {  	_ =	shalt  }
0x48: {  	_ =	shalt  }
0x49: {  	_ =	shalt  }
0x4a: {  	_ =	shalt  }
0x4b: {  	_ =	shalt  }
0x4c: {  	_ =	shalt  }
0x4d: {  	_ =	shalt  }
0x4e: {  	_ =	shalt  }
0x4f: {  	_ =	shalt  }
0x50: {  	_ =	shalt  }
0x51: {  	_ =	shalt  }
0x52: {  	_ =	shalt  }
0x53: {  	_ =	shalt  }
0x54: {  	_ =	shalt  }
0x55: {  	_ =	shalt  }
0x56: {  	_ =	shalt  }
0x57: {  	_ =	shalt  }
0x58: {  	_ =	shalt  }
0x59: {  	_ =	shalt  }
0x5a: {  	_ =	shalt  }
0x5b: {  	_ =	shalt  }
0x5c: {  	_ =	shalt  }
0x5d: {  	_ =	shalt  }
0x5e: {  	_ =	shalt  }
0x5f: {  	_ =	shalt  }
0x60: {  	_ =	shalt  }
0x61: {  	_ =	shalt  }
0x62: {  	_ =	shalt  }
0x63: {  	_ =	shalt  }
0x64: {  	_ =	shalt  }
0x65: {  	_ =	shalt  }
0x66: {  	_ =	shalt  }
0x67: {  	_ =	shalt  }
0x68: {  	_ =	shalt  }
0x69: {  	_ =	shalt  }
0x6a: {  	_ =	shalt  }
0x6b: {  	_ =	shalt  }
0x6c: {  	_ =	shalt  }
0x6d: {  	_ =	shalt  }
0x6e: {  	_ =	shalt  }
0x6f: {  	_ =	shalt  }
0x70: {  	_ =	shalt  }
0x71: {  	_ =	shalt  }
0x72: {  	_ =	shalt  }
0x73: {  	_ =	shalt  }
0x74: {  	_ =	shalt  }
0x75: {  	_ =	shalt  }
0x76: {  	_ =	shalt  }
0x77: {  	_ =	shalt  }
0x78: {  	_ =	shalt  }
0x79: {  	_ =	shalt  }
0x7a: {  	_ =	shalt  }
0x7b: {  	_ =	shalt  }
0x7c: {  	_ =	shalt  }
0x7d: {  	_ =	shalt  }
0x7e: {  	_ =	shalt  }
0x7f: {  	_ =	shalt  }
0x80: {  	_ =	shalt  }
0x81: {  	_ =	shalt  }
0x82: {  	_ =	shalt  }
0x83: {  	_ =	shalt  }
0x84: {  	_ =	shalt  }
0x85: {  	_ =	shalt  }
0x86: {  	_ =	shalt  }
0x87: {  	_ =	shalt  }
.Lfunc_end0:
.L_simem_size_0:
called_computation.1_lowered:
.L_overlay_start_0:
0x88: {  	s2 =	sld [smem:$0x3FD9]  }
0x89: {  	s3 =	sld [smem:$0x3FFE];
	_ =	sdelay $0x1  }
0x8a: {  	s1 =	srdreg.scid  }
0x8b: {  	s0 =	sand.u32 $0x1, s1  }
0x8c: {  	s17 =	sshll.u32 s0, $0xA;
	s2 =	sadd.s32 s3, s2  }
0x8d: {  	s2 =	sadd.s32 s2, s17  }
0x8e: {  	[smem:$0x3FC2] =	sst s2  }
0x8f: {  	_ = 	snop  }
0x90: {  	s2 =	sld [smem:$0x3FD0];
	(tm) =	ssettm $0x1  }
0x91: {  	s18 =	sld [smem:$0x3FFB];
	_ =	sdelay $0x3  }
0x92: {  	_ =	strace s18  }
0x93: {  	s3 =	sld [smem:$0x3FFC];
	_ =	sdelay $0x3  }
0x94: {  	_ =	strace s3  }
0x95: {  	s3 =	sld [smem:$0x3FFD];
	_ =	sdelay $0x3  }
0x96: {  	_ =	strace s3  }
0x97: {  	_ =	strace $0x8FFFFFFF  }
0x98: {  	s19 =	sld [smem:$0x3FDB];
	_ =	sdelay $0x1  }
0x99: {  	s4 =	simm.s32 $_scs_section_size  }
0x9a: {  	s5 =	simm.s32 $_size__tile_overlayer_lowered;
	s6 =	simm.s32 $_tile_overlayer_lowered  }
0x9b: {  	s22 =	simm.s32 $0x1BFF;
	s21 =	sshll.u32 s6, $0x1;
	s3 =	sadd.s32 s4, s19  }
0x9c: {  	s7 =	simm.s32 $0x0;
	s20 =	sshll.u32 s5, $0x1;
	s5 =	sadd.s32 s21, s3  }
0x9d: {  	[timem:s7], [sflag:s22] =	dma.local [hbm:s5], s20  }
0x9e: {  	_ =	swait.ge [sflag:s22], s20  }
0x9f: {  	s4 =	ssub.s32 $0x0, s20;
	[sflag:s22] =	ssyncset.done $0x0  }
0xa0: {  	[sflag:s22] =	ssyncadd.s32 s4;
	_ =	sdelay $0x1  }
0xa1: {  	s23 =	simm.s32 $0x1B8B  }
0xa2: {  	_ =	swait.ge [sflag:s23], $0x1  }
0xa3: {  	[sflag:s23] =	ssyncset.done $0x0  }
0xa4: {  	s25 =	simm.s32 $0x1B8E;
	s24 =	sld [smem:$0x3FFE];
	[sflag:s23] =	ssyncadd.s32 $0xFFFFFFFF  }
0xa5: {  	s26 =	simm.s32 $execute0_lowered;
	[smem:$0x3FD2] =	sst s25  }
0xa6: {  	s5 =	sshll.u32 s26, $0x1;
	_ =	strace $0x80000049;
	[dreg:$0x1] =	wrdreg $0xFFFFFFFF  }
0xa7: {  	s28 =	simm.s32 $_size_execute0_lowered;
	s3 =	sadd.s32 s3, s5;
	[dreg:$0x0] =	wrdreg $0x0  }
0xa8: {  	s5 =	sshll.u32 s28, $0x1;
	[dreg:$0x2] =	wrdreg s3  }
0xa9: {  	[dreg:$0x3] =	wrdreg s5  }
0xaa: {  	[dreg:$0x4] =	wrdreg $0xC0  }
0xab: {  	_ =	task [dreg:s7], $0x5FFFF  }
0xac: {  	[dreg:$0x1] =	wrdreg $0xFFFFFFFF  }
0xad: {  	[dreg:$0x0] =	wrdreg $0x60  }
0xae: {  	[dreg:$0x2] =	wrdreg s24  }
0xaf: {  	[dreg:$0x3] =	wrdreg s2  }
0xb0: {  	[dreg:$0x4] =	wrdreg $0x0  }
0xb1: {  	[dreg:$0x5] =	wrdreg $0x9  }
0xb2: {  	_ =	task.clear_ibuf [dreg:s7], $0x6FFFF;
	_ =	strace $0x90000049  }
0xb3: {  	s29 =	simm.s32 $0x9;
	_ =	strace $0x8000004B  }
0xb4: {  	_ =	swait.ge [sflag:s29], $0x1  }
0xb5: {  	[sflag:s29] =	ssyncadd.s32 $0xFFFFFFFF  }
0xb6: {  	_ =	strace $0x9000004B  }
0xb7: {  	_ =	sfence  }
0xb8: {  	s30 =	sld [smem:$0x0];
	_ =	sdelay $0x2  }
0xb9: {  	s31 =	sshll.u32 s1, $0xD;
	s1 =	sshrl.u32 s1, $0x2  }
0xba: {  	s3 =	sand.u32 $0x4000, s31;
	s1 =	sadd.s32 s1, s30  }
0xbb: {  	s0 =	sor.u32 s3, s0;
	s1 =	sshll.u32 s1, $0x11  }
0xbc: {  	s0 =	sor.u32 s1, s0  }
0xbd: {  	s0 =	sadd.s32 $0x8F2B, s0  }
0xbe: {  	[sflag:s0] =	ssyncadd.remote.s32 $0x1  }
0xbf: {  	_ =	sfence.sel $0xFFFF  }
0xc0: {  	[dreg:$0x0] =	wrdreg $0xFFFFFFFF;
	(pc) =	sbr.abs _section_cstart, $3  }
0xc1: {  	[dreg:$0x1] =	wrdreg $0xFFFFFFFF  }
0xc2: {  	_ =	task.clear_ibuf [dreg:s7], $0x2FFFF;
	_ =	strace $0x9FFFFFFF  }
0xc3: {  	(tm) =	ssettm $0x7FFFFFFF  }
tec
execute0_lowered:
.L_overlay_start_1:
0x0: {  	(tag) =	ssettag $0x1  }
0x1: {  	s0 =	rddreg [dreg:$0x0]  }
0x2: {  	s2 =	rddreg [dreg:$0x1]  }
0x3: {  	s3 =	rddreg [dreg:$0x2]  }
0x4: {  	s7 =	stileid.u32;
	s1 =	srdreg.scid  }
0x5: {  	s4 =	simm.s32 $0x0;
	s26 =	simm.s32 $0x13C80;
	s5 =	smul.u32 $0x28, s7  }
0x6: {  	s28 =	simm.s32 $0x2;
	s29 =	simm.s32 $0x14080;
	s6 =	smul.u32 $0x78, s7  }
0x7: {  	s30 =	simm.s32 $0x13D80;
	s31 =	simm.s32 $0x14100;
	s13 =	smul.u32 $0x4F000, s7  }
0x8: {  	s1 =	sand.u32 $0x1, s1;
	[smem:$0x7FF] =	sst s4;
	s7 =	smul.u32 $0x13C00, s7  }
0x9: {  	p0 =	seq.s32 s1, $0x0;
	_ =	strace $0x8000004A;
	s8 =	ssub.s32 $0x2, s1  }
0xa: {  	s1 =	smul.u32 $0x13C000, s1;
	[dreg:$0x4] =	wrdreg s26;
	s26 =	simm.s32 $0x13D00  }
0xb: {  	s5 =	sadd.s32 $0x780, s5;
	s9 =	sshrl.u32 s8, $0x1;
	s10 =	sadd.s32 $0x4000, s7  }
0xc: {  	s15 =	sadd.s32 $0x8000, s7;
	s16 =	sadd.s32 $0xC000, s7;
	s19 =	sadd.s32 $0x10000, s7  }
0xd: {  	s5 =	smov.u32 @p0 s6;
	s6 =	sshrl.u32 s13, $0x2;
	s8 =	ssub.s32 s8, s9  }
0xe: {  	s14 =	sadd.s32 s10, s3;
	s11 =	sadd.s32 s15, s3;
	s17 =	sadd.s32 s16, s3  }
0xf: {  	s12 =	sadd.s32 s19, s3;
	s7 =	sadd.s32 s7, s1;
	s20 =	sadd.s32 s1, s10  }
0x10: {  	s10 =	simm.s32 $0xF;
	s22 =	sadd.s32 s1, s16;
	[dreg:$0x5] =	wrdreg s14  }
0x11: {  	s13 =	simm.s32 $0x13F00;
	s16 =	simm.s32 $0x14300;
	[dreg:$0x6] =	wrdreg s11  }
0x12: {  	s5 =	sshll.u32 s5, $0x4;
	s18 =	sadd.s32 s6, s3;
	[dreg:$0x7] =	wrdreg s17  }
0x13: {  	[dreg:$0x8] =	wrdreg s12;
	s7 =	sshrl.u32 s7, $0x3;
	s12 =	sshrl.u32 s20, $0x3  }
0x14: {  	s10 =	simm.s32 @!p0 $0x5;
	s6 =	sadd.s32 s1, s15;
	s1 =	sadd.s32 s1, s19  }
0x15: {  	s24 =	smax.u32 s8, $0x1;
	s19 =	simm.s32 $0x14400;
	s20 =	simm.s32 $0x3  }
0x16: {  	s11 =	simm.s32 $0x13E80;
	s14 =	simm.s32 $0x14280;
	s15 =	simm.s32 $0x13F80  }
0x17: {  	s5 =	sadd.s32 s5, s0;
	s0 =	sadd.s32 $0x65800, s0;
	[dreg:$0x9] =	wrdreg s10  }
0x18: {  	s6 =	sshrl.u32 s6, $0x3;
	s1 =	sshrl.u32 s1, $0x3;
	[dreg:$0xf] =	wrdreg s24  }
0x19: {  	s24 =	simm.s32 $0x18400;
	s7 =	sadd.s32 s0, s7;
	s21 =	sadd.s32 s0, s12  }
0x1a: {  	s6 =	sadd.s32 s0, s6;
	s25 =	sadd.s32 $0x2800, s5;
	[dreg:$0xa] =	wrdreg s7  }
0x1b: {  	s9 =	sadd.s32 $0xC800, s5;
	s12 =	simm.s32 $0x14200;
	[dreg:$0xb] =	wrdreg s21  }
0x1c: {  	s5 =	simm.s32 $0x14380;
	s7 =	sshrl.u32 s22, $0x3;
	[dreg:$0xc] =	wrdreg s6  }
0x1d: {  	[dreg:$0x10] =	wrdreg s25;
	s21 =	simm.s32 $0x13C00;
	s22 =	simm.s32 $0x14000  }
0x1e: {  	s25 =	simm.s32 $0x1;
	s6 =	simm.s32 $0x0;
	s23 =	sadd.s32 s0, s7  }
0x1f: {  	s0 =	sadd.s32 s0, s1;
	s1 =	simm.s32 $0x14180;
	[dreg:$0xd] =	wrdreg s23  }
0x20: {  	v0 =	vimm.f32 $0.0e+00;
	[dreg:$0xe] =	wrdreg s0;
	s23 =	simm.s32 $0x80;
	s0 =	simm.s32 $0x13E00  }
.LBB2_1:
0x21: {  	s7 =	simm.s32 $0x0;
	s17 =	simm.s32 $0x200  }
.LBB2_2:
0x22: {  	p0 =	sne.s32 s17, $0xFE00;
	[tilespmem:s7+$0x14470] =	vst v0  }
0x23: {  	[tilespmem:s7+$0x14400] =	vst v0  }
0x24: {  	[tilespmem:s7+$0x14410] =	vst v0  }
.Ltmp0:
0x25: {  	[tilespmem:s7+$0x14420] =	vst v0;
	(pc) =	sbr.rel @p0 .LBB2_2-.Ltmp0, $4  }
0x26: {  	[tilespmem:s7+$0x14430] =	vst v0  }
0x27: {  	[tilespmem:s7+$0x14440] =	vst v0  }
0x28: {  	[tilespmem:s7+$0x14450] =	vst v0  }
0x29: {  	[tilespmem:s7+$0x14460] =	vst v0;
	s7 =	sshra.s32 s17, $0x2;
	s17 =	sadd.s32 $0x200, s17  }
0x2a: {  	[tilespmem:s7+$0x14470] =	vst v0  }
0x2b: {  	[tilespmem:s7+$0x14400] =	vst v0  }
0x2c: {  	[tilespmem:s7+$0x14410] =	vst v0  }
0x2d: {  	[tilespmem:s7+$0x14420] =	vst v0  }
0x2e: {  	[tilespmem:s7+$0x14430] =	vst v0  }
0x2f: {  	[tilespmem:s7+$0x14440] =	vst v0  }
0x30: {  	[tilespmem:s7+$0x14450] =	vst v0  }
0x31: {  	[tilespmem:s7+$0x14460] =	vst v0  }
0x32: {  	[spmem:s18] =	stream.linear.scatter [tilespmem:s19], [sflag:$0x3], $0x4000, $0x38;
	[tilespmem:$0x1C400] =	vst v63  }
0x33: {  	_ =	swait.ge [sflag:s20], $0x4000  }
0x34: {  	[sflag:s20] =	ssyncset.done $0x0  }
0x35: {  	s8 =	smov.u32 s18;
	s18 =	rddreg [dreg:$0x5];
	[sflag:s20] =	ssyncadd.s32 $0xFFFFC000  }
0x36: {  	[spmem:s18] =	stream.linear.scatter [tilespmem:s19], [sflag:$0x3], $0x4000, $0x38;
	[tilespmem:$0x1C400] =	vst v63  }
0x37: {  	_ =	swait.ge [sflag:s20], $0x4000  }
0x38: {  	[sflag:s20] =	ssyncset.done $0x0  }
0x39: {  	s10 =	rddreg [dreg:$0x6];
	[sflag:s20] =	ssyncadd.s32 $0xFFFFC000  }
0x3a: {  	[spmem:s10] =	stream.linear.scatter [tilespmem:s19], [sflag:$0x3], $0x4000, $0x38;
	[tilespmem:$0x1C400] =	vst v63  }
0x3b: {  	_ =	swait.ge [sflag:s20], $0x4000  }
0x3c: {  	[sflag:s20] =	ssyncset.done $0x0  }
0x3d: {  	s17 =	rddreg [dreg:$0x7];
	[sflag:s20] =	ssyncadd.s32 $0xFFFFC000  }
0x3e: {  	[spmem:s17] =	stream.linear.scatter [tilespmem:s19], [sflag:$0x3], $0x4000, $0x38;
	[tilespmem:$0x1C400] =	vst v63  }
0x3f: {  	_ =	swait.ge [sflag:s20], $0x4000  }
0x40: {  	[sflag:s20] =	ssyncset.done $0x0  }
0x41: {  	s18 =	rddreg [dreg:$0x8];
	[sflag:s20] =	ssyncadd.s32 $0xFFFFC000  }
0x42: {  	[spmem:s18] =	stream.linear.scatter [tilespmem:s19], [sflag:$0x3], $0x3C00, $0x38;
	[tilespmem:$0x1C400] =	vst v63  }
0x43: {  	_ =	swait.ge [sflag:s20], $0x3C00  }
0x44: {  	[sflag:s20] =	ssyncset.done $0x0  }
0x45: {  	[sflag:s20] =	ssyncadd.s32 $0xFFFFC400  }
0x46: {  	[bflag:$0x0] =	sbarrier.arrive $0xFFFF  }
0x47: {  	[tilespmem:s21], [sflag:$0x3] =	stream.linear.gather [hbm4b:s9+s4], $0x400, $0x38;
	[tilespmem:$0x1C400] =	vst v63  }
0x48: {  	_ =	swait.ge [sflag:s20], $0x400  }
0x49: {  	[sflag:s20] =	ssyncset.done $0x0  }
0x4a: {  	s17 =	rddreg [dreg:$0x10];
	[sflag:s20] =	ssyncadd.s32 $0xFFFFFC00  }
0x4b: {  	[tilespmem:s22], [sflag:$0x3] =	stream.linear.gather [hbm4b:s17+s4], $0x400, $0x38;
	[tilespmem:$0x1C400] =	vst v63  }
0x4c: {  	_ =	swait.ge [sflag:s20], $0x400  }
0x4d: {  	[sflag:s20] =	ssyncset.done $0x0  }
0x4e: {  	[sflag:s20] =	ssyncadd.s32 $0xFFFFFC00  }
0x4f: {  	[tilespmem:s19], [sflag:$0x1] =	stream.indirect.gather [hbm4b:s2+s23], $0x80, s21, s23, $0xb8;
	[tilespmem:$0x1C400] =	vst v63  }
0x50: {  	s10 =	rddreg [dreg:$0x4]  }
0x51: {  	[tilespmem:s24], [sflag:$0x2] =	stream.indirect.gather [hbm4b:s2+s23], $0x80, s10, s23, $0xb8;
	[tilespmem:$0x1C400] =	vst v63  }
0x52: {  	_ =	swait.ge [sflag:s25], $0x4000  }
0x53: {  	[sflag:s25] =	ssyncset.done $0x0  }
0x54: {  	[sflag:s25] =	ssyncadd.s32 $0xFFFFC000  }
0x55: {  	[spmem:s3] =	stream.indirect.scatter.add.f32 [tilespmem:s19], [sflag:$0x3], $0x80, s22, s23, $0xb8;
	[tilespmem:$0x1C400] =	vst v63  }
0x56: {  	_ =	swait.ge [sflag:s20], $0x4000  }
0x57: {  	[sflag:s20] =	ssyncset.done $0x0  }
0x58: {  	[sflag:s20] =	ssyncadd.s32 $0xFFFFC000  }
0x59: {  	[tilespmem:s19], [sflag:$0x1] =	stream.indirect.gather [hbm4b:s2+s23], $0x80, s26, s23, $0xb8;
	[tilespmem:$0x1C400] =	vst v63  }
0x5a: {  	_ =	swait.ge [sflag:s28], $0x4000  }
0x5b: {  	[sflag:s28] =	ssyncset.done $0x0  }
0x5c: {  	[sflag:s28] =	ssyncadd.s32 $0xFFFFC000  }
0x5d: {  	[spmem:s3] =	stream.indirect.scatter.add.f32 [tilespmem:s24], [sflag:$0x3], $0x80, s29, s23, $0xb8;
	[tilespmem:$0x1C400] =	vst v63  }
0x5e: {  	_ =	swait.ge [sflag:s20], $0x4000  }
0x5f: {  	[sflag:s20] =	ssyncset.done $0x0  }
0x60: {  	[sflag:s20] =	ssyncadd.s32 $0xFFFFC000  }
0x61: {  	[tilespmem:s24], [sflag:$0x2] =	stream.indirect.gather [hbm4b:s2+s23], $0x80, s30, s23, $0xb8;
	[tilespmem:$0x1C400] =	vst v63  }
0x62: {  	_ =	swait.ge [sflag:s25], $0x4000  }
0x63: {  	[sflag:s25] =	ssyncset.done $0x0  }
0x64: {  	[sflag:s25] =	ssyncadd.s32 $0xFFFFC000  }
0x65: {  	[spmem:s3] =	stream.indirect.scatter.add.f32 [tilespmem:s19], [sflag:$0x3], $0x80, s31, s23, $0xb8;
	[tilespmem:$0x1C400] =	vst v63  }
0x66: {  	_ =	swait.ge [sflag:s20], $0x4000  }
0x67: {  	[sflag:s20] =	ssyncset.done $0x0  }
0x68: {  	[sflag:s20] =	ssyncadd.s32 $0xFFFFC000  }
0x69: {  	[tilespmem:s19], [sflag:$0x1] =	stream.indirect.gather [hbm4b:s2+s23], $0x80, s0, s23, $0xb8;
	[tilespmem:$0x1C400] =	vst v63  }
0x6a: {  	_ =	swait.ge [sflag:s28], $0x4000  }
0x6b: {  	[sflag:s28] =	ssyncset.done $0x0  }
0x6c: {  	[sflag:s28] =	ssyncadd.s32 $0xFFFFC000  }
0x6d: {  	[spmem:s3] =	stream.indirect.scatter.add.f32 [tilespmem:s24], [sflag:$0x3], $0x80, s1, s23, $0xb8;
	[tilespmem:$0x1C400] =	vst v63  }
0x6e: {  	_ =	swait.ge [sflag:s20], $0x4000  }
0x6f: {  	[sflag:s20] =	ssyncset.done $0x0  }
0x70: {  	[sflag:s20] =	ssyncadd.s32 $0xFFFFC000  }
0x71: {  	[tilespmem:s24], [sflag:$0x2] =	stream.indirect.gather [hbm4b:s2+s23], $0x80, s11, s23, $0xb8;
	[tilespmem:$0x1C400] =	vst v63  }
0x72: {  	_ =	swait.ge [sflag:s25], $0x4000  }
0x73: {  	[sflag:s25] =	ssyncset.done $0x0  }
0x74: {  	[sflag:s25] =	ssyncadd.s32 $0xFFFFC000  }
0x75: {  	[spmem:s3] =	stream.indirect.scatter.add.f32 [tilespmem:s19], [sflag:$0x3], $0x80, s12, s23, $0xb8;
	[tilespmem:$0x1C400] =	vst v63  }
0x76: {  	_ =	swait.ge [sflag:s20], $0x4000  }
0x77: {  	[sflag:s20] =	ssyncset.done $0x0  }
0x78: {  	[sflag:s20] =	ssyncadd.s32 $0xFFFFC000  }
0x79: {  	[tilespmem:s19], [sflag:$0x1] =	stream.indirect.gather [hbm4b:s2+s23], $0x80, s13, s23, $0xb8;
	[tilespmem:$0x1C400] =	vst v63  }
0x7a: {  	_ =	swait.ge [sflag:s28], $0x4000  }
0x7b: {  	[sflag:s28] =	ssyncset.done $0x0  }
0x7c: {  	[sflag:s28] =	ssyncadd.s32 $0xFFFFC000  }
0x7d: {  	[spmem:s3] =	stream.indirect.scatter.add.f32 [tilespmem:s24], [sflag:$0x3], $0x80, s14, s23, $0xb8;
	[tilespmem:$0x1C400] =	vst v63  }
0x7e: {  	_ =	swait.ge [sflag:s20], $0x4000  }
0x7f: {  	[sflag:s20] =	ssyncset.done $0x0  }
0x80: {  	[sflag:s20] =	ssyncadd.s32 $0xFFFFC000  }
0x81: {  	[tilespmem:s24], [sflag:$0x2] =	stream.indirect.gather [hbm4b:s2+s23], $0x80, s15, s23, $0xb8;
	[tilespmem:$0x1C400] =	vst v63  }
0x82: {  	_ =	swait.ge [sflag:s25], $0x4000  }
0x83: {  	[sflag:s25] =	ssyncset.done $0x0  }
0x84: {  	[sflag:s25] =	ssyncadd.s32 $0xFFFFC000  }
0x85: {  	[spmem:s3] =	stream.indirect.scatter.add.f32 [tilespmem:s19], [sflag:$0x3], $0x80, s16, s23, $0xb8;
	[tilespmem:$0x1C400] =	vst v63  }
0x86: {  	_ =	swait.ge [sflag:s20], $0x4000  }
0x87: {  	[sflag:s20] =	ssyncset.done $0x0  }
0x88: {  	[sflag:s20] =	ssyncadd.s32 $0xFFFFC000  }
0x89: {  	_ =	swait.ge [sflag:s28], $0x4000  }
0x8a: {  	s18 =	rddreg [dreg:$0x9]  }
0x8b: {  	p0 =	sne.s32 s18, $0x1  }
.Ltmp1:
0x8c: {  	[sflag:s28] =	ssyncset.done $0x0;
	(pc) =	sbr.rel @!p0 .LBB2_5-.Ltmp1, $4  }
0x8d: {  	[sflag:s28] =	ssyncadd.s32 $0xFFFFC000  }
0x8e: {  	[spmem:s3] =	stream.indirect.scatter.add.f32 [tilespmem:s24], [sflag:$0x3], $0x80, s5, s23, $0xb8;
	[tilespmem:$0x1C400] =	vst v63  }
0x8f: {  	_ =	swait.ge [sflag:s20], $0x4000  }
0x90: {  	s7 =	sadd.s32 $0xFFFFFFFF, s18;
	s18 =	smov.u32 s9;
	[sflag:s20] =	ssyncset.done $0x0  }
.LBB2_4:
0x91: {  	[sflag:s20] =	ssyncadd.s32 $0xFFFFC000;
	s18 =	sadd.s32 $0x80, s18  }
0x92: {  	[tilespmem:s21], [sflag:$0x3] =	stream.linear.gather [hbm4b:s18+s4], $0x400, $0x38;
	[tilespmem:$0x1C400] =	vst v63  }
0x93: {  	_ =	swait.ge [sflag:s20], $0x400  }
0x94: {  	[sflag:s20] =	ssyncset.done $0x0  }
0x95: {  	s17 =	sadd.s32 $0x80, s17;
	[sflag:s20] =	ssyncadd.s32 $0xFFFFFC00  }
0x96: {  	[tilespmem:s22], [sflag:$0x3] =	stream.linear.gather [hbm4b:s17+s4], $0x400, $0x38;
	[tilespmem:$0x1C400] =	vst v63  }
0x97: {  	_ =	swait.ge [sflag:s20], $0x400  }
0x98: {  	[sflag:s20] =	ssyncset.done $0x0  }
0x99: {  	[sflag:s20] =	ssyncadd.s32 $0xFFFFFC00  }
0x9a: {  	[tilespmem:s19], [sflag:$0x1] =	stream.indirect.gather [hbm4b:s2+s23], $0x80, s21, s23, $0xb8;
	[tilespmem:$0x1C400] =	vst v63  }
0x9b: {  	s10 =	rddreg [dreg:$0x4]  }
0x9c: {  	[tilespmem:s24], [sflag:$0x2] =	stream.indirect.gather [hbm4b:s2+s23], $0x80, s10, s23, $0xb8;
	[tilespmem:$0x1C400] =	vst v63  }
0x9d: {  	_ =	swait.ge [sflag:s25], $0x4000  }
0x9e: {  	[sflag:s25] =	ssyncset.done $0x0  }
0x9f: {  	[sflag:s25] =	ssyncadd.s32 $0xFFFFC000  }
0xa0: {  	[spmem:s3] =	stream.indirect.scatter.add.f32 [tilespmem:s19], [sflag:$0x3], $0x80, s22, s23, $0xb8;
	[tilespmem:$0x1C400] =	vst v63  }
0xa1: {  	_ =	swait.ge [sflag:s20], $0x4000  }
0xa2: {  	[sflag:s20] =	ssyncset.done $0x0  }
0xa3: {  	[sflag:s20] =	ssyncadd.s32 $0xFFFFC000  }
0xa4: {  	[tilespmem:s19], [sflag:$0x1] =	stream.indirect.gather [hbm4b:s2+s23], $0x80, s26, s23, $0xb8;
	[tilespmem:$0x1C400] =	vst v63  }
0xa5: {  	_ =	swait.ge [sflag:s28], $0x4000  }
0xa6: {  	[sflag:s28] =	ssyncset.done $0x0  }
0xa7: {  	[sflag:s28] =	ssyncadd.s32 $0xFFFFC000  }
0xa8: {  	[spmem:s3] =	stream.indirect.scatter.add.f32 [tilespmem:s24], [sflag:$0x3], $0x80, s29, s23, $0xb8;
	[tilespmem:$0x1C400] =	vst v63  }
0xa9: {  	_ =	swait.ge [sflag:s20], $0x4000  }
0xaa: {  	[sflag:s20] =	ssyncset.done $0x0  }
0xab: {  	[sflag:s20] =	ssyncadd.s32 $0xFFFFC000  }
0xac: {  	[tilespmem:s24], [sflag:$0x2] =	stream.indirect.gather [hbm4b:s2+s23], $0x80, s30, s23, $0xb8;
	[tilespmem:$0x1C400] =	vst v63  }
0xad: {  	_ =	swait.ge [sflag:s25], $0x4000  }
0xae: {  	[sflag:s25] =	ssyncset.done $0x0  }
0xaf: {  	[sflag:s25] =	ssyncadd.s32 $0xFFFFC000  }
0xb0: {  	[spmem:s3] =	stream.indirect.scatter.add.f32 [tilespmem:s19], [sflag:$0x3], $0x80, s31, s23, $0xb8;
	[tilespmem:$0x1C400] =	vst v63  }
0xb1: {  	_ =	swait.ge [sflag:s20], $0x4000  }
0xb2: {  	[sflag:s20] =	ssyncset.done $0x0  }
0xb3: {  	[sflag:s20] =	ssyncadd.s32 $0xFFFFC000  }
0xb4: {  	[tilespmem:s19], [sflag:$0x1] =	stream.indirect.gather [hbm4b:s2+s23], $0x80, s0, s23, $0xb8;
	[tilespmem:$0x1C400] =	vst v63  }
0xb5: {  	_ =	swait.ge [sflag:s28], $0x4000  }
0xb6: {  	[sflag:s28] =	ssyncset.done $0x0  }
0xb7: {  	[sflag:s28] =	ssyncadd.s32 $0xFFFFC000  }
0xb8: {  	[spmem:s3] =	stream.indirect.scatter.add.f32 [tilespmem:s24], [sflag:$0x3], $0x80, s1, s23, $0xb8;
	[tilespmem:$0x1C400] =	vst v63  }
0xb9: {  	_ =	swait.ge [sflag:s20], $0x4000  }
0xba: {  	[sflag:s20] =	ssyncset.done $0x0  }
0xbb: {  	[sflag:s20] =	ssyncadd.s32 $0xFFFFC000  }
0xbc: {  	[tilespmem:s24], [sflag:$0x2] =	stream.indirect.gather [hbm4b:s2+s23], $0x80, s11, s23, $0xb8;
	[tilespmem:$0x1C400] =	vst v63  }
0xbd: {  	_ =	swait.ge [sflag:s25], $0x4000  }
0xbe: {  	[sflag:s25] =	ssyncset.done $0x0  }
0xbf: {  	[sflag:s25] =	ssyncadd.s32 $0xFFFFC000  }
0xc0: {  	[spmem:s3] =	stream.indirect.scatter.add.f32 [tilespmem:s19], [sflag:$0x3], $0x80, s12, s23, $0xb8;
	[tilespmem:$0x1C400] =	vst v63  }
0xc1: {  	_ =	swait.ge [sflag:s20], $0x4000  }
0xc2: {  	[sflag:s20] =	ssyncset.done $0x0  }
0xc3: {  	[sflag:s20] =	ssyncadd.s32 $0xFFFFC000  }
0xc4: {  	[tilespmem:s19], [sflag:$0x1] =	stream.indirect.gather [hbm4b:s2+s23], $0x80, s13, s23, $0xb8;
	[tilespmem:$0x1C400] =	vst v63  }
0xc5: {  	_ =	swait.ge [sflag:s28], $0x4000  }
0xc6: {  	[sflag:s28] =	ssyncset.done $0x0  }
0xc7: {  	[sflag:s28] =	ssyncadd.s32 $0xFFFFC000  }
0xc8: {  	[spmem:s3] =	stream.indirect.scatter.add.f32 [tilespmem:s24], [sflag:$0x3], $0x80, s14, s23, $0xb8;
	[tilespmem:$0x1C400] =	vst v63  }
0xc9: {  	_ =	swait.ge [sflag:s20], $0x4000  }
0xca: {  	[sflag:s20] =	ssyncset.done $0x0  }
0xcb: {  	[sflag:s20] =	ssyncadd.s32 $0xFFFFC000  }
0xcc: {  	[tilespmem:s24], [sflag:$0x2] =	stream.indirect.gather [hbm4b:s2+s23], $0x80, s15, s23, $0xb8;
	[tilespmem:$0x1C400] =	vst v63  }
0xcd: {  	_ =	swait.ge [sflag:s25], $0x4000  }
0xce: {  	[sflag:s25] =	ssyncset.done $0x0  }
0xcf: {  	[sflag:s25] =	ssyncadd.s32 $0xFFFFC000  }
0xd0: {  	[spmem:s3] =	stream.indirect.scatter.add.f32 [tilespmem:s19], [sflag:$0x3], $0x80, s16, s23, $0xb8;
	[tilespmem:$0x1C400] =	vst v63  }
0xd1: {  	_ =	swait.ge [sflag:s20], $0x4000  }
0xd2: {  	[sflag:s20] =	ssyncset.done $0x0  }
0xd3: {  	[sflag:s20] =	ssyncadd.s32 $0xFFFFC000  }
0xd4: {  	p0 =	sne.s32 s7, $0x1;
	_ =	swait.ge [sflag:s28], $0x4000  }
.Ltmp2:
0xd5: {  	[sflag:s28] =	ssyncset.done $0x0;
	(pc) =	sbr.rel @p0 .LBB2_4-.Ltmp2, $4  }
0xd6: {  	[sflag:s28] =	ssyncadd.s32 $0xFFFFC000  }
0xd7: {  	[spmem:s3] =	stream.indirect.scatter.add.f32 [tilespmem:s24], [sflag:$0x3], $0x80, s5, s23, $0xb8;
	[tilespmem:$0x1C400] =	vst v63  }
0xd8: {  	_ =	swait.ge [sflag:s20], $0x4000  }
0xd9: {  	s7 =	sadd.s32 $0xFFFFFFFF, s7;
	[sflag:s20] =	ssyncset.done $0x0  }
.LBB2_5:
0xda: {  	[sflag:s20] =	ssyncadd.s32 $0xFFFFC000  }
0xdb: {  	[bflag:$0x0] =	sbarrier.arrive $0xFFFF  }
0xdc: {  	[tilespmem:s19], [sflag:$0x3] =	stream.linear.gather [spmem:s8], $0x4000, $0x38;
	[tilespmem:$0x1C400] =	vst v63  }
0xdd: {  	_ =	swait.ge [sflag:s20], $0x4000  }
0xde: {  	[sflag:s20] =	ssyncset.done $0x0  }
0xdf: {  	s7 =	rddreg [dreg:$0xa];
	[sflag:s20] =	ssyncadd.s32 $0xFFFFC000  }
0xe0: {  	[hbm4b:s7+s4] =	stream.linear.scatter [tilespmem:s19], [sflag:$0x3], $0x4000, $0x38;
	[tilespmem:$0x1C400] =	vst v63  }
0xe1: {  	_ =	swait.ge [sflag:s20], $0x4000  }
0xe2: {  	[sflag:s20] =	ssyncset.done $0x0  }
0xe3: {  	s18 =	smov.u32 s8;
	s8 =	rddreg [dreg:$0x5];
	[sflag:s20] =	ssyncadd.s32 $0xFFFFC000  }
0xe4: {  	[tilespmem:s19], [sflag:$0x3] =	stream.linear.gather [spmem:s8], $0x4000, $0x38;
	[tilespmem:$0x1C400] =	vst v63  }
0xe5: {  	_ =	swait.ge [sflag:s20], $0x4000  }
0xe6: {  	[sflag:s20] =	ssyncset.done $0x0  }
0xe7: {  	s10 =	rddreg [dreg:$0xb];
	[sflag:s20] =	ssyncadd.s32 $0xFFFFC000  }
0xe8: {  	[hbm4b:s10+s4] =	stream.linear.scatter [tilespmem:s19], [sflag:$0x3], $0x4000, $0x38;
	[tilespmem:$0x1C400] =	vst v63  }
0xe9: {  	_ =	swait.ge [sflag:s20], $0x4000  }
0xea: {  	[sflag:s20] =	ssyncset.done $0x0  }
0xeb: {  	s17 =	rddreg [dreg:$0x6];
	[sflag:s20] =	ssyncadd.s32 $0xFFFFC000  }
0xec: {  	[tilespmem:s19], [sflag:$0x3] =	stream.linear.gather [spmem:s17], $0x4000, $0x38;
	[tilespmem:$0x1C400] =	vst v63  }
0xed: {  	_ =	swait.ge [sflag:s20], $0x4000  }
0xee: {  	[sflag:s20] =	ssyncset.done $0x0  }
0xef: {  	s8 =	rddreg [dreg:$0xc];
	[sflag:s20] =	ssyncadd.s32 $0xFFFFC000  }
0xf0: {  	[hbm4b:s8+s4] =	stream.linear.scatter [tilespmem:s19], [sflag:$0x3], $0x4000, $0x38;
	[tilespmem:$0x1C400] =	vst v63  }
0xf1: {  	_ =	swait.ge [sflag:s20], $0x4000  }
0xf2: {  	[sflag:s20] =	ssyncset.done $0x0  }
0xf3: {  	s10 =	rddreg [dreg:$0x7];
	[sflag:s20] =	ssyncadd.s32 $0xFFFFC000  }
0xf4: {  	[tilespmem:s19], [sflag:$0x3] =	stream.linear.gather [spmem:s10], $0x4000, $0x38;
	[tilespmem:$0x1C400] =	vst v63  }
0xf5: {  	_ =	swait.ge [sflag:s20], $0x4000  }
0xf6: {  	[sflag:s20] =	ssyncset.done $0x0  }
0xf7: {  	s17 =	rddreg [dreg:$0xd];
	[sflag:s20] =	ssyncadd.s32 $0xFFFFC000  }
0xf8: {  	[hbm4b:s17+s4] =	stream.linear.scatter [tilespmem:s19], [sflag:$0x3], $0x4000, $0x38;
	[tilespmem:$0x1C400] =	vst v63  }
0xf9: {  	_ =	swait.ge [sflag:s20], $0x4000  }
0xfa: {  	[sflag:s20] =	ssyncset.done $0x0  }
0xfb: {  	s8 =	rddreg [dreg:$0x8];
	[sflag:s20] =	ssyncadd.s32 $0xFFFFC000  }
0xfc: {  	[tilespmem:s19], [sflag:$0x3] =	stream.linear.gather [spmem:s8], $0x3C00, $0x38;
	[tilespmem:$0x1C400] =	vst v63  }
0xfd: {  	_ =	swait.ge [sflag:s20], $0x3C00  }
0xfe: {  	[sflag:s20] =	ssyncset.done $0x0  }
0xff: {  	s10 =	rddreg [dreg:$0xe];
	[sflag:s20] =	ssyncadd.s32 $0xFFFFC400  }
0x100: {  	[hbm4b:s10+s4] =	stream.linear.scatter [tilespmem:s19], [sflag:$0x3], $0x3C00, $0x38;
	[tilespmem:$0x1C400] =	vst v63  }
0x101: {  	_ =	swait.ge [sflag:s20], $0x3C00  }
0x102: {  	s6 =	sadd.s32 $0x1, s6;
	s17 =	rddreg [dreg:$0xf]  }
0x103: {  	p0 =	sne.s32 s6, s17  }
.Ltmp3:
0x104: {  	_ = 	snop;
	(pc) =	sbr.rel @p0 .LBB2_1-.Ltmp3, $3  }
0x105: {  	_ =	sdelay $0x1  }
0x106: {  	[sflag:s20] =	ssyncset.done $0x0  }
0x107: {  	[sflag:s20] =	ssyncadd.s32 $0xFFFFC400  }
0x108: {  	_ =	sfence.sel $0x180000  }
0x109: {  	[bflag:$0x0] =	sbarrier.arrive $0xFFFF  }
0x10a: {  	_ =	strace $0x9000004A  }
0x10b: {  	s0 =	stileid.u32;
	[bflag:$0x2] =	sbarrier.arrive $0xFFFF  }
0x10c: {  	p0 =	sne.s32 s0, $0x0;
	s0 =	rddreg [dreg:$0x3]  }
0x10d: {  	s0 =	sadd.s32 @!p0 $0x100000, s0  }
0x10e: {  	[sflag:s0] =	ssyncadd.tile.s32 @!p0 $0x1;
	_ =	shalt  }
.Lfunc_end2:
_tile_overlayer_lowered:
.L_overlay_start_2:
0x10f: {  	(tag) =	ssettag $0x2  }
0x110: {  	s0 =	rddreg [dreg:$0x0];
	s2 =	stileid.u32  }
0x111: {  	s1 =	rddreg [dreg:$0x1];
	p0 =	sne.s32 s2, $0x0  }
0x112: {  	s3 =	rddreg [dreg:$0x2];
	[bflag:$0x3] =	sbarrier.arrive $0xFFFF;
	s2 =	simm.s32 @!p0 $0x1C03  }
0x113: {  	[timem:s3], [sflag:s2] =	dma.local @!p0 [hbm:s0], s1  }
0x114: {  	s0 =	simm.s32 @!p0 $0x3  }
0x115: {  	_ =	swait.ge @!p0 [sflag:s0], s1  }
0x116: {  	s1 =	ssub.s32 @!p0 $0x0, s1;
	[sflag:s0] =	ssyncset.done @!p0 $0x0  }
0x117: {  	[sflag:s0] =	ssyncadd.s32 @!p0 s1  }
0x118: {  	[bflag:$0x3] =	sbarrier.arrive $0xFFFF  }
0x119: {  	_ =	shalt  }

</sc_bundles>
